<compile_context>
chip_gen: v7x
topology: tpu7x:2x2x1
jax: 0.10.2.dev20260603
libtpu: 0.0.44.dev20260713+nightly
codegen_flags: <defaults>
</compile_context>

<pallas_src>
import functools

import jax
import jax.numpy as jnp
from jax import lax
from jax.experimental import pallas as pl
from jax.experimental.pallas import tpu as pltpu
from jax.experimental.pallas import tpu_sc as plsc

_B = 8
_N = 2048
_D = 128
_NODES = _B * _N
_THR = 0.7
_RB = 512
_NBLK = 16
_BLK = _NODES // _NBLK
_NC, _NS = 2, 16
_EPW = _NODES // (_NC * _NS)
_HALF = _NODES // _NC
_TRASH = _HALF
_IC = 128
_F32 = jnp.float32


def _edges_body(d_ref, W_ref, ts_ref, dis_ref, hd_ref):
    b = pl.program_id(0)
    X = d_ref[0]
    nchunks = _N // _RB
    ones_rb = jnp.ones((_RB, 1), _F32)
    ones_n = jnp.ones((_N, 1), _F32)
    iota_n = lax.broadcasted_iota(jnp.int32, (_N, 1), 0).astype(_F32)
    off = (b % (_B // _NC)) * _N

    colp1 = (lax.broadcasted_iota(jnp.int32, (_RB, _N), 1) + 1).astype(_F32)

    def chunk(k, deg_acc):
        Xc = d_ref[0, pl.ds(k * _RB, _RB), :]
        S = lax.dot_general(Xc, X, (((1,), (1,)), ((), ())),
                            preferred_element_type=_F32)
        m = jnp.max(S, axis=1, keepdims=True)
        E = jnp.exp(S - m)
        sm = jnp.sum(E, axis=1, keepdims=True)
        maskf = (E > _THR * sm).astype(_F32)
        amf = jnp.max(maskf * colp1, axis=1)
        ts = jnp.where(amf > 0.5, amf.astype(jnp.int32) - 1 + off, _TRASH)
        ts_ref[0, 0, pl.ds(k * _RB, _RB)] = ts
        return deg_acc + jnp.sum(maskf, axis=0)

    deg = lax.fori_loop(0, nchunks, chunk, jnp.zeros((_N,), _F32))
    dis = lax.rsqrt(1.0 + jnp.transpose(deg.reshape(1, _N)))
    dis_ref[...] = dis
    h = jnp.dot(X, W_ref[...], preferred_element_type=_F32)
    hd_ref[...] = h * dis


_edges = pl.pallas_call(
    _edges_body,
    grid=(_B,),
    in_specs=[
        pl.BlockSpec((1, _N, _D), lambda b: (b, 0, 0)),
        pl.BlockSpec((_D, _D), lambda b: (0, 0)),
    ],
    out_specs=[
        pl.BlockSpec((1, 1, _N), lambda b: (b, 0, 0)),
        pl.BlockSpec((_N, 1), lambda b: (b, 0)),
        pl.BlockSpec((_N, _D), lambda b: (b, 0)),
    ],
    out_shape=[
        jax.ShapeDtypeStruct((_B, 1, _N), jnp.int32),
        jax.ShapeDtypeStruct((_NODES, 1), _F32),
        jax.ShapeDtypeStruct((_NODES, _D), _F32),
    ],
)


def _scatter_body(hd_hbm, ts_hbm, out_hbm, shared, buf0, buf1, idx_v,
                  sem_i, sem0, sem1):
    c = lax.axis_index("c")
    s = lax.axis_index("s")
    base = c * _HALF + s * _EPW
    nch = _EPW // _IC
    bufs = (buf0, buf1)
    sems = (sem0, sem1)
    init = pltpu.async_copy(hd_hbm.at[pl.ds(base, _EPW)],
                            shared.at[pl.ds(s * _EPW, _EPW)], sem_i)
    wid = c * _NS + s
    pltpu.sync_copy(ts_hbm.at[pl.ds(wid * nch, nch)], idx_v)
    gathers = [pltpu.async_copy(hd_hbm.at[pl.ds(base, _IC)], buf0, sem0)]
    init.wait()
    plsc.subcore_barrier()
    for j in range(nch):
        gathers[j].wait()
        if j + 1 < nch:
            gathers.append(
                pltpu.async_copy(hd_hbm.at[pl.ds(base + (j + 1) * _IC, _IC)],
                                 bufs[(j + 1) % 2], sems[(j + 1) % 2]))
        pltpu.sync_copy(bufs[j % 2], shared.at[idx_v.at[j]], add=True)
    plsc.subcore_barrier()
    pltpu.sync_copy(shared.at[pl.ds(s * _EPW, _EPW)],
                    out_hbm.at[pl.ds(base, _EPW)])


@functools.cache
def _get_scatter():
    return pl.kernel(
        _scatter_body,
        out_type=jax.ShapeDtypeStruct((_NODES, _D), _F32),
        mesh=plsc.VectorSubcoreMesh(core_axis_name="c", subcore_axis_name="s",
                                    num_cores=_NC, num_subcores=_NS),
        scratch_types=[
            pltpu.VMEM_SHARED((_HALF + 16, _D), _F32),
            pltpu.VMEM((_IC, _D), _F32),
            pltpu.VMEM((_IC, _D), _F32),
            pltpu.VMEM((_EPW // _IC, _IC), jnp.int32),
            pltpu.SemaphoreType.DMA,
            pltpu.SemaphoreType.DMA,
            pltpu.SemaphoreType.DMA,
        ],
    )


def _scatter(hd, ts):
    return _get_scatter()(hd, ts)


def _msg_norm(h, x_norm, s):
    hn = jnp.sqrt(jnp.sum(h * h, axis=1, keepdims=True))
    return h / jnp.maximum(hn, 1e-12) * x_norm * s


def _accum_stats(i, st_ref, f):
    @pl.when(i == 0)
    def _():
        st_ref[...] = jnp.zeros_like(st_ref)

    st_ref[0:1, :] += jnp.sum(f, axis=0, keepdims=True)
    st_ref[1:2, :] += jnp.sum(f * f, axis=0, keepdims=True)


def _gn_apply(f, st_ref, gw_ref, gb_ref, gm_ref):
    inv_n = 1.0 / _NODES
    mean = st_ref[0:1, :] * inv_n
    mm = mean * gm_ref[...]
    var = st_ref[1:2, :] * inv_n - 2.0 * mm * mean + mm * mm
    o = f - mm
    g = gw_ref[...] * o * lax.rsqrt(var + 1e-5) + gb_ref[...]
    return 0.5 * g * (1.0 + lax.erf(g * 0.7071067811865476))


def _post1a_body(x_ref, agg_ref, dis_ref, b_ref, s_ref, f_ref, st_ref):
    i = pl.program_id(0)
    h = dis_ref[...] * agg_ref[...] + b_ref[...]
    x = x_ref[...]
    xn = jnp.sqrt(jnp.sum(x * x, axis=1, keepdims=True))
    f = _msg_norm(h, xn, s_ref[...]) + x
    f_ref[...] = f
    _accum_stats(i, st_ref, f)


_post1a = pl.pallas_call(
    _post1a_body,
    grid=(_NBLK,),
    in_specs=[
        pl.BlockSpec((_BLK, _D), lambda i: (i, 0)),
        pl.BlockSpec((_BLK, _D), lambda i: (i, 0)),
        pl.BlockSpec((_BLK, 1), lambda i: (i, 0)),
        pl.BlockSpec((1, _D), lambda i: (0, 0)),
        pl.BlockSpec((1, 1), lambda i: (0, 0)),
    ],
    out_specs=[
        pl.BlockSpec((_BLK, _D), lambda i: (i, 0)),
        pl.BlockSpec((8, _D), lambda i: (0, 0)),
    ],
    out_shape=[
        jax.ShapeDtypeStruct((_NODES, _D), _F32),
        jax.ShapeDtypeStruct((8, _D), _F32),
    ],
)


def _post1b_body(f_ref, st_ref, gw_ref, gb_ref, gm_ref, W_ref, dis_ref,
                 hd_ref):
    g = _gn_apply(f_ref[...], st_ref, gw_ref, gb_ref, gm_ref)
    h = jnp.dot(g, W_ref[...], preferred_element_type=_F32)
    hd_ref[...] = h * dis_ref[...]


_post1b = pl.pallas_call(
    _post1b_body,
    grid=(_NBLK,),
    in_specs=[
        pl.BlockSpec((_BLK, _D), lambda i: (i, 0)),
        pl.BlockSpec((8, _D), lambda i: (0, 0)),
        pl.BlockSpec((1, _D), lambda i: (0, 0)),
        pl.BlockSpec((1, _D), lambda i: (0, 0)),
        pl.BlockSpec((1, _D), lambda i: (0, 0)),
        pl.BlockSpec((_D, _D), lambda i: (0, 0)),
        pl.BlockSpec((_BLK, 1), lambda i: (i, 0)),
    ],
    out_specs=pl.BlockSpec((_BLK, _D), lambda i: (i, 0)),
    out_shape=jax.ShapeDtypeStruct((_NODES, _D), _F32),
)


def _post2a_body(x_ref, fp_ref, st1_ref, gw_ref, gb_ref, gm_ref, agg_ref,
                 dis_ref, b_ref, s2_ref, s3_ref, out_ref, st_ref):
    i = pl.program_id(0)
    f = _gn_apply(fp_ref[...], st1_ref, gw_ref, gb_ref, gm_ref)
    h2 = dis_ref[...] * agg_ref[...] + b_ref[...]
    fn = jnp.sqrt(jnp.sum(f * f, axis=1, keepdims=True))
    f2 = _msg_norm(h2, fn, s2_ref[...]) + f
    x = x_ref[...]
    xn = jnp.sqrt(jnp.sum(x * x, axis=1, keepdims=True))
    op = _msg_norm(f2, xn, s3_ref[...]) + x
    out_ref[...] = op
    _accum_stats(i, st_ref, op)


_post2a = pl.pallas_call(
    _post2a_body,
    grid=(_NBLK,),
    in_specs=[
        pl.BlockSpec((_BLK, _D), lambda i: (i, 0)),
        pl.BlockSpec((_BLK, _D), lambda i: (i, 0)),
        pl.BlockSpec((8, _D), lambda i: (0, 0)),
        pl.BlockSpec((1, _D), lambda i: (0, 0)),
        pl.BlockSpec((1, _D), lambda i: (0, 0)),
        pl.BlockSpec((1, _D), lambda i: (0, 0)),
        pl.BlockSpec((_BLK, _D), lambda i: (i, 0)),
        pl.BlockSpec((_BLK, 1), lambda i: (i, 0)),
        pl.BlockSpec((1, _D), lambda i: (0, 0)),
        pl.BlockSpec((1, 1), lambda i: (0, 0)),
        pl.BlockSpec((1, 1), lambda i: (0, 0)),
    ],
    out_specs=[
        pl.BlockSpec((_BLK, _D), lambda i: (i, 0)),
        pl.BlockSpec((8, _D), lambda i: (0, 0)),
    ],
    out_shape=[
        jax.ShapeDtypeStruct((_NODES, _D), _F32),
        jax.ShapeDtypeStruct((8, _D), _F32),
    ],
)


def _post2b_next_body(p_ref, st_ref, gw_ref, gb_ref, gm_ref, W_ref, dis_ref,
                      hd_ref):
    g = _gn_apply(p_ref[...], st_ref, gw_ref, gb_ref, gm_ref)
    h = jnp.dot(g, W_ref[...], preferred_element_type=_F32)
    hd_ref[...] = h * dis_ref[...]


_post2b_next = pl.pallas_call(
    _post2b_next_body,
    grid=(_NBLK,),
    in_specs=[
        pl.BlockSpec((_BLK, _D), lambda i: (i, 0)),
        pl.BlockSpec((8, _D), lambda i: (0, 0)),
        pl.BlockSpec((1, _D), lambda i: (0, 0)),
        pl.BlockSpec((1, _D), lambda i: (0, 0)),
        pl.BlockSpec((1, _D), lambda i: (0, 0)),
        pl.BlockSpec((_D, _D), lambda i: (0, 0)),
        pl.BlockSpec((_BLK, 1), lambda i: (i, 0)),
    ],
    out_specs=pl.BlockSpec((_BLK, _D), lambda i: (i, 0)),
    out_shape=jax.ShapeDtypeStruct((_NODES, _D), _F32),
)


def _post1a_r_body(p_ref, stp_ref, pw_ref, pb_ref, pm_ref, agg_ref, dis_ref,
                   b_ref, s_ref, f_ref, st_ref):
    i = pl.program_id(0)
    x = _gn_apply(p_ref[...], stp_ref, pw_ref, pb_ref, pm_ref)
    h = dis_ref[...] * agg_ref[...] + b_ref[...]
    xn = jnp.sqrt(jnp.sum(x * x, axis=1, keepdims=True))
    f = _msg_norm(h, xn, s_ref[...]) + x
    f_ref[...] = f
    _accum_stats(i, st_ref, f)


_post1a_r = pl.pallas_call(
    _post1a_r_body,
    grid=(_NBLK,),
    in_specs=[
        pl.BlockSpec((_BLK, _D), lambda i: (i, 0)),
        pl.BlockSpec((8, _D), lambda i: (0, 0)),
        pl.BlockSpec((1, _D), lambda i: (0, 0)),
        pl.BlockSpec((1, _D), lambda i: (0, 0)),
        pl.BlockSpec((1, _D), lambda i: (0, 0)),
        pl.BlockSpec((_BLK, _D), lambda i: (i, 0)),
        pl.BlockSpec((_BLK, 1), lambda i: (i, 0)),
        pl.BlockSpec((1, _D), lambda i: (0, 0)),
        pl.BlockSpec((1, 1), lambda i: (0, 0)),
    ],
    out_specs=[
        pl.BlockSpec((_BLK, _D), lambda i: (i, 0)),
        pl.BlockSpec((8, _D), lambda i: (0, 0)),
    ],
    out_shape=[
        jax.ShapeDtypeStruct((_NODES, _D), _F32),
        jax.ShapeDtypeStruct((8, _D), _F32),
    ],
)


def _post2a_r_body(p_ref, stp_ref, pw_ref, pb_ref, pm_ref, fp_ref, st1_ref,
                   gw_ref, gb_ref, gm_ref, agg_ref, dis_ref, b_ref, s2_ref,
                   s3_ref, out_ref, st_ref):
    i = pl.program_id(0)
    x = _gn_apply(p_ref[...], stp_ref, pw_ref, pb_ref, pm_ref)
    f = _gn_apply(fp_ref[...], st1_ref, gw_ref, gb_ref, gm_ref)
    h2 = dis_ref[...] * agg_ref[...] + b_ref[...]
    fn = jnp.sqrt(jnp.sum(f * f, axis=1, keepdims=True))
    f2 = _msg_norm(h2, fn, s2_ref[...]) + f
    xn = jnp.sqrt(jnp.sum(x * x, axis=1, keepdims=True))
    op = _msg_norm(f2, xn, s3_ref[...]) + x
    out_ref[...] = op
    _accum_stats(i, st_ref, op)


_post2a_r = pl.pallas_call(
    _post2a_r_body,
    grid=(_NBLK,),
    in_specs=[
        pl.BlockSpec((_BLK, _D), lambda i: (i, 0)),
        pl.BlockSpec((8, _D), lambda i: (0, 0)),
        pl.BlockSpec((1, _D), lambda i: (0, 0)),
        pl.BlockSpec((1, _D), lambda i: (0, 0)),
        pl.BlockSpec((1, _D), lambda i: (0, 0)),
        pl.BlockSpec((_BLK, _D), lambda i: (i, 0)),
        pl.BlockSpec((8, _D), lambda i: (0, 0)),
        pl.BlockSpec((1, _D), lambda i: (0, 0)),
        pl.BlockSpec((1, _D), lambda i: (0, 0)),
        pl.BlockSpec((1, _D), lambda i: (0, 0)),
        pl.BlockSpec((_BLK, _D), lambda i: (i, 0)),
        pl.BlockSpec((_BLK, 1), lambda i: (i, 0)),
        pl.BlockSpec((1, _D), lambda i: (0, 0)),
        pl.BlockSpec((1, 1), lambda i: (0, 0)),
        pl.BlockSpec((1, 1), lambda i: (0, 0)),
    ],
    out_specs=[
        pl.BlockSpec((_BLK, _D), lambda i: (i, 0)),
        pl.BlockSpec((8, _D), lambda i: (0, 0)),
    ],
    out_shape=[
        jax.ShapeDtypeStruct((_NODES, _D), _F32),
        jax.ShapeDtypeStruct((8, _D), _F32),
    ],
)


def _post2b_body(p_ref, st_ref, gw_ref, gb_ref, gm_ref, out_ref):
    out_ref[...] = _gn_apply(p_ref[...], st_ref, gw_ref, gb_ref, gm_ref)


_post2b = pl.pallas_call(
    _post2b_body,
    grid=(_NBLK,),
    in_specs=[
        pl.BlockSpec((_BLK, _D), lambda i: (i, 0)),
        pl.BlockSpec((8, _D), lambda i: (0, 0)),
        pl.BlockSpec((1, _D), lambda i: (0, 0)),
        pl.BlockSpec((1, _D), lambda i: (0, 0)),
        pl.BlockSpec((1, _D), lambda i: (0, 0)),
    ],
    out_specs=pl.BlockSpec((_BLK, _D), lambda i: (i, 0)),
    out_shape=jax.ShapeDtypeStruct((_NODES, _D), _F32),
)


@jax.jit
def kernel(data, W1, b1, s1, gn1_w, gn1_b, gn1_ms, W2, b2, s2, s3,
           gn3_w, gn3_b, gn3_ms):
    x = data.reshape(_NODES, _D)
    tsc, dis, hd = _edges(data, W1[0])
    ts = tsc.reshape(_NODES // _IC, _IC)

    r1 = lambda a: a.reshape(1, _D)
    rs = lambda a: a.reshape(1, 1)

    agg = _scatter(hd, ts)
    f_pre, st = _post1a(x, agg, dis, r1(b1[0]), rs(s1[0]))
    hd = _post1b(f_pre, st, r1(gn1_w[0]), r1(gn1_b[0]), r1(gn1_ms[0]),
                 W2[0], dis)
    agg2 = _scatter(hd, ts)
    op, st2 = _post2a(x, f_pre, st, r1(gn1_w[0]), r1(gn1_b[0]),
                      r1(gn1_ms[0]), agg2, dis, r1(b2[0]), rs(s2[0]),
                      rs(s3[0]))
    hd = _post2b_next(op, st2, r1(gn3_w[0]), r1(gn3_b[0]), r1(gn3_ms[0]),
                      W1[1], dis)

    agg = _scatter(hd, ts)
    f_pre2, stb = _post1a_r(op, st2, r1(gn3_w[0]), r1(gn3_b[0]),
                            r1(gn3_ms[0]), agg, dis, r1(b1[1]), rs(s1[1]))
    hd = _post1b(f_pre2, stb, r1(gn1_w[1]), r1(gn1_b[1]), r1(gn1_ms[1]),
                 W2[1], dis)
    agg2 = _scatter(hd, ts)
    op2, st3 = _post2a_r(op, st2, r1(gn3_w[0]), r1(gn3_b[0]), r1(gn3_ms[0]),
                         f_pre2, stb, r1(gn1_w[1]), r1(gn1_b[1]),
                         r1(gn1_ms[1]), agg2, dis, r1(b2[1]), rs(s2[1]),
                         rs(s3[1]))
    return _post2b(op2, st3, r1(gn3_w[1]), r1(gn3_b[1]), r1(gn3_ms[1]))

# --- scband reference (transcript-rebuilt; emitter-appended) ---
"""Pipeline reference for scband-gcn-46892452938043 (READ-ONLY COPY).

The authoritative reference and input builder live on the scoring server;
editing this copy changes nothing except your own understanding.
"""

import jax, jax.numpy as jnp
import numpy as np

INPUT_DIM = 128
HIDDEN_DIM = 128
LAYERS = 2
THRESHOLD = 0.7
B, N = 8, 2048


def setup_inputs(seed: int = 0):
    key = jax.random.key(seed)
    ks = jax.random.split(key, 4)
    data = jax.random.normal(ks[0], (B, N, INPUT_DIM), dtype=jnp.float32)

    def glorot(k, shape):
        lim = float(np.sqrt(6.0 / (shape[-2] + shape[-1])))
        return jax.random.uniform(k, shape, minval=-lim, maxval=lim, dtype=jnp.float32)

    return {
        "data": data,
        "W1": glorot(ks[1], (LAYERS, INPUT_DIM, HIDDEN_DIM)),
        "b1": jnp.zeros((LAYERS, HIDDEN_DIM), jnp.float32),
        "s1": jnp.ones((LAYERS,), jnp.float32),
        "gn1_w": jnp.ones((LAYERS, HIDDEN_DIM), jnp.float32),
        "gn1_b": jnp.zeros((LAYERS, HIDDEN_DIM), jnp.float32),
        "gn1_ms": jnp.ones((LAYERS, HIDDEN_DIM), jnp.float32),
        "W2": glorot(ks[2], (LAYERS, HIDDEN_DIM, INPUT_DIM)),
        "b2": jnp.zeros((LAYERS, INPUT_DIM), jnp.float32),
        "s2": jnp.ones((LAYERS,), jnp.float32),
        "s3": jnp.ones((LAYERS,), jnp.float32),
        "gn3_w": jnp.ones((LAYERS, INPUT_DIM), jnp.float32),
        "gn3_b": jnp.zeros((LAYERS, INPUT_DIM), jnp.float32),
        "gn3_ms": jnp.ones((LAYERS, INPUT_DIM), jnp.float32),
    }


def _gcn_conv(x, row, col, edge_w, num_nodes, W, b):
    # PyG GCNConv: add self loops, symmetric deg normalization, aggregate at col (target)
    loop = jnp.arange(num_nodes, dtype=row.dtype)
    r = jnp.concatenate([row, loop])
    c = jnp.concatenate([col, loop])
    ew = jnp.concatenate([edge_w, jnp.ones(num_nodes, dtype=x.dtype)])
    deg = jnp.zeros((num_nodes,), dtype=x.dtype).at[c].add(ew)
    dis = jnp.where(deg > 0, deg ** -0.5, 0.0)
    norm = dis[r] * dis[c] * ew
    h = x @ W
    out = jnp.zeros_like(h).at[c].add(h[r] * norm[:, None])
    return out + b


def _message_norm(x, msg, scale):
    # PyG MessageNorm(learn_scale=True), p=2
    mn = msg / jnp.maximum(jnp.linalg.norm(msg, axis=-1, keepdims=True), 1e-12)
    xn = jnp.linalg.norm(x, axis=-1, keepdims=True)
    return mn * xn * scale


def _graph_norm(x, w, bgn, ms, eps=1e-5):
    # PyG GraphNorm with batch=None (called through nn.Sequential): single segment
    mean = jnp.mean(x, axis=0, keepdims=True)
    out = x - mean * ms
    var = jnp.mean(out * out, axis=0, keepdims=True)
    return w * out / jnp.sqrt(var + eps) + bgn


def _gcn_ffn(X, row, col, edge_w, num_nodes, W1, b1, s1, g1w, g1b, g1m, W2, b2, s2, s3, g3w, g3b, g3m):
    # GCNChain(norm=True)
    h = _gcn_conv(X, row, col, edge_w, num_nodes, W1, b1)
    f = _message_norm(X, h, s1) + X
    f = jax.nn.gelu(_graph_norm(f, g1w, g1b, g1m), approximate=False)
    # GCNChain(norm=False)
    h2 = _gcn_conv(f, row, col, edge_w, num_nodes, W2, b2)
    f = _message_norm(f, h2, s2) + f
    # outer MessageNorm + GraphNorm + GELU
    out = _message_norm(X, f, s3) + X
    return jax.nn.gelu(_graph_norm(out, g3w, g3b, g3m), approximate=False)


def reference(data, W1, b1, s1, gn1_w, gn1_b, gn1_ms, W2, b2, s2, s3, gn3_w, gn3_b, gn3_ms):
    Bn, Nn, D = data.shape
    # pre_process: per-graph cosine-similarity softmax, threshold, dense_to_sparse, batch with offsets
    sim = jax.nn.softmax(jnp.einsum('bnd,bmd->bnm', data, data), axis=-1)
    # softmax rows sum to 1 and THRESHOLD > 0.5, so at most one entry per (b, n)
    # row exceeds THRESHOLD: the edge count is bounded by Bn * Nn.
    mask = sim > THRESHOLD
    max_edges = Bn * Nn
    bi, ri, ci = jnp.nonzero(mask, size=max_edges, fill_value=0)
    edge_w = (jnp.arange(max_edges) < jnp.count_nonzero(mask)).astype(data.dtype)
    row = (bi * Nn + ri).astype(jnp.int32)
    col = (bi * Nn + ci).astype(jnp.int32)
    x = data.reshape(Bn * Nn, D)
    num_nodes = Bn * Nn
    for l in range(LAYERS):
        x = _gcn_ffn(x, row, col, edge_w, num_nodes, W1[l], b1[l], s1[l], gn1_w[l], gn1_b[l], gn1_ms[l], W2[l], b2[l], s2[l], s3[l], gn3_w[l], gn3_b[l], gn3_ms[l])
    return x

if __name__ == "__main__":
    import jax
    _d = setup_inputs()
    print(jax.jit(kernel)(*tuple(_d.values())))

</pallas_src>

<mosaic_0001>
#map = affine_map<(d0, d1) -> (0, 0)>
module attributes {stable_mosaic.version = 14 : i64} {
  func.func @_scatter_body(%arg0: i32, %arg1: i32, %arg2: memref<16384x128xf32, #tpu.memory_space<hbm>>, %arg3: memref<128x128xi32, #tpu.memory_space<hbm>>, %arg4: memref<16384x128xf32, #tpu.memory_space<hbm>>, %arg5: memref<8208x128xf32, #tpu.memory_space<vmem_shared>>, %arg6: memref<128x128xf32, #tpu.memory_space<vmem>>, %arg7: memref<128x128xf32, #tpu.memory_space<vmem>>, %arg8: memref<4x128xi32, #tpu.memory_space<vmem>>, %arg9: memref<!tpu.dma_semaphore, #tpu.memory_space<semaphore_mem>>, %arg10: memref<!tpu.dma_semaphore, #tpu.memory_space<semaphore_mem>>, %arg11: memref<!tpu.dma_semaphore, #tpu.memory_space<semaphore_mem>>) attributes {dimension_semantics = [#tpu.dimension_semantics<core_parallel>, #tpu.dimension_semantics<subcore_parallel>], iteration_bounds = array<i64: 2, 16>, scalar_prefetch = 0 : i64, scratch_operands = 7 : i64, tpu.core_type = #tpu.core_type<sc_vector_subcore>, window_params = [{transform_indices = #map}, {transform_indices = #map}, {transform_indices = #map}]} {
    %mul3A = arith.constant 8192 : i32
    %mul3A_0 = arith.muli %arg0, %mul3A : i32
    %mul3A_1 = arith.constant 512 : i32
    %mul3A_2 = arith.muli %arg1, %mul3A_1 : i32
    %add3A = arith.addi %mul3A_0, %mul3A_2 : i32
    %mul3A_3 = arith.constant 512 : i32
    %mul3A_4 = arith.muli %arg1, %mul3A_3 : i32
    %dma_start3A = arith.constant 0 : i32
    %dma_start3A_5 = tpu.memref_slice %arg5[%mul3A_4, %dma_start3A] : memref<8208x128xf32, #tpu.memory_space<vmem_shared>> -> memref<512x128xf32, #tpu.memory_space<vmem_shared>>
    %dma_start3A_6 = arith.constant 0 : i32
    %dma_start3A_7 = tpu.memref_slice %arg2[%add3A, %dma_start3A_6] : memref<16384x128xf32, #tpu.memory_space<hbm>> -> memref<512x128xf32, #tpu.memory_space<hbm>>
    tpu.enqueue_dma source(%dma_start3A_7 : memref<512x128xf32, #tpu.memory_space<hbm>>) target(%dma_start3A_5 : memref<512x128xf32, #tpu.memory_space<vmem_shared>>) target_semaphore(%arg9 : memref<!tpu.dma_semaphore, #tpu.memory_space<semaphore_mem>>)
    %mul3A_8 = arith.constant 16 : i32
    %mul3A_9 = arith.muli %arg0, %mul3A_8 : i32
    %add3A_10 = arith.addi %mul3A_9, %arg1 : i32
    %mul3A_11 = arith.constant 4 : i32
    %mul3A_12 = arith.muli %add3A_10, %mul3A_11 : i32
    "tpu.region"() ({
      %run_scoped3A_60 = tpu.sem_alloc : memref<!tpu.dma_semaphore, #tpu.memory_space<semaphore_mem>>
      %dma_start3A_61 = arith.constant 0 : i32
      %dma_start3A_62 = tpu.memref_slice %arg3[%mul3A_12, %dma_start3A_61] : memref<128x128xi32, #tpu.memory_space<hbm>> -> memref<4x128xi32, #tpu.memory_space<hbm>>
      %dma_start3A_63 = arith.constant 0 : i32
      %dma_start3A_64 = tpu.memref_slice %arg3[%mul3A_12, %dma_start3A_63] : memref<128x128xi32, #tpu.memory_space<hbm>> -> memref<4x128xi32, #tpu.memory_space<hbm>>
      tpu.enqueue_dma source(%dma_start3A_64 : memref<4x128xi32, #tpu.memory_space<hbm>>) target(%arg8 : memref<4x128xi32, #tpu.memory_space<vmem>>) target_semaphore(%run_scoped3A_60 : memref<!tpu.dma_semaphore, #tpu.memory_space<semaphore_mem>>)
      %dma_wait3A_65 = arith.constant 0 : i32
      %dma_wait3A_66 = tpu.memref_slice %arg3[%mul3A_12, %dma_wait3A_65] : memref<128x128xi32, #tpu.memory_space<hbm>> -> memref<4x128xi32, #tpu.memory_space<hbm>>
      %dma_wait3A_67 = arith.constant 0 : i32
      %dma_wait3A_68 = tpu.memref_slice %arg3[%mul3A_12, %dma_wait3A_67] : memref<128x128xi32, #tpu.memory_space<hbm>> -> memref<4x128xi32, #tpu.memory_space<hbm>>
      tpu.wait_dma2 semaphore(%run_scoped3A_60 : memref<!tpu.dma_semaphore, #tpu.memory_space<semaphore_mem>>) src(%dma_wait3A_68 : memref<4x128xi32, #tpu.memory_space<hbm>>) dst(%arg8 : memref<4x128xi32, #tpu.memory_space<vmem>>)
      tpu.yield
    }) : () -> ()
    %dma_start3A_13 = arith.constant 0 : i32
    %dma_start3A_14 = tpu.memref_slice %arg2[%add3A, %dma_start3A_13] : memref<16384x128xf32, #tpu.memory_space<hbm>> -> memref<128x128xf32, #tpu.memory_space<hbm>>
    %dma_start3A_15 = arith.constant 0 : i32
    %dma_start3A_16 = tpu.memref_slice %arg2[%add3A, %dma_start3A_15] : memref<16384x128xf32, #tpu.memory_space<hbm>> -> memref<128x128xf32, #tpu.memory_space<hbm>>
    tpu.enqueue_dma source(%dma_start3A_16 : memref<128x128xf32, #tpu.memory_space<hbm>>) target(%arg6 : memref<128x128xf32, #tpu.memory_space<vmem>>) target_semaphore(%arg10 : memref<!tpu.dma_semaphore, #tpu.memory_space<semaphore_mem>>)
    %dma_wait3A = arith.constant 0 : i32
    %dma_wait3A_17 = tpu.memref_slice %arg5[%mul3A_4, %dma_wait3A] : memref<8208x128xf32, #tpu.memory_space<vmem_shared>> -> memref<512x128xf32, #tpu.memory_space<vmem_shared>>
    %dma_wait3A_18 = arith.constant 0 : i32
    %dma_wait3A_19 = tpu.memref_slice %arg2[%add3A, %dma_wait3A_18] : memref<16384x128xf32, #tpu.memory_space<hbm>> -> memref<512x128xf32, #tpu.memory_space<hbm>>
    tpu.wait_dma2 semaphore(%arg9 : memref<!tpu.dma_semaphore, #tpu.memory_space<semaphore_mem>>) src(%dma_wait3A_19 : memref<512x128xf32, #tpu.memory_space<hbm>>) dst(%dma_wait3A_17 : memref<512x128xf32, #tpu.memory_space<vmem_shared>>)
    %barrier3A = arith.constant 0 : index
    tpu.barrier barrier_id(%barrier3A)
    %dma_wait3A_20 = arith.constant 0 : i32
    %dma_wait3A_21 = tpu.memref_slice %arg2[%add3A, %dma_wait3A_20] : memref<16384x128xf32, #tpu.memory_space<hbm>> -> memref<128x128xf32, #tpu.memory_space<hbm>>
    %dma_wait3A_22 = arith.constant 0 : i32
    %dma_wait3A_23 = tpu.memref_slice %arg2[%add3A, %dma_wait3A_22] : memref<16384x128xf32, #tpu.memory_space<hbm>> -> memref<128x128xf32, #tpu.memory_space<hbm>>
    tpu.wait_dma2 semaphore(%arg10 : memref<!tpu.dma_semaphore, #tpu.memory_space<semaphore_mem>>) src(%dma_wait3A_23 : memref<128x128xf32, #tpu.memory_space<hbm>>) dst(%arg6 : memref<128x128xf32, #tpu.memory_space<vmem>>)
    %add3A_24 = arith.constant 128 : i32
    %add3A_25 = arith.addi %add3A, %add3A_24 : i32
    %dma_start3A_26 = arith.constant 0 : i32
    %dma_start3A_27 = tpu.memref_slice %arg2[%add3A_25, %dma_start3A_26] : memref<16384x128xf32, #tpu.memory_space<hbm>> -> memref<128x128xf32, #tpu.memory_space<hbm>>
    %dma_start3A_28 = arith.constant 0 : i32
    %dma_start3A_29 = tpu.memref_slice %arg2[%add3A_25, %dma_start3A_28] : memref<16384x128xf32, #tpu.memory_space<hbm>> -> memref<128x128xf32, #tpu.memory_space<hbm>>
    tpu.enqueue_dma source(%dma_start3A_29 : memref<128x128xf32, #tpu.memory_space<hbm>>) target(%arg7 : memref<128x128xf32, #tpu.memory_space<vmem>>) target_semaphore(%arg11 : memref<!tpu.dma_semaphore, #tpu.memory_space<semaphore_mem>>)
    %run_scoped3A = arith.constant 0 : i32
    "tpu.region"() ({
      %run_scoped3A_60 = tpu.sem_alloc : memref<!tpu.dma_semaphore, #tpu.memory_space<semaphore_mem>>
      %dma_start3A_61 = arith.constant 0 : i32
      %dma_start3A_62 = tpu.memref_slice %arg8[%run_scoped3A, %dma_start3A_61] : memref<4x128xi32, #tpu.memory_space<vmem>> -> memref<1x128xi32, #tpu.memory_space<vmem>>
      %dma_start3A_63 = tpu.memref_squeeze %dma_start3A_62 : memref<1x128xi32, #tpu.memory_space<vmem>> -> memref<128xi32, #tpu.memory_space<vmem>>
      %dma_start3A_64 = arith.constant 0 : i32
      %dma_start3A_65 = arith.constant 0 : i32
      %dma_start3A_66 = tpu.memref_slice %arg5[%dma_start3A_64, %dma_start3A_65] : memref<8208x128xf32, #tpu.memory_space<vmem_shared>> -> memref<8208x128xf32, #tpu.memory_space<vmem_shared>>
      tpu.enqueue_indirect_dma source(%arg6 : memref<128x128xf32, #tpu.memory_space<vmem>>) target(%dma_start3A_66 : memref<8208x128xf32, #tpu.memory_space<vmem_shared>>) offsets(%dma_start3A_63 : memref<128xi32, #tpu.memory_space<vmem>>) semaphore(%run_scoped3A_60 : memref<!tpu.dma_semaphore, #tpu.memory_space<semaphore_mem>>) {add = true}
      %dma_wait3A_67 = arith.constant 0 : i32
      %dma_wait3A_68 = tpu.memref_slice %arg8[%run_scoped3A, %dma_wait3A_67] : memref<4x128xi32, #tpu.memory_space<vmem>> -> memref<1x128xi32, #tpu.memory_space<vmem>>
      %dma_wait3A_69 = tpu.memref_squeeze %dma_wait3A_68 : memref<1x128xi32, #tpu.memory_space<vmem>> -> memref<128xi32, #tpu.memory_space<vmem>>
      %dma_wait3A_70 = arith.constant 0 : i32
      %dma_wait3A_71 = arith.constant 0 : i32
      %dma_wait3A_72 = tpu.memref_slice %arg5[%dma_wait3A_70, %dma_wait3A_71] : memref<8208x128xf32, #tpu.memory_space<vmem_shared>> -> memref<8208x128xf32, #tpu.memory_space<vmem_shared>>
      tpu.wait_indirect_dma semaphore(%run_scoped3A_60 : memref<!tpu.dma_semaphore, #tpu.memory_space<semaphore_mem>>) src(%arg6 : memref<128x128xf32, #tpu.memory_space<vmem>>) dst(%dma_wait3A_72 : memref<8208x128xf32, #tpu.memory_space<vmem_shared>>)
      tpu.yield
    }) : () -> ()
    %dma_wait3A_30 = arith.constant 0 : i32
    %dma_wait3A_31 = tpu.memref_slice %arg2[%add3A_25, %dma_wait3A_30] : memref<16384x128xf32, #tpu.memory_space<hbm>> -> memref<128x128xf32, #tpu.memory_space<hbm>>
    %dma_wait3A_32 = arith.constant 0 : i32
    %dma_wait3A_33 = tpu.memref_slice %arg2[%add3A_25, %dma_wait3A_32] : memref<16384x128xf32, #tpu.memory_space<hbm>> -> memref<128x128xf32, #tpu.memory_space<hbm>>
    tpu.wait_dma2 semaphore(%arg11 : memref<!tpu.dma_semaphore, #tpu.memory_space<semaphore_mem>>) src(%dma_wait3A_33 : memref<128x128xf32, #tpu.memory_space<hbm>>) dst(%arg7 : memref<128x128xf32, #tpu.memory_space<vmem>>)
    %add3A_34 = arith.constant 256 : i32
    %add3A_35 = arith.addi %add3A, %add3A_34 : i32
    %dma_start3A_36 = arith.constant 0 : i32
    %dma_start3A_37 = tpu.memref_slice %arg2[%add3A_35, %dma_start3A_36] : memref<16384x128xf32, #tpu.memory_space<hbm>> -> memref<128x128xf32, #tpu.memory_space<hbm>>
    %dma_start3A_38 = arith.constant 0 : i32
    %dma_start3A_39 = tpu.memref_slice %arg2[%add3A_35, %dma_start3A_38] : memref<16384x128xf32, #tpu.memory_space<hbm>> -> memref<128x128xf32, #tpu.memory_space<hbm>>
    tpu.enqueue_dma source(%dma_start3A_39 : memref<128x128xf32, #tpu.memory_space<hbm>>) target(%arg6 : memref<128x128xf32, #tpu.memory_space<vmem>>) target_semaphore(%arg10 : memref<!tpu.dma_semaphore, #tpu.memory_space<semaphore_mem>>)
    %run_scoped3A_40 = arith.constant 1 : i32
    "tpu.region"() ({
      %run_scoped3A_60 = tpu.sem_alloc : memref<!tpu.dma_semaphore, #tpu.memory_space<semaphore_mem>>
      %dma_start3A_61 = arith.constant 0 : i32
      %dma_start3A_62 = tpu.memref_slice %arg8[%run_scoped3A_40, %dma_start3A_61] : memref<4x128xi32, #tpu.memory_space<vmem>> -> memref<1x128xi32, #tpu.memory_space<vmem>>
      %dma_start3A_63 = tpu.memref_squeeze %dma_start3A_62 : memref<1x128xi32, #tpu.memory_space<vmem>> -> memref<128xi32, #tpu.memory_space<vmem>>
      %dma_start3A_64 = arith.constant 0 : i32
      %dma_start3A_65 = arith.constant 0 : i32
      %dma_start3A_66 = tpu.memref_slice %arg5[%dma_start3A_64, %dma_start3A_65] : memref<8208x128xf32, #tpu.memory_space<vmem_shared>> -> memref<8208x128xf32, #tpu.memory_space<vmem_shared>>
      tpu.enqueue_indirect_dma source(%arg7 : memref<128x128xf32, #tpu.memory_space<vmem>>) target(%dma_start3A_66 : memref<8208x128xf32, #tpu.memory_space<vmem_shared>>) offsets(%dma_start3A_63 : memref<128xi32, #tpu.memory_space<vmem>>) semaphore(%run_scoped3A_60 : memref<!tpu.dma_semaphore, #tpu.memory_space<semaphore_mem>>) {add = true}
      %dma_wait3A_67 = arith.constant 0 : i32
      %dma_wait3A_68 = tpu.memref_slice %arg8[%run_scoped3A_40, %dma_wait3A_67] : memref<4x128xi32, #tpu.memory_space<vmem>> -> memref<1x128xi32, #tpu.memory_space<vmem>>
      %dma_wait3A_69 = tpu.memref_squeeze %dma_wait3A_68 : memref<1x128xi32, #tpu.memory_space<vmem>> -> memref<128xi32, #tpu.memory_space<vmem>>
      %dma_wait3A_70 = arith.constant 0 : i32
      %dma_wait3A_71 = arith.constant 0 : i32
      %dma_wait3A_72 = tpu.memref_slice %arg5[%dma_wait3A_70, %dma_wait3A_71] : memref<8208x128xf32, #tpu.memory_space<vmem_shared>> -> memref<8208x128xf32, #tpu.memory_space<vmem_shared>>
      tpu.wait_indirect_dma semaphore(%run_scoped3A_60 : memref<!tpu.dma_semaphore, #tpu.memory_space<semaphore_mem>>) src(%arg7 : memref<128x128xf32, #tpu.memory_space<vmem>>) dst(%dma_wait3A_72 : memref<8208x128xf32, #tpu.memory_space<vmem_shared>>)
      tpu.yield
    }) : () -> ()
    %dma_wait3A_41 = arith.constant 0 : i32
    %dma_wait3A_42 = tpu.memref_slice %arg2[%add3A_35, %dma_wait3A_41] : memref<16384x128xf32, #tpu.memory_space<hbm>> -> memref<128x128xf32, #tpu.memory_space<hbm>>
    %dma_wait3A_43 = arith.constant 0 : i32
    %dma_wait3A_44 = tpu.memref_slice %arg2[%add3A_35, %dma_wait3A_43] : memref<16384x128xf32, #tpu.memory_space<hbm>> -> memref<128x128xf32, #tpu.memory_space<hbm>>
    tpu.wait_dma2 semaphore(%arg10 : memref<!tpu.dma_semaphore, #tpu.memory_space<semaphore_mem>>) src(%dma_wait3A_44 : memref<128x128xf32, #tpu.memory_space<hbm>>) dst(%arg6 : memref<128x128xf32, #tpu.memory_space<vmem>>)
    %add3A_45 = arith.constant 384 : i32
    %add3A_46 = arith.addi %add3A, %add3A_45 : i32
    %dma_start3A_47 = arith.constant 0 : i32
    %dma_start3A_48 = tpu.memref_slice %arg2[%add3A_46, %dma_start3A_47] : memref<16384x128xf32, #tpu.memory_space<hbm>> -> memref<128x128xf32, #tpu.memory_space<hbm>>
    %dma_start3A_49 = arith.constant 0 : i32
    %dma_start3A_50 = tpu.memref_slice %arg2[%add3A_46, %dma_start3A_49] : memref<16384x128xf32, #tpu.memory_space<hbm>> -> memref<128x128xf32, #tpu.memory_space<hbm>>
    tpu.enqueue_dma source(%dma_start3A_50 : memref<128x128xf32, #tpu.memory_space<hbm>>) target(%arg7 : memref<128x128xf32, #tpu.memory_space<vmem>>) target_semaphore(%arg11 : memref<!tpu.dma_semaphore, #tpu.memory_space<semaphore_mem>>)
    %run_scoped3A_51 = arith.constant 2 : i32
    "tpu.region"() ({
      %run_scoped3A_60 = tpu.sem_alloc : memref<!tpu.dma_semaphore, #tpu.memory_space<semaphore_mem>>
      %dma_start3A_61 = arith.constant 0 : i32
      %dma_start3A_62 = tpu.memref_slice %arg8[%run_scoped3A_51, %dma_start3A_61] : memref<4x128xi32, #tpu.memory_space<vmem>> -> memref<1x128xi32, #tpu.memory_space<vmem>>
      %dma_start3A_63 = tpu.memref_squeeze %dma_start3A_62 : memref<1x128xi32, #tpu.memory_space<vmem>> -> memref<128xi32, #tpu.memory_space<vmem>>
      %dma_start3A_64 = arith.constant 0 : i32
      %dma_start3A_65 = arith.constant 0 : i32
      %dma_start3A_66 = tpu.memref_slice %arg5[%dma_start3A_64, %dma_start3A_65] : memref<8208x128xf32, #tpu.memory_space<vmem_shared>> -> memref<8208x128xf32, #tpu.memory_space<vmem_shared>>
      tpu.enqueue_indirect_dma source(%arg6 : memref<128x128xf32, #tpu.memory_space<vmem>>) target(%dma_start3A_66 : memref<8208x128xf32, #tpu.memory_space<vmem_shared>>) offsets(%dma_start3A_63 : memref<128xi32, #tpu.memory_space<vmem>>) semaphore(%run_scoped3A_60 : memref<!tpu.dma_semaphore, #tpu.memory_space<semaphore_mem>>) {add = true}
      %dma_wait3A_67 = arith.constant 0 : i32
      %dma_wait3A_68 = tpu.memref_slice %arg8[%run_scoped3A_51, %dma_wait3A_67] : memref<4x128xi32, #tpu.memory_space<vmem>> -> memref<1x128xi32, #tpu.memory_space<vmem>>
      %dma_wait3A_69 = tpu.memref_squeeze %dma_wait3A_68 : memref<1x128xi32, #tpu.memory_space<vmem>> -> memref<128xi32, #tpu.memory_space<vmem>>
      %dma_wait3A_70 = arith.constant 0 : i32
      %dma_wait3A_71 = arith.constant 0 : i32
      %dma_wait3A_72 = tpu.memref_slice %arg5[%dma_wait3A_70, %dma_wait3A_71] : memref<8208x128xf32, #tpu.memory_space<vmem_shared>> -> memref<8208x128xf32, #tpu.memory_space<vmem_shared>>
      tpu.wait_indirect_dma semaphore(%run_scoped3A_60 : memref<!tpu.dma_semaphore, #tpu.memory_space<semaphore_mem>>) src(%arg6 : memref<128x128xf32, #tpu.memory_space<vmem>>) dst(%dma_wait3A_72 : memref<8208x128xf32, #tpu.memory_space<vmem_shared>>)
      tpu.yield
    }) : () -> ()
    %dma_wait3A_52 = arith.constant 0 : i32
    %dma_wait3A_53 = tpu.memref_slice %arg2[%add3A_46, %dma_wait3A_52] : memref<16384x128xf32, #tpu.memory_space<hbm>> -> memref<128x128xf32, #tpu.memory_space<hbm>>
    %dma_wait3A_54 = arith.constant 0 : i32
    %dma_wait3A_55 = tpu.memref_slice %arg2[%add3A_46, %dma_wait3A_54] : memref<16384x128xf32, #tpu.memory_space<hbm>> -> memref<128x128xf32, #tpu.memory_space<hbm>>
    tpu.wait_dma2 semaphore(%arg11 : memref<!tpu.dma_semaphore, #tpu.memory_space<semaphore_mem>>) src(%dma_wait3A_55 : memref<128x128xf32, #tpu.memory_space<hbm>>) dst(%arg7 : memref<128x128xf32, #tpu.memory_space<vmem>>)
    %run_scoped3A_56 = arith.constant 3 : i32
    "tpu.region"() ({
      %run_scoped3A_60 = tpu.sem_alloc : memref<!tpu.dma_semaphore, #tpu.memory_space<semaphore_mem>>
      %dma_start3A_61 = arith.constant 0 : i32
      %dma_start3A_62 = tpu.memref_slice %arg8[%run_scoped3A_56, %dma_start3A_61] : memref<4x128xi32, #tpu.memory_space<vmem>> -> memref<1x128xi32, #tpu.memory_space<vmem>>
      %dma_start3A_63 = tpu.memref_squeeze %dma_start3A_62 : memref<1x128xi32, #tpu.memory_space<vmem>> -> memref<128xi32, #tpu.memory_space<vmem>>
      %dma_start3A_64 = arith.constant 0 : i32
      %dma_start3A_65 = arith.constant 0 : i32
      %dma_start3A_66 = tpu.memref_slice %arg5[%dma_start3A_64, %dma_start3A_65] : memref<8208x128xf32, #tpu.memory_space<vmem_shared>> -> memref<8208x128xf32, #tpu.memory_space<vmem_shared>>
      tpu.enqueue_indirect_dma source(%arg7 : memref<128x128xf32, #tpu.memory_space<vmem>>) target(%dma_start3A_66 : memref<8208x128xf32, #tpu.memory_space<vmem_shared>>) offsets(%dma_start3A_63 : memref<128xi32, #tpu.memory_space<vmem>>) semaphore(%run_scoped3A_60 : memref<!tpu.dma_semaphore, #tpu.memory_space<semaphore_mem>>) {add = true}
      %dma_wait3A_67 = arith.constant 0 : i32
      %dma_wait3A_68 = tpu.memref_slice %arg8[%run_scoped3A_56, %dma_wait3A_67] : memref<4x128xi32, #tpu.memory_space<vmem>> -> memref<1x128xi32, #tpu.memory_space<vmem>>
      %dma_wait3A_69 = tpu.memref_squeeze %dma_wait3A_68 : memref<1x128xi32, #tpu.memory_space<vmem>> -> memref<128xi32, #tpu.memory_space<vmem>>
      %dma_wait3A_70 = arith.constant 0 : i32
      %dma_wait3A_71 = arith.constant 0 : i32
      %dma_wait3A_72 = tpu.memref_slice %arg5[%dma_wait3A_70, %dma_wait3A_71] : memref<8208x128xf32, #tpu.memory_space<vmem_shared>> -> memref<8208x128xf32, #tpu.memory_space<vmem_shared>>
      tpu.wait_indirect_dma semaphore(%run_scoped3A_60 : memref<!tpu.dma_semaphore, #tpu.memory_space<semaphore_mem>>) src(%arg7 : memref<128x128xf32, #tpu.memory_space<vmem>>) dst(%dma_wait3A_72 : memref<8208x128xf32, #tpu.memory_space<vmem_shared>>)
      tpu.yield
    }) : () -> ()
    %barrier3A_57 = arith.constant 0 : index
    tpu.barrier barrier_id(%barrier3A_57)
    %mul3A_58 = arith.constant 512 : i32
    %mul3A_59 = arith.muli %arg1, %mul3A_58 : i32
    "tpu.region"() ({
      %run_scoped3A_60 = tpu.sem_alloc : memref<!tpu.dma_semaphore, #tpu.memory_space<semaphore_mem>>
      %dma_start3A_61 = arith.constant 0 : i32
      %dma_start3A_62 = tpu.memref_slice %arg4[%add3A, %dma_start3A_61] : memref<16384x128xf32, #tpu.memory_space<hbm>> -> memref<512x128xf32, #tpu.memory_space<hbm>>
      %dma_start3A_63 = arith.constant 0 : i32
      %dma_start3A_64 = tpu.memref_slice %arg5[%mul3A_59, %dma_start3A_63] : memref<8208x128xf32, #tpu.memory_space<vmem_shared>> -> memref<512x128xf32, #tpu.memory_space<vmem_shared>>
      tpu.enqueue_dma source(%dma_start3A_64 : memref<512x128xf32, #tpu.memory_space<vmem_shared>>) target(%dma_start3A_62 : memref<512x128xf32, #tpu.memory_space<hbm>>) target_semaphore(%run_scoped3A_60 : memref<!tpu.dma_semaphore, #tpu.memory_space<semaphore_mem>>)
      %dma_wait3A_65 = arith.constant 0 : i32
      %dma_wait3A_66 = tpu.memref_slice %arg4[%add3A, %dma_wait3A_65] : memref<16384x128xf32, #tpu.memory_space<hbm>> -> memref<512x128xf32, #tpu.memory_space<hbm>>
      %dma_wait3A_67 = arith.constant 0 : i32
      %dma_wait3A_68 = tpu.memref_slice %arg5[%mul3A_59, %dma_wait3A_67] : memref<8208x128xf32, #tpu.memory_space<vmem_shared>> -> memref<512x128xf32, #tpu.memory_space<vmem_shared>>
      tpu.wait_dma2 semaphore(%run_scoped3A_60 : memref<!tpu.dma_semaphore, #tpu.memory_space<semaphore_mem>>) src(%dma_wait3A_68 : memref<512x128xf32, #tpu.memory_space<vmem_shared>>) dst(%dma_wait3A_66 : memref<512x128xf32, #tpu.memory_space<hbm>>)
      tpu.yield
    }) : () -> ()
    return
  }
}

#map = affine_map<(d0, d1) -> (0, 0)>
module attributes {stable_mosaic.version = 14 : i64} {
  func.func @_scatter_body(%arg0: i32, %arg1: i32, %arg2: memref<16384x128xf32, #tpu.memory_space<hbm>>, %arg3: memref<128x128xi32, #tpu.memory_space<hbm>>, %arg4: memref<16384x128xf32, #tpu.memory_space<hbm>>, %arg5: memref<8208x128xf32, #tpu.memory_space<vmem_shared>>, %arg6: memref<128x128xf32, #tpu.memory_space<vmem>>, %arg7: memref<128x128xf32, #tpu.memory_space<vmem>>, %arg8: memref<4x128xi32, #tpu.memory_space<vmem>>, %arg9: memref<!tpu.dma_semaphore, #tpu.memory_space<semaphore_mem>>, %arg10: memref<!tpu.dma_semaphore, #tpu.memory_space<semaphore_mem>>, %arg11: memref<!tpu.dma_semaphore, #tpu.memory_space<semaphore_mem>>) attributes {dimension_semantics = [#tpu.dimension_semantics<core_parallel>, #tpu.dimension_semantics<subcore_parallel>], iteration_bounds = array<i64: 2, 16>, scalar_prefetch = 0 : i64, scratch_operands = 7 : i64, tpu.core_type = #tpu.core_type<sc_vector_subcore>, window_params = [{transform_indices = #map}, {transform_indices = #map}, {transform_indices = #map}]} {
    %mul3A = arith.constant 8192 : i32
    %mul3A_0 = arith.muli %arg0, %mul3A : i32
    %mul3A_1 = arith.constant 512 : i32
    %mul3A_2 = arith.muli %arg1, %mul3A_1 : i32
    %add3A = arith.addi %mul3A_0, %mul3A_2 : i32
    %mul3A_3 = arith.constant 512 : i32
    %mul3A_4 = arith.muli %arg1, %mul3A_3 : i32
    %dma_start3A = arith.constant 0 : i32
    %dma_start3A_5 = tpu.memref_slice %arg5[%mul3A_4, %dma_start3A] : memref<8208x128xf32, #tpu.memory_space<vmem_shared>> -> memref<512x128xf32, #tpu.memory_space<vmem_shared>>
    %dma_start3A_6 = arith.constant 0 : i32
    %dma_start3A_7 = tpu.memref_slice %arg2[%add3A, %dma_start3A_6] : memref<16384x128xf32, #tpu.memory_space<hbm>> -> memref<512x128xf32, #tpu.memory_space<hbm>>
    tpu.enqueue_dma source(%dma_start3A_7 : memref<512x128xf32, #tpu.memory_space<hbm>>) target(%dma_start3A_5 : memref<512x128xf32, #tpu.memory_space<vmem_shared>>) target_semaphore(%arg9 : memref<!tpu.dma_semaphore, #tpu.memory_space<semaphore_mem>>)
    %mul3A_8 = arith.constant 16 : i32
    %mul3A_9 = arith.muli %arg0, %mul3A_8 : i32
    %add3A_10 = arith.addi %mul3A_9, %arg1 : i32
    %mul3A_11 = arith.constant 4 : i32
    %mul3A_12 = arith.muli %add3A_10, %mul3A_11 : i32
    "tpu.region"() ({
      %run_scoped3A_60 = tpu.sem_alloc : memref<!tpu.dma_semaphore, #tpu.memory_space<semaphore_mem>>
      %dma_start3A_61 = arith.constant 0 : i32
      %dma_start3A_62 = tpu.memref_slice %arg3[%mul3A_12, %dma_start3A_61] : memref<128x128xi32, #tpu.memory_space<hbm>> -> memref<4x128xi32, #tpu.memory_space<hbm>>
      %dma_start3A_63 = arith.constant 0 : i32
      %dma_start3A_64 = tpu.memref_slice %arg3[%mul3A_12, %dma_start3A_63] : memref<128x128xi32, #tpu.memory_space<hbm>> -> memref<4x128xi32, #tpu.memory_space<hbm>>
      tpu.enqueue_dma source(%dma_start3A_64 : memref<4x128xi32, #tpu.memory_space<hbm>>) target(%arg8 : memref<4x128xi32, #tpu.memory_space<vmem>>) target_semaphore(%run_scoped3A_60 : memref<!tpu.dma_semaphore, #tpu.memory_space<semaphore_mem>>)
      %dma_wait3A_65 = arith.constant 0 : i32
      %dma_wait3A_66 = tpu.memref_slice %arg3[%mul3A_12, %dma_wait3A_65] : memref<128x128xi32, #tpu.memory_space<hbm>> -> memref<4x128xi32, #tpu.memory_space<hbm>>
      %dma_wait3A_67 = arith.constant 0 : i32
      %dma_wait3A_68 = tpu.memref_slice %arg3[%mul3A_12, %dma_wait3A_67] : memref<128x128xi32, #tpu.memory_space<hbm>> -> memref<4x128xi32, #tpu.memory_space<hbm>>
      tpu.wait_dma2 semaphore(%run_scoped3A_60 : memref<!tpu.dma_semaphore, #tpu.memory_space<semaphore_mem>>) src(%dma_wait3A_68 : memref<4x128xi32, #tpu.memory_space<hbm>>) dst(%arg8 : memref<4x128xi32, #tpu.memory_space<vmem>>)
      tpu.yield
    }) : () -> ()
    %dma_start3A_13 = arith.constant 0 : i32
    %dma_start3A_14 = tpu.memref_slice %arg2[%add3A, %dma_start3A_13] : memref<16384x128xf32, #tpu.memory_space<hbm>> -> memref<128x128xf32, #tpu.memory_space<hbm>>
    %dma_start3A_15 = arith.constant 0 : i32
    %dma_start3A_16 = tpu.memref_slice %arg2[%add3A, %dma_start3A_15] : memref<16384x128xf32, #tpu.memory_space<hbm>> -> memref<128x128xf32, #tpu.memory_space<hbm>>
    tpu.enqueue_dma source(%dma_start3A_16 : memref<128x128xf32, #tpu.memory_space<hbm>>) target(%arg6 : memref<128x128xf32, #tpu.memory_space<vmem>>) target_semaphore(%arg10 : memref<!tpu.dma_semaphore, #tpu.memory_space<semaphore_mem>>)
    %dma_wait3A = arith.constant 0 : i32
    %dma_wait3A_17 = tpu.memref_slice %arg5[%mul3A_4, %dma_wait3A] : memref<8208x128xf32, #tpu.memory_space<vmem_shared>> -> memref<512x128xf32, #tpu.memory_space<vmem_shared>>
    %dma_wait3A_18 = arith.constant 0 : i32
    %dma_wait3A_19 = tpu.memref_slice %arg2[%add3A, %dma_wait3A_18] : memref<16384x128xf32, #tpu.memory_space<hbm>> -> memref<512x128xf32, #tpu.memory_space<hbm>>
    tpu.wait_dma2 semaphore(%arg9 : memref<!tpu.dma_semaphore, #tpu.memory_space<semaphore_mem>>) src(%dma_wait3A_19 : memref<512x128xf32, #tpu.memory_space<hbm>>) dst(%dma_wait3A_17 : memref<512x128xf32, #tpu.memory_space<vmem_shared>>)
    %barrier3A = arith.constant 0 : index
    tpu.barrier barrier_id(%barrier3A)
    %dma_wait3A_20 = arith.constant 0 : i32
    %dma_wait3A_21 = tpu.memref_slice %arg2[%add3A, %dma_wait3A_20] : memref<16384x128xf32, #tpu.memory_space<hbm>> -> memref<128x128xf32, #tpu.memory_space<hbm>>
    %dma_wait3A_22 = arith.constant 0 : i32
    %dma_wait3A_23 = tpu.memref_slice %arg2[%add3A, %dma_wait3A_22] : memref<16384x128xf32, #tpu.memory_space<hbm>> -> memref<128x128xf32, #tpu.memory_space<hbm>>
    tpu.wait_dma2 semaphore(%arg10 : memref<!tpu.dma_semaphore, #tpu.memory_space<semaphore_mem>>) src(%dma_wait3A_23 : memref<128x128xf32, #tpu.memory_space<hbm>>) dst(%arg6 : memref<128x128xf32, #tpu.memory_space<vmem>>)
    %add3A_24 = arith.constant 128 : i32
    %add3A_25 = arith.addi %add3A, %add3A_24 : i32
    %dma_start3A_26 = arith.constant 0 : i32
    %dma_start3A_27 = tpu.memref_slice %arg2[%add3A_25, %dma_start3A_26] : memref<16384x128xf32, #tpu.memory_space<hbm>> -> memref<128x128xf32, #tpu.memory_space<hbm>>
    %dma_start3A_28 = arith.constant 0 : i32
    %dma_start3A_29 = tpu.memref_slice %arg2[%add3A_25, %dma_start3A_28] : memref<16384x128xf32, #tpu.memory_space<hbm>> -> memref<128x128xf32, #tpu.memory_space<hbm>>
    tpu.enqueue_dma source(%dma_start3A_29 : memref<128x128xf32, #tpu.memory_space<hbm>>) target(%arg7 : memref<128x128xf32, #tpu.memory_space<vmem>>) target_semaphore(%arg11 : memref<!tpu.dma_semaphore, #tpu.memory_space<semaphore_mem>>)
    %run_scoped3A = arith.constant 0 : i32
    "tpu.region"() ({
      %run_scoped3A_60 = tpu.sem_alloc : memref<!tpu.dma_semaphore, #tpu.memory_space<semaphore_mem>>
      %dma_start3A_61 = arith.constant 0 : i32
      %dma_start3A_62 = tpu.memref_slice %arg8[%run_scoped3A, %dma_start3A_61] : memref<4x128xi32, #tpu.memory_space<vmem>> -> memref<1x128xi32, #tpu.memory_space<vmem>>
      %dma_start3A_63 = tpu.memref_squeeze %dma_start3A_62 : memref<1x128xi32, #tpu.memory_space<vmem>> -> memref<128xi32, #tpu.memory_space<vmem>>
      %dma_start3A_64 = arith.constant 0 : i32
      %dma_start3A_65 = arith.constant 0 : i32
      %dma_start3A_66 = tpu.memref_slice %arg5[%dma_start3A_64, %dma_start3A_65] : memref<8208x128xf32, #tpu.memory_space<vmem_shared>> -> memref<8208x128xf32, #tpu.memory_space<vmem_shared>>
      tpu.enqueue_indirect_dma source(%arg6 : memref<128x128xf32, #tpu.memory_space<vmem>>) target(%dma_start3A_66 : memref<8208x128xf32, #tpu.memory_space<vmem_shared>>) offsets(%dma_start3A_63 : memref<128xi32, #tpu.memory_space<vmem>>) semaphore(%run_scoped3A_60 : memref<!tpu.dma_semaphore, #tpu.memory_space<semaphore_mem>>) {add = true}
      %dma_wait3A_67 = arith.constant 0 : i32
      %dma_wait3A_68 = tpu.memref_slice %arg8[%run_scoped3A, %dma_wait3A_67] : memref<4x128xi32, #tpu.memory_space<vmem>> -> memref<1x128xi32, #tpu.memory_space<vmem>>
      %dma_wait3A_69 = tpu.memref_squeeze %dma_wait3A_68 : memref<1x128xi32, #tpu.memory_space<vmem>> -> memref<128xi32, #tpu.memory_space<vmem>>
      %dma_wait3A_70 = arith.constant 0 : i32
      %dma_wait3A_71 = arith.constant 0 : i32
      %dma_wait3A_72 = tpu.memref_slice %arg5[%dma_wait3A_70, %dma_wait3A_71] : memref<8208x128xf32, #tpu.memory_space<vmem_shared>> -> memref<8208x128xf32, #tpu.memory_space<vmem_shared>>
      tpu.wait_indirect_dma semaphore(%run_scoped3A_60 : memref<!tpu.dma_semaphore, #tpu.memory_space<semaphore_mem>>) src(%arg6 : memref<128x128xf32, #tpu.memory_space<vmem>>) dst(%dma_wait3A_72 : memref<8208x128xf32, #tpu.memory_space<vmem_shared>>)
      tpu.yield
    }) : () -> ()
    %dma_wait3A_30 = arith.constant 0 : i32
    %dma_wait3A_31 = tpu.memref_slice %arg2[%add3A_25, %dma_wait3A_30] : memref<16384x128xf32, #tpu.memory_space<hbm>> -> memref<128x128xf32, #tpu.memory_space<hbm>>
    %dma_wait3A_32 = arith.constant 0 : i32
    %dma_wait3A_33 = tpu.memref_slice %arg2[%add3A_25, %dma_wait3A_32] : memref<16384x128xf32, #tpu.memory_space<hbm>> -> memref<128x128xf32, #tpu.memory_space<hbm>>
    tpu.wait_dma2 semaphore(%arg11 : memref<!tpu.dma_semaphore, #tpu.memory_space<semaphore_mem>>) src(%dma_wait3A_33 : memref<128x128xf32, #tpu.memory_space<hbm>>) dst(%arg7 : memref<128x128xf32, #tpu.memory_space<vmem>>)
    %add3A_34 = arith.constant 256 : i32
    %add3A_35 = arith.addi %add3A, %add3A_34 : i32
    %dma_start3A_36 = arith.constant 0 : i32
    %dma_start3A_37 = tpu.memref_slice %arg2[%add3A_35, %dma_start3A_36] : memref<16384x128xf32, #tpu.memory_space<hbm>> -> memref<128x128xf32, #tpu.memory_space<hbm>>
    %dma_start3A_38 = arith.constant 0 : i32
    %dma_start3A_39 = tpu.memref_slice %arg2[%add3A_35, %dma_start3A_38] : memref<16384x128xf32, #tpu.memory_space<hbm>> -> memref<128x128xf32, #tpu.memory_space<hbm>>
    tpu.enqueue_dma source(%dma_start3A_39 : memref<128x128xf32, #tpu.memory_space<hbm>>) target(%arg6 : memref<128x128xf32, #tpu.memory_space<vmem>>) target_semaphore(%arg10 : memref<!tpu.dma_semaphore, #tpu.memory_space<semaphore_mem>>)
    %run_scoped3A_40 = arith.constant 1 : i32
    "tpu.region"() ({
      %run_scoped3A_60 = tpu.sem_alloc : memref<!tpu.dma_semaphore, #tpu.memory_space<semaphore_mem>>
      %dma_start3A_61 = arith.constant 0 : i32
      %dma_start3A_62 = tpu.memref_slice %arg8[%run_scoped3A_40, %dma_start3A_61] : memref<4x128xi32, #tpu.memory_space<vmem>> -> memref<1x128xi32, #tpu.memory_space<vmem>>
      %dma_start3A_63 = tpu.memref_squeeze %dma_start3A_62 : memref<1x128xi32, #tpu.memory_space<vmem>> -> memref<128xi32, #tpu.memory_space<vmem>>
      %dma_start3A_64 = arith.constant 0 : i32
      %dma_start3A_65 = arith.constant 0 : i32
      %dma_start3A_66 = tpu.memref_slice %arg5[%dma_start3A_64, %dma_start3A_65] : memref<8208x128xf32, #tpu.memory_space<vmem_shared>> -> memref<8208x128xf32, #tpu.memory_space<vmem_shared>>
      tpu.enqueue_indirect_dma source(%arg7 : memref<128x128xf32, #tpu.memory_space<vmem>>) target(%dma_start3A_66 : memref<8208x128xf32, #tpu.memory_space<vmem_shared>>) offsets(%dma_start3A_63 : memref<128xi32, #tpu.memory_space<vmem>>) semaphore(%run_scoped3A_60 : memref<!tpu.dma_semaphore, #tpu.memory_space<semaphore_mem>>) {add = true}
      %dma_wait3A_67 = arith.constant 0 : i32
      %dma_wait3A_68 = tpu.memref_slice %arg8[%run_scoped3A_40, %dma_wait3A_67] : memref<4x128xi32, #tpu.memory_space<vmem>> -> memref<1x128xi32, #tpu.memory_space<vmem>>
      %dma_wait3A_69 = tpu.memref_squeeze %dma_wait3A_68 : memref<1x128xi32, #tpu.memory_space<vmem>> -> memref<128xi32, #tpu.memory_space<vmem>>
      %dma_wait3A_70 = arith.constant 0 : i32
      %dma_wait3A_71 = arith.constant 0 : i32
      %dma_wait3A_72 = tpu.memref_slice %arg5[%dma_wait3A_70, %dma_wait3A_71] : memref<8208x128xf32, #tpu.memory_space<vmem_shared>> -> memref<8208x128xf32, #tpu.memory_space<vmem_shared>>
      tpu.wait_indirect_dma semaphore(%run_scoped3A_60 : memref<!tpu.dma_semaphore, #tpu.memory_space<semaphore_mem>>) src(%arg7 : memref<128x128xf32, #tpu.memory_space<vmem>>) dst(%dma_wait3A_72 : memref<8208x128xf32, #tpu.memory_space<vmem_shared>>)
      tpu.yield
    }) : () -> ()
    %dma_wait3A_41 = arith.constant 0 : i32
    %dma_wait3A_42 = tpu.memref_slice %arg2[%add3A_35, %dma_wait3A_41] : memref<16384x128xf32, #tpu.memory_space<hbm>> -> memref<128x128xf32, #tpu.memory_space<hbm>>
    %dma_wait3A_43 = arith.constant 0 : i32
    %dma_wait3A_44 = tpu.memref_slice %arg2[%add3A_35, %dma_wait3A_43] : memref<16384x128xf32, #tpu.memory_space<hbm>> -> memref<128x128xf32, #tpu.memory_space<hbm>>
    tpu.wait_dma2 semaphore(%arg10 : memref<!tpu.dma_semaphore, #tpu.memory_space<semaphore_mem>>) src(%dma_wait3A_44 : memref<128x128xf32, #tpu.memory_space<hbm>>) dst(%arg6 : memref<128x128xf32, #tpu.memory_space<vmem>>)
    %add3A_45 = arith.constant 384 : i32
    %add3A_46 = arith.addi %add3A, %add3A_45 : i32
    %dma_start3A_47 = arith.constant 0 : i32
    %dma_start3A_48 = tpu.memref_slice %arg2[%add3A_46, %dma_start3A_47] : memref<16384x128xf32, #tpu.memory_space<hbm>> -> memref<128x128xf32, #tpu.memory_space<hbm>>
    %dma_start3A_49 = arith.constant 0 : i32
    %dma_start3A_50 = tpu.memref_slice %arg2[%add3A_46, %dma_start3A_49] : memref<16384x128xf32, #tpu.memory_space<hbm>> -> memref<128x128xf32, #tpu.memory_space<hbm>>
    tpu.enqueue_dma source(%dma_start3A_50 : memref<128x128xf32, #tpu.memory_space<hbm>>) target(%arg7 : memref<128x128xf32, #tpu.memory_space<vmem>>) target_semaphore(%arg11 : memref<!tpu.dma_semaphore, #tpu.memory_space<semaphore_mem>>)
    %run_scoped3A_51 = arith.constant 2 : i32
    "tpu.region"() ({
      %run_scoped3A_60 = tpu.sem_alloc : memref<!tpu.dma_semaphore, #tpu.memory_space<semaphore_mem>>
      %dma_start3A_61 = arith.constant 0 : i32
      %dma_start3A_62 = tpu.memref_slice %arg8[%run_scoped3A_51, %dma_start3A_61] : memref<4x128xi32, #tpu.memory_space<vmem>> -> memref<1x128xi32, #tpu.memory_space<vmem>>
      %dma_start3A_63 = tpu.memref_squeeze %dma_start3A_62 : memref<1x128xi32, #tpu.memory_space<vmem>> -> memref<128xi32, #tpu.memory_space<vmem>>
      %dma_start3A_64 = arith.constant 0 : i32
      %dma_start3A_65 = arith.constant 0 : i32
      %dma_start3A_66 = tpu.memref_slice %arg5[%dma_start3A_64, %dma_start3A_65] : memref<8208x128xf32, #tpu.memory_space<vmem_shared>> -> memref<8208x128xf32, #tpu.memory_space<vmem_shared>>
      tpu.enqueue_indirect_dma source(%arg6 : memref<128x128xf32, #tpu.memory_space<vmem>>) target(%dma_start3A_66 : memref<8208x128xf32, #tpu.memory_space<vmem_shared>>) offsets(%dma_start3A_63 : memref<128xi32, #tpu.memory_space<vmem>>) semaphore(%run_scoped3A_60 : memref<!tpu.dma_semaphore, #tpu.memory_space<semaphore_mem>>) {add = true}
      %dma_wait3A_67 = arith.constant 0 : i32
      %dma_wait3A_68 = tpu.memref_slice %arg8[%run_scoped3A_51, %dma_wait3A_67] : memref<4x128xi32, #tpu.memory_space<vmem>> -> memref<1x128xi32, #tpu.memory_space<vmem>>
      %dma_wait3A_69 = tpu.memref_squeeze %dma_wait3A_68 : memref<1x128xi32, #tpu.memory_space<vmem>> -> memref<128xi32, #tpu.memory_space<vmem>>
      %dma_wait3A_70 = arith.constant 0 : i32
      %dma_wait3A_71 = arith.constant 0 : i32
      %dma_wait3A_72 = tpu.memref_slice %arg5[%dma_wait3A_70, %dma_wait3A_71] : memref<8208x128xf32, #tpu.memory_space<vmem_shared>> -> memref<8208x128xf32, #tpu.memory_space<vmem_shared>>
      tpu.wait_indirect_dma semaphore(%run_scoped3A_60 : memref<!tpu.dma_semaphore, #tpu.memory_space<semaphore_mem>>) src(%arg6 : memref<128x128xf32, #tpu.memory_space<vmem>>) dst(%dma_wait3A_72 : memref<8208x128xf32, #tpu.memory_space<vmem_shared>>)
      tpu.yield
    }) : () -> ()
    %dma_wait3A_52 = arith.constant 0 : i32
    %dma_wait3A_53 = tpu.memref_slice %arg2[%add3A_46, %dma_wait3A_52] : memref<16384x128xf32, #tpu.memory_space<hbm>> -> memref<128x128xf32, #tpu.memory_space<hbm>>
    %dma_wait3A_54 = arith.constant 0 : i32
    %dma_wait3A_55 = tpu.memref_slice %arg2[%add3A_46, %dma_wait3A_54] : memref<16384x128xf32, #tpu.memory_space<hbm>> -> memref<128x128xf32, #tpu.memory_space<hbm>>
    tpu.wait_dma2 semaphore(%arg11 : memref<!tpu.dma_semaphore, #tpu.memory_space<semaphore_mem>>) src(%dma_wait3A_55 : memref<128x128xf32, #tpu.memory_space<hbm>>) dst(%arg7 : memref<128x128xf32, #tpu.memory_space<vmem>>)
    %run_scoped3A_56 = arith.constant 3 : i32
    "tpu.region"() ({
      %run_scoped3A_60 = tpu.sem_alloc : memref<!tpu.dma_semaphore, #tpu.memory_space<semaphore_mem>>
      %dma_start3A_61 = arith.constant 0 : i32
      %dma_start3A_62 = tpu.memref_slice %arg8[%run_scoped3A_56, %dma_start3A_61] : memref<4x128xi32, #tpu.memory_space<vmem>> -> memref<1x128xi32, #tpu.memory_space<vmem>>
      %dma_start3A_63 = tpu.memref_squeeze %dma_start3A_62 : memref<1x128xi32, #tpu.memory_space<vmem>> -> memref<128xi32, #tpu.memory_space<vmem>>
      %dma_start3A_64 = arith.constant 0 : i32
      %dma_start3A_65 = arith.constant 0 : i32
      %dma_start3A_66 = tpu.memref_slice %arg5[%dma_start3A_64, %dma_start3A_65] : memref<8208x128xf32, #tpu.memory_space<vmem_shared>> -> memref<8208x128xf32, #tpu.memory_space<vmem_shared>>
      tpu.enqueue_indirect_dma source(%arg7 : memref<128x128xf32, #tpu.memory_space<vmem>>) target(%dma_start3A_66 : memref<8208x128xf32, #tpu.memory_space<vmem_shared>>) offsets(%dma_start3A_63 : memref<128xi32, #tpu.memory_space<vmem>>) semaphore(%run_scoped3A_60 : memref<!tpu.dma_semaphore, #tpu.memory_space<semaphore_mem>>) {add = true}
      %dma_wait3A_67 = arith.constant 0 : i32
      %dma_wait3A_68 = tpu.memref_slice %arg8[%run_scoped3A_56, %dma_wait3A_67] : memref<4x128xi32, #tpu.memory_space<vmem>> -> memref<1x128xi32, #tpu.memory_space<vmem>>
      %dma_wait3A_69 = tpu.memref_squeeze %dma_wait3A_68 : memref<1x128xi32, #tpu.memory_space<vmem>> -> memref<128xi32, #tpu.memory_space<vmem>>
      %dma_wait3A_70 = arith.constant 0 : i32
      %dma_wait3A_71 = arith.constant 0 : i32
      %dma_wait3A_72 = tpu.memref_slice %arg5[%dma_wait3A_70, %dma_wait3A_71] : memref<8208x128xf32, #tpu.memory_space<vmem_shared>> -> memref<8208x128xf32, #tpu.memory_space<vmem_shared>>
      tpu.wait_indirect_dma semaphore(%run_scoped3A_60 : memref<!tpu.dma_semaphore, #tpu.memory_space<semaphore_mem>>) src(%arg7 : memref<128x128xf32, #tpu.memory_space<vmem>>) dst(%dma_wait3A_72 : memref<8208x128xf32, #tpu.memory_space<vmem_shared>>)
      tpu.yield
    }) : () -> ()
    %barrier3A_57 = arith.constant 0 : index
    tpu.barrier barrier_id(%barrier3A_57)
    %mul3A_58 = arith.constant 512 : i32
    %mul3A_59 = arith.muli %arg1, %mul3A_58 : i32
    "tpu.region"() ({
      %run_scoped3A_60 = tpu.sem_alloc : memref<!tpu.dma_semaphore, #tpu.memory_space<semaphore_mem>>
      %dma_start3A_61 = arith.constant 0 : i32
      %dma_start3A_62 = tpu.memref_slice %arg4[%add3A, %dma_start3A_61] : memref<16384x128xf32, #tpu.memory_space<hbm>> -> memref<512x128xf32, #tpu.memory_space<hbm>>
      %dma_start3A_63 = arith.constant 0 : i32
      %dma_start3A_64 = tpu.memref_slice %arg5[%mul3A_59, %dma_start3A_63] : memref<8208x128xf32, #tpu.memory_space<vmem_shared>> -> memref<512x128xf32, #tpu.memory_space<vmem_shared>>
      tpu.enqueue_dma source(%dma_start3A_64 : memref<512x128xf32, #tpu.memory_space<vmem_shared>>) target(%dma_start3A_62 : memref<512x128xf32, #tpu.memory_space<hbm>>) target_semaphore(%run_scoped3A_60 : memref<!tpu.dma_semaphore, #tpu.memory_space<semaphore_mem>>)
      %dma_wait3A_65 = arith.constant 0 : i32
      %dma_wait3A_66 = tpu.memref_slice %arg4[%add3A, %dma_wait3A_65] : memref<16384x128xf32, #tpu.memory_space<hbm>> -> memref<512x128xf32, #tpu.memory_space<hbm>>
      %dma_wait3A_67 = arith.constant 0 : i32
      %dma_wait3A_68 = tpu.memref_slice %arg5[%mul3A_59, %dma_wait3A_67] : memref<8208x128xf32, #tpu.memory_space<vmem_shared>> -> memref<512x128xf32, #tpu.memory_space<vmem_shared>>
      tpu.wait_dma2 semaphore(%run_scoped3A_60 : memref<!tpu.dma_semaphore, #tpu.memory_space<semaphore_mem>>) src(%dma_wait3A_68 : memref<512x128xf32, #tpu.memory_space<vmem_shared>>) dst(%dma_wait3A_66 : memref<512x128xf32, #tpu.memory_space<hbm>>)
      tpu.yield
    }) : () -> ()
    return
  }
}

#map = affine_map<(d0, d1) -> (0, 0)>
module attributes {stable_mosaic.version = 14 : i64} {
  func.func @_scatter_body(%arg0: i32, %arg1: i32, %arg2: memref<16384x128xf32, #tpu.memory_space<hbm>>, %arg3: memref<128x128xi32, #tpu.memory_space<hbm>>, %arg4: memref<16384x128xf32, #tpu.memory_space<hbm>>, %arg5: memref<8208x128xf32, #tpu.memory_space<vmem_shared>>, %arg6: memref<128x128xf32, #tpu.memory_space<vmem>>, %arg7: memref<128x128xf32, #tpu.memory_space<vmem>>, %arg8: memref<4x128xi32, #tpu.memory_space<vmem>>, %arg9: memref<!tpu.dma_semaphore, #tpu.memory_space<semaphore_mem>>, %arg10: memref<!tpu.dma_semaphore, #tpu.memory_space<semaphore_mem>>, %arg11: memref<!tpu.dma_semaphore, #tpu.memory_space<semaphore_mem>>) attributes {dimension_semantics = [#tpu.dimension_semantics<core_parallel>, #tpu.dimension_semantics<subcore_parallel>], iteration_bounds = array<i64: 2, 16>, scalar_prefetch = 0 : i64, scratch_operands = 7 : i64, tpu.core_type = #tpu.core_type<sc_vector_subcore>, window_params = [{transform_indices = #map}, {transform_indices = #map}, {transform_indices = #map}]} {
    %mul3A = arith.constant 8192 : i32
    %mul3A_0 = arith.muli %arg0, %mul3A : i32
    %mul3A_1 = arith.constant 512 : i32
    %mul3A_2 = arith.muli %arg1, %mul3A_1 : i32
    %add3A = arith.addi %mul3A_0, %mul3A_2 : i32
    %mul3A_3 = arith.constant 512 : i32
    %mul3A_4 = arith.muli %arg1, %mul3A_3 : i32
    %dma_start3A = arith.constant 0 : i32
    %dma_start3A_5 = tpu.memref_slice %arg5[%mul3A_4, %dma_start3A] : memref<8208x128xf32, #tpu.memory_space<vmem_shared>> -> memref<512x128xf32, #tpu.memory_space<vmem_shared>>
    %dma_start3A_6 = arith.constant 0 : i32
    %dma_start3A_7 = tpu.memref_slice %arg2[%add3A, %dma_start3A_6] : memref<16384x128xf32, #tpu.memory_space<hbm>> -> memref<512x128xf32, #tpu.memory_space<hbm>>
    tpu.enqueue_dma source(%dma_start3A_7 : memref<512x128xf32, #tpu.memory_space<hbm>>) target(%dma_start3A_5 : memref<512x128xf32, #tpu.memory_space<vmem_shared>>) target_semaphore(%arg9 : memref<!tpu.dma_semaphore, #tpu.memory_space<semaphore_mem>>)
    %mul3A_8 = arith.constant 16 : i32
    %mul3A_9 = arith.muli %arg0, %mul3A_8 : i32
    %add3A_10 = arith.addi %mul3A_9, %arg1 : i32
    %mul3A_11 = arith.constant 4 : i32
    %mul3A_12 = arith.muli %add3A_10, %mul3A_11 : i32
    "tpu.region"() ({
      %run_scoped3A_60 = tpu.sem_alloc : memref<!tpu.dma_semaphore, #tpu.memory_space<semaphore_mem>>
      %dma_start3A_61 = arith.constant 0 : i32
      %dma_start3A_62 = tpu.memref_slice %arg3[%mul3A_12, %dma_start3A_61] : memref<128x128xi32, #tpu.memory_space<hbm>> -> memref<4x128xi32, #tpu.memory_space<hbm>>
      %dma_start3A_63 = arith.constant 0 : i32
      %dma_start3A_64 = tpu.memref_slice %arg3[%mul3A_12, %dma_start3A_63] : memref<128x128xi32, #tpu.memory_space<hbm>> -> memref<4x128xi32, #tpu.memory_space<hbm>>
      tpu.enqueue_dma source(%dma_start3A_64 : memref<4x128xi32, #tpu.memory_space<hbm>>) target(%arg8 : memref<4x128xi32, #tpu.memory_space<vmem>>) target_semaphore(%run_scoped3A_60 : memref<!tpu.dma_semaphore, #tpu.memory_space<semaphore_mem>>)
      %dma_wait3A_65 = arith.constant 0 : i32
      %dma_wait3A_66 = tpu.memref_slice %arg3[%mul3A_12, %dma_wait3A_65] : memref<128x128xi32, #tpu.memory_space<hbm>> -> memref<4x128xi32, #tpu.memory_space<hbm>>
      %dma_wait3A_67 = arith.constant 0 : i32
      %dma_wait3A_68 = tpu.memref_slice %arg3[%mul3A_12, %dma_wait3A_67] : memref<128x128xi32, #tpu.memory_space<hbm>> -> memref<4x128xi32, #tpu.memory_space<hbm>>
      tpu.wait_dma2 semaphore(%run_scoped3A_60 : memref<!tpu.dma_semaphore, #tpu.memory_space<semaphore_mem>>) src(%dma_wait3A_68 : memref<4x128xi32, #tpu.memory_space<hbm>>) dst(%arg8 : memref<4x128xi32, #tpu.memory_space<vmem>>)
      tpu.yield
    }) : () -> ()
    %dma_start3A_13 = arith.constant 0 : i32
    %dma_start3A_14 = tpu.memref_slice %arg2[%add3A, %dma_start3A_13] : memref<16384x128xf32, #tpu.memory_space<hbm>> -> memref<128x128xf32, #tpu.memory_space<hbm>>
    %dma_start3A_15 = arith.constant 0 : i32
    %dma_start3A_16 = tpu.memref_slice %arg2[%add3A, %dma_start3A_15] : memref<16384x128xf32, #tpu.memory_space<hbm>> -> memref<128x128xf32, #tpu.memory_space<hbm>>
    tpu.enqueue_dma source(%dma_start3A_16 : memref<128x128xf32, #tpu.memory_space<hbm>>) target(%arg6 : memref<128x128xf32, #tpu.memory_space<vmem>>) target_semaphore(%arg10 : memref<!tpu.dma_semaphore, #tpu.memory_space<semaphore_mem>>)
    %dma_wait3A = arith.constant 0 : i32
    %dma_wait3A_17 = tpu.memref_slice %arg5[%mul3A_4, %dma_wait3A] : memref<8208x128xf32, #tpu.memory_space<vmem_shared>> -> memref<512x128xf32, #tpu.memory_space<vmem_shared>>
    %dma_wait3A_18 = arith.constant 0 : i32
    %dma_wait3A_19 = tpu.memref_slice %arg2[%add3A, %dma_wait3A_18] : memref<16384x128xf32, #tpu.memory_space<hbm>> -> memref<512x128xf32, #tpu.memory_space<hbm>>
    tpu.wait_dma2 semaphore(%arg9 : memref<!tpu.dma_semaphore, #tpu.memory_space<semaphore_mem>>) src(%dma_wait3A_19 : memref<512x128xf32, #tpu.memory_space<hbm>>) dst(%dma_wait3A_17 : memref<512x128xf32, #tpu.memory_space<vmem_shared>>)
    %barrier3A = arith.constant 0 : index
    tpu.barrier barrier_id(%barrier3A)
    %dma_wait3A_20 = arith.constant 0 : i32
    %dma_wait3A_21 = tpu.memref_slice %arg2[%add3A, %dma_wait3A_20] : memref<16384x128xf32, #tpu.memory_space<hbm>> -> memref<128x128xf32, #tpu.memory_space<hbm>>
    %dma_wait3A_22 = arith.constant 0 : i32
    %dma_wait3A_23 = tpu.memref_slice %arg2[%add3A, %dma_wait3A_22] : memref<16384x128xf32, #tpu.memory_space<hbm>> -> memref<128x128xf32, #tpu.memory_space<hbm>>
    tpu.wait_dma2 semaphore(%arg10 : memref<!tpu.dma_semaphore, #tpu.memory_space<semaphore_mem>>) src(%dma_wait3A_23 : memref<128x128xf32, #tpu.memory_space<hbm>>) dst(%arg6 : memref<128x128xf32, #tpu.memory_space<vmem>>)
    %add3A_24 = arith.constant 128 : i32
    %add3A_25 = arith.addi %add3A, %add3A_24 : i32
    %dma_start3A_26 = arith.constant 0 : i32
    %dma_start3A_27 = tpu.memref_slice %arg2[%add3A_25, %dma_start3A_26] : memref<16384x128xf32, #tpu.memory_space<hbm>> -> memref<128x128xf32, #tpu.memory_space<hbm>>
    %dma_start3A_28 = arith.constant 0 : i32
    %dma_start3A_29 = tpu.memref_slice %arg2[%add3A_25, %dma_start3A_28] : memref<16384x128xf32, #tpu.memory_space<hbm>> -> memref<128x128xf32, #tpu.memory_space<hbm>>
    tpu.enqueue_dma source(%dma_start3A_29 : memref<128x128xf32, #tpu.memory_space<hbm>>) target(%arg7 : memref<128x128xf32, #tpu.memory_space<vmem>>) target_semaphore(%arg11 : memref<!tpu.dma_semaphore, #tpu.memory_space<semaphore_mem>>)
    %run_scoped3A = arith.constant 0 : i32
    "tpu.region"() ({
      %run_scoped3A_60 = tpu.sem_alloc : memref<!tpu.dma_semaphore, #tpu.memory_space<semaphore_mem>>
      %dma_start3A_61 = arith.constant 0 : i32
      %dma_start3A_62 = tpu.memref_slice %arg8[%run_scoped3A, %dma_start3A_61] : memref<4x128xi32, #tpu.memory_space<vmem>> -> memref<1x128xi32, #tpu.memory_space<vmem>>
      %dma_start3A_63 = tpu.memref_squeeze %dma_start3A_62 : memref<1x128xi32, #tpu.memory_space<vmem>> -> memref<128xi32, #tpu.memory_space<vmem>>
      %dma_start3A_64 = arith.constant 0 : i32
      %dma_start3A_65 = arith.constant 0 : i32
      %dma_start3A_66 = tpu.memref_slice %arg5[%dma_start3A_64, %dma_start3A_65] : memref<8208x128xf32, #tpu.memory_space<vmem_shared>> -> memref<8208x128xf32, #tpu.memory_space<vmem_shared>>
      tpu.enqueue_indirect_dma source(%arg6 : memref<128x128xf32, #tpu.memory_space<vmem>>) target(%dma_start3A_66 : memref<8208x128xf32, #tpu.memory_space<vmem_shared>>) offsets(%dma_start3A_63 : memref<128xi32, #tpu.memory_space<vmem>>) semaphore(%run_scoped3A_60 : memref<!tpu.dma_semaphore, #tpu.memory_space<semaphore_mem>>) {add = true}
      %dma_wait3A_67 = arith.constant 0 : i32
      %dma_wait3A_68 = tpu.memref_slice %arg8[%run_scoped3A, %dma_wait3A_67] : memref<4x128xi32, #tpu.memory_space<vmem>> -> memref<1x128xi32, #tpu.memory_space<vmem>>
      %dma_wait3A_69 = tpu.memref_squeeze %dma_wait3A_68 : memref<1x128xi32, #tpu.memory_space<vmem>> -> memref<128xi32, #tpu.memory_space<vmem>>
      %dma_wait3A_70 = arith.constant 0 : i32
      %dma_wait3A_71 = arith.constant 0 : i32
      %dma_wait3A_72 = tpu.memref_slice %arg5[%dma_wait3A_70, %dma_wait3A_71] : memref<8208x128xf32, #tpu.memory_space<vmem_shared>> -> memref<8208x128xf32, #tpu.memory_space<vmem_shared>>
      tpu.wait_indirect_dma semaphore(%run_scoped3A_60 : memref<!tpu.dma_semaphore, #tpu.memory_space<semaphore_mem>>) src(%arg6 : memref<128x128xf32, #tpu.memory_space<vmem>>) dst(%dma_wait3A_72 : memref<8208x128xf32, #tpu.memory_space<vmem_shared>>)
      tpu.yield
    }) : () -> ()
    %dma_wait3A_30 = arith.constant 0 : i32
    %dma_wait3A_31 = tpu.memref_slice %arg2[%add3A_25, %dma_wait3A_30] : memref<16384x128xf32, #tpu.memory_space<hbm>> -> memref<128x128xf32, #tpu.memory_space<hbm>>
    %dma_wait3A_32 = arith.constant 0 : i32
    %dma_wait3A_33 = tpu.memref_slice %arg2[%add3A_25, %dma_wait3A_32] : memref<16384x128xf32, #tpu.memory_space<hbm>> -> memref<128x128xf32, #tpu.memory_space<hbm>>
    tpu.wait_dma2 semaphore(%arg11 : memref<!tpu.dma_semaphore, #tpu.memory_space<semaphore_mem>>) src(%dma_wait3A_33 : memref<128x128xf32, #tpu.memory_space<hbm>>) dst(%arg7 : memref<128x128xf32, #tpu.memory_space<vmem>>)
    %add3A_34 = arith.constant 256 : i32
    %add3A_35 = arith.addi %add3A, %add3A_34 : i32
    %dma_start3A_36 = arith.constant 0 : i32
    %dma_start3A_37 = tpu.memref_slice %arg2[%add3A_35, %dma_start3A_36] : memref<16384x128xf32, #tpu.memory_space<hbm>> -> memref<128x128xf32, #tpu.memory_space<hbm>>
    %dma_start3A_38 = arith.constant 0 : i32
    %dma_start3A_39 = tpu.memref_slice %arg2[%add3A_35, %dma_start3A_38] : memref<16384x128xf32, #tpu.memory_space<hbm>> -> memref<128x128xf32, #tpu.memory_space<hbm>>
    tpu.enqueue_dma source(%dma_start3A_39 : memref<128x128xf32, #tpu.memory_space<hbm>>) target(%arg6 : memref<128x128xf32, #tpu.memory_space<vmem>>) target_semaphore(%arg10 : memref<!tpu.dma_semaphore, #tpu.memory_space<semaphore_mem>>)
    %run_scoped3A_40 = arith.constant 1 : i32
    "tpu.region"() ({
      %run_scoped3A_60 = tpu.sem_alloc : memref<!tpu.dma_semaphore, #tpu.memory_space<semaphore_mem>>
      %dma_start3A_61 = arith.constant 0 : i32
      %dma_start3A_62 = tpu.memref_slice %arg8[%run_scoped3A_40, %dma_start3A_61] : memref<4x128xi32, #tpu.memory_space<vmem>> -> memref<1x128xi32, #tpu.memory_space<vmem>>
      %dma_start3A_63 = tpu.memref_squeeze %dma_start3A_62 : memref<1x128xi32, #tpu.memory_space<vmem>> -> memref<128xi32, #tpu.memory_space<vmem>>
      %dma_start3A_64 = arith.constant 0 : i32
      %dma_start3A_65 = arith.constant 0 : i32
      %dma_start3A_66 = tpu.memref_slice %arg5[%dma_start3A_64, %dma_start3A_65] : memref<8208x128xf32, #tpu.memory_space<vmem_shared>> -> memref<8208x128xf32, #tpu.memory_space<vmem_shared>>
      tpu.enqueue_indirect_dma source(%arg7 : memref<128x128xf32, #tpu.memory_space<vmem>>) target(%dma_start3A_66 : memref<8208x128xf32, #tpu.memory_space<vmem_shared>>) offsets(%dma_start3A_63 : memref<128xi32, #tpu.memory_space<vmem>>) semaphore(%run_scoped3A_60 : memref<!tpu.dma_semaphore, #tpu.memory_space<semaphore_mem>>) {add = true}
      %dma_wait3A_67 = arith.constant 0 : i32
      %dma_wait3A_68 = tpu.memref_slice %arg8[%run_scoped3A_40, %dma_wait3A_67] : memref<4x128xi32, #tpu.memory_space<vmem>> -> memref<1x128xi32, #tpu.memory_space<vmem>>
      %dma_wait3A_69 = tpu.memref_squeeze %dma_wait3A_68 : memref<1x128xi32, #tpu.memory_space<vmem>> -> memref<128xi32, #tpu.memory_space<vmem>>
      %dma_wait3A_70 = arith.constant 0 : i32
      %dma_wait3A_71 = arith.constant 0 : i32
      %dma_wait3A_72 = tpu.memref_slice %arg5[%dma_wait3A_70, %dma_wait3A_71] : memref<8208x128xf32, #tpu.memory_space<vmem_shared>> -> memref<8208x128xf32, #tpu.memory_space<vmem_shared>>
      tpu.wait_indirect_dma semaphore(%run_scoped3A_60 : memref<!tpu.dma_semaphore, #tpu.memory_space<semaphore_mem>>) src(%arg7 : memref<128x128xf32, #tpu.memory_space<vmem>>) dst(%dma_wait3A_72 : memref<8208x128xf32, #tpu.memory_space<vmem_shared>>)
      tpu.yield
    }) : () -> ()
    %dma_wait3A_41 = arith.constant 0 : i32
    %dma_wait3A_42 = tpu.memref_slice %arg2[%add3A_35, %dma_wait3A_41] : memref<16384x128xf32, #tpu.memory_space<hbm>> -> memref<128x128xf32, #tpu.memory_space<hbm>>
    %dma_wait3A_43 = arith.constant 0 : i32
    %dma_wait3A_44 = tpu.memref_slice %arg2[%add3A_35, %dma_wait3A_43] : memref<16384x128xf32, #tpu.memory_space<hbm>> -> memref<128x128xf32, #tpu.memory_space<hbm>>
    tpu.wait_dma2 semaphore(%arg10 : memref<!tpu.dma_semaphore, #tpu.memory_space<semaphore_mem>>) src(%dma_wait3A_44 : memref<128x128xf32, #tpu.memory_space<hbm>>) dst(%arg6 : memref<128x128xf32, #tpu.memory_space<vmem>>)
    %add3A_45 = arith.constant 384 : i32
    %add3A_46 = arith.addi %add3A, %add3A_45 : i32
    %dma_start3A_47 = arith.constant 0 : i32
    %dma_start3A_48 = tpu.memref_slice %arg2[%add3A_46, %dma_start3A_47] : memref<16384x128xf32, #tpu.memory_space<hbm>> -> memref<128x128xf32, #tpu.memory_space<hbm>>
    %dma_start3A_49 = arith.constant 0 : i32
    %dma_start3A_50 = tpu.memref_slice %arg2[%add3A_46, %dma_start3A_49] : memref<16384x128xf32, #tpu.memory_space<hbm>> -> memref<128x128xf32, #tpu.memory_space<hbm>>
    tpu.enqueue_dma source(%dma_start3A_50 : memref<128x128xf32, #tpu.memory_space<hbm>>) target(%arg7 : memref<128x128xf32, #tpu.memory_space<vmem>>) target_semaphore(%arg11 : memref<!tpu.dma_semaphore, #tpu.memory_space<semaphore_mem>>)
    %run_scoped3A_51 = arith.constant 2 : i32
    "tpu.region"() ({
      %run_scoped3A_60 = tpu.sem_alloc : memref<!tpu.dma_semaphore, #tpu.memory_space<semaphore_mem>>
      %dma_start3A_61 = arith.constant 0 : i32
      %dma_start3A_62 = tpu.memref_slice %arg8[%run_scoped3A_51, %dma_start3A_61] : memref<4x128xi32, #tpu.memory_space<vmem>> -> memref<1x128xi32, #tpu.memory_space<vmem>>
      %dma_start3A_63 = tpu.memref_squeeze %dma_start3A_62 : memref<1x128xi32, #tpu.memory_space<vmem>> -> memref<128xi32, #tpu.memory_space<vmem>>
      %dma_start3A_64 = arith.constant 0 : i32
      %dma_start3A_65 = arith.constant 0 : i32
      %dma_start3A_66 = tpu.memref_slice %arg5[%dma_start3A_64, %dma_start3A_65] : memref<8208x128xf32, #tpu.memory_space<vmem_shared>> -> memref<8208x128xf32, #tpu.memory_space<vmem_shared>>
      tpu.enqueue_indirect_dma source(%arg6 : memref<128x128xf32, #tpu.memory_space<vmem>>) target(%dma_start3A_66 : memref<8208x128xf32, #tpu.memory_space<vmem_shared>>) offsets(%dma_start3A_63 : memref<128xi32, #tpu.memory_space<vmem>>) semaphore(%run_scoped3A_60 : memref<!tpu.dma_semaphore, #tpu.memory_space<semaphore_mem>>) {add = true}
      %dma_wait3A_67 = arith.constant 0 : i32
      %dma_wait3A_68 = tpu.memref_slice %arg8[%run_scoped3A_51, %dma_wait3A_67] : memref<4x128xi32, #tpu.memory_space<vmem>> -> memref<1x128xi32, #tpu.memory_space<vmem>>
      %dma_wait3A_69 = tpu.memref_squeeze %dma_wait3A_68 : memref<1x128xi32, #tpu.memory_space<vmem>> -> memref<128xi32, #tpu.memory_space<vmem>>
      %dma_wait3A_70 = arith.constant 0 : i32
      %dma_wait3A_71 = arith.constant 0 : i32
      %dma_wait3A_72 = tpu.memref_slice %arg5[%dma_wait3A_70, %dma_wait3A_71] : memref<8208x128xf32, #tpu.memory_space<vmem_shared>> -> memref<8208x128xf32, #tpu.memory_space<vmem_shared>>
      tpu.wait_indirect_dma semaphore(%run_scoped3A_60 : memref<!tpu.dma_semaphore, #tpu.memory_space<semaphore_mem>>) src(%arg6 : memref<128x128xf32, #tpu.memory_space<vmem>>) dst(%dma_wait3A_72 : memref<8208x128xf32, #tpu.memory_space<vmem_shared>>)
      tpu.yield
    }) : () -> ()
    %dma_wait3A_52 = arith.constant 0 : i32
    %dma_wait3A_53 = tpu.memref_slice %arg2[%add3A_46, %dma_wait3A_52] : memref<16384x128xf32, #tpu.memory_space<hbm>> -> memref<128x128xf32, #tpu.memory_space<hbm>>
    %dma_wait3A_54 = arith.constant 0 : i32
    %dma_wait3A_55 = tpu.memref_slice %arg2[%add3A_46, %dma_wait3A_54] : memref<16384x128xf32, #tpu.memory_space<hbm>> -> memref<128x128xf32, #tpu.memory_space<hbm>>
    tpu.wait_dma2 semaphore(%arg11 : memref<!tpu.dma_semaphore, #tpu.memory_space<semaphore_mem>>) src(%dma_wait3A_55 : memref<128x128xf32, #tpu.memory_space<hbm>>) dst(%arg7 : memref<128x128xf32, #tpu.memory_space<vmem>>)
    %run_scoped3A_56 = arith.constant 3 : i32
    "tpu.region"() ({
      %run_scoped3A_60 = tpu.sem_alloc : memref<!tpu.dma_semaphore, #tpu.memory_space<semaphore_mem>>
      %dma_start3A_61 = arith.constant 0 : i32
      %dma_start3A_62 = tpu.memref_slice %arg8[%run_scoped3A_56, %dma_start3A_61] : memref<4x128xi32, #tpu.memory_space<vmem>> -> memref<1x128xi32, #tpu.memory_space<vmem>>
      %dma_start3A_63 = tpu.memref_squeeze %dma_start3A_62 : memref<1x128xi32, #tpu.memory_space<vmem>> -> memref<128xi32, #tpu.memory_space<vmem>>
      %dma_start3A_64 = arith.constant 0 : i32
      %dma_start3A_65 = arith.constant 0 : i32
      %dma_start3A_66 = tpu.memref_slice %arg5[%dma_start3A_64, %dma_start3A_65] : memref<8208x128xf32, #tpu.memory_space<vmem_shared>> -> memref<8208x128xf32, #tpu.memory_space<vmem_shared>>
      tpu.enqueue_indirect_dma source(%arg7 : memref<128x128xf32, #tpu.memory_space<vmem>>) target(%dma_start3A_66 : memref<8208x128xf32, #tpu.memory_space<vmem_shared>>) offsets(%dma_start3A_63 : memref<128xi32, #tpu.memory_space<vmem>>) semaphore(%run_scoped3A_60 : memref<!tpu.dma_semaphore, #tpu.memory_space<semaphore_mem>>) {add = true}
      %dma_wait3A_67 = arith.constant 0 : i32
      %dma_wait3A_68 = tpu.memref_slice %arg8[%run_scoped3A_56, %dma_wait3A_67] : memref<4x128xi32, #tpu.memory_space<vmem>> -> memref<1x128xi32, #tpu.memory_space<vmem>>
      %dma_wait3A_69 = tpu.memref_squeeze %dma_wait3A_68 : memref<1x128xi32, #tpu.memory_space<vmem>> -> memref<128xi32, #tpu.memory_space<vmem>>
      %dma_wait3A_70 = arith.constant 0 : i32
      %dma_wait3A_71 = arith.constant 0 : i32
      %dma_wait3A_72 = tpu.memref_slice %arg5[%dma_wait3A_70, %dma_wait3A_71] : memref<8208x128xf32, #tpu.memory_space<vmem_shared>> -> memref<8208x128xf32, #tpu.memory_space<vmem_shared>>
      tpu.wait_indirect_dma semaphore(%run_scoped3A_60 : memref<!tpu.dma_semaphore, #tpu.memory_space<semaphore_mem>>) src(%arg7 : memref<128x128xf32, #tpu.memory_space<vmem>>) dst(%dma_wait3A_72 : memref<8208x128xf32, #tpu.memory_space<vmem_shared>>)
      tpu.yield
    }) : () -> ()
    %barrier3A_57 = arith.constant 0 : index
    tpu.barrier barrier_id(%barrier3A_57)
    %mul3A_58 = arith.constant 512 : i32
    %mul3A_59 = arith.muli %arg1, %mul3A_58 : i32
    "tpu.region"() ({
      %run_scoped3A_60 = tpu.sem_alloc : memref<!tpu.dma_semaphore, #tpu.memory_space<semaphore_mem>>
      %dma_start3A_61 = arith.constant 0 : i32
      %dma_start3A_62 = tpu.memref_slice %arg4[%add3A, %dma_start3A_61] : memref<16384x128xf32, #tpu.memory_space<hbm>> -> memref<512x128xf32, #tpu.memory_space<hbm>>
      %dma_start3A_63 = arith.constant 0 : i32
      %dma_start3A_64 = tpu.memref_slice %arg5[%mul3A_59, %dma_start3A_63] : memref<8208x128xf32, #tpu.memory_space<vmem_shared>> -> memref<512x128xf32, #tpu.memory_space<vmem_shared>>
      tpu.enqueue_dma source(%dma_start3A_64 : memref<512x128xf32, #tpu.memory_space<vmem_shared>>) target(%dma_start3A_62 : memref<512x128xf32, #tpu.memory_space<hbm>>) target_semaphore(%run_scoped3A_60 : memref<!tpu.dma_semaphore, #tpu.memory_space<semaphore_mem>>)
      %dma_wait3A_65 = arith.constant 0 : i32
      %dma_wait3A_66 = tpu.memref_slice %arg4[%add3A, %dma_wait3A_65] : memref<16384x128xf32, #tpu.memory_space<hbm>> -> memref<512x128xf32, #tpu.memory_space<hbm>>
      %dma_wait3A_67 = arith.constant 0 : i32
      %dma_wait3A_68 = tpu.memref_slice %arg5[%mul3A_59, %dma_wait3A_67] : memref<8208x128xf32, #tpu.memory_space<vmem_shared>> -> memref<512x128xf32, #tpu.memory_space<vmem_shared>>
      tpu.wait_dma2 semaphore(%run_scoped3A_60 : memref<!tpu.dma_semaphore, #tpu.memory_space<semaphore_mem>>) src(%dma_wait3A_68 : memref<512x128xf32, #tpu.memory_space<vmem_shared>>) dst(%dma_wait3A_66 : memref<512x128xf32, #tpu.memory_space<hbm>>)
      tpu.yield
    }) : () -> ()
    return
  }
}

#map = affine_map<(d0, d1) -> (0, 0)>
module attributes {stable_mosaic.version = 14 : i64} {
  func.func @_scatter_body(%arg0: i32, %arg1: i32, %arg2: memref<16384x128xf32, #tpu.memory_space<hbm>>, %arg3: memref<128x128xi32, #tpu.memory_space<hbm>>, %arg4: memref<16384x128xf32, #tpu.memory_space<hbm>>, %arg5: memref<8208x128xf32, #tpu.memory_space<vmem_shared>>, %arg6: memref<128x128xf32, #tpu.memory_space<vmem>>, %arg7: memref<128x128xf32, #tpu.memory_space<vmem>>, %arg8: memref<4x128xi32, #tpu.memory_space<vmem>>, %arg9: memref<!tpu.dma_semaphore, #tpu.memory_space<semaphore_mem>>, %arg10: memref<!tpu.dma_semaphore, #tpu.memory_space<semaphore_mem>>, %arg11: memref<!tpu.dma_semaphore, #tpu.memory_space<semaphore_mem>>) attributes {dimension_semantics = [#tpu.dimension_semantics<core_parallel>, #tpu.dimension_semantics<subcore_parallel>], iteration_bounds = array<i64: 2, 16>, scalar_prefetch = 0 : i64, scratch_operands = 7 : i64, tpu.core_type = #tpu.core_type<sc_vector_subcore>, window_params = [{transform_indices = #map}, {transform_indices = #map}, {transform_indices = #map}]} {
    %mul3A = arith.constant 8192 : i32
    %mul3A_0 = arith.muli %arg0, %mul3A : i32
    %mul3A_1 = arith.constant 512 : i32
    %mul3A_2 = arith.muli %arg1, %mul3A_1 : i32
    %add3A = arith.addi %mul3A_0, %mul3A_2 : i32
    %mul3A_3 = arith.constant 512 : i32
    %mul3A_4 = arith.muli %arg1, %mul3A_3 : i32
    %dma_start3A = arith.constant 0 : i32
    %dma_start3A_5 = tpu.memref_slice %arg5[%mul3A_4, %dma_start3A] : memref<8208x128xf32, #tpu.memory_space<vmem_shared>> -> memref<512x128xf32, #tpu.memory_space<vmem_shared>>
    %dma_start3A_6 = arith.constant 0 : i32
    %dma_start3A_7 = tpu.memref_slice %arg2[%add3A, %dma_start3A_6] : memref<16384x128xf32, #tpu.memory_space<hbm>> -> memref<512x128xf32, #tpu.memory_space<hbm>>
    tpu.enqueue_dma source(%dma_start3A_7 : memref<512x128xf32, #tpu.memory_space<hbm>>) target(%dma_start3A_5 : memref<512x128xf32, #tpu.memory_space<vmem_shared>>) target_semaphore(%arg9 : memref<!tpu.dma_semaphore, #tpu.memory_space<semaphore_mem>>)
    %mul3A_8 = arith.constant 16 : i32
    %mul3A_9 = arith.muli %arg0, %mul3A_8 : i32
    %add3A_10 = arith.addi %mul3A_9, %arg1 : i32
    %mul3A_11 = arith.constant 4 : i32
    %mul3A_12 = arith.muli %add3A_10, %mul3A_11 : i32
    "tpu.region"() ({
      %run_scoped3A_60 = tpu.sem_alloc : memref<!tpu.dma_semaphore, #tpu.memory_space<semaphore_mem>>
      %dma_start3A_61 = arith.constant 0 : i32
      %dma_start3A_62 = tpu.memref_slice %arg3[%mul3A_12, %dma_start3A_61] : memref<128x128xi32, #tpu.memory_space<hbm>> -> memref<4x128xi32, #tpu.memory_space<hbm>>
      %dma_start3A_63 = arith.constant 0 : i32
      %dma_start3A_64 = tpu.memref_slice %arg3[%mul3A_12, %dma_start3A_63] : memref<128x128xi32, #tpu.memory_space<hbm>> -> memref<4x128xi32, #tpu.memory_space<hbm>>
      tpu.enqueue_dma source(%dma_start3A_64 : memref<4x128xi32, #tpu.memory_space<hbm>>) target(%arg8 : memref<4x128xi32, #tpu.memory_space<vmem>>) target_semaphore(%run_scoped3A_60 : memref<!tpu.dma_semaphore, #tpu.memory_space<semaphore_mem>>)
      %dma_wait3A_65 = arith.constant 0 : i32
      %dma_wait3A_66 = tpu.memref_slice %arg3[%mul3A_12, %dma_wait3A_65] : memref<128x128xi32, #tpu.memory_space<hbm>> -> memref<4x128xi32, #tpu.memory_space<hbm>>
      %dma_wait3A_67 = arith.constant 0 : i32
      %dma_wait3A_68 = tpu.memref_slice %arg3[%mul3A_12, %dma_wait3A_67] : memref<128x128xi32, #tpu.memory_space<hbm>> -> memref<4x128xi32, #tpu.memory_space<hbm>>
      tpu.wait_dma2 semaphore(%run_scoped3A_60 : memref<!tpu.dma_semaphore, #tpu.memory_space<semaphore_mem>>) src(%dma_wait3A_68 : memref<4x128xi32, #tpu.memory_space<hbm>>) dst(%arg8 : memref<4x128xi32, #tpu.memory_space<vmem>>)
      tpu.yield
    }) : () -> ()
    %dma_start3A_13 = arith.constant 0 : i32
    %dma_start3A_14 = tpu.memref_slice %arg2[%add3A, %dma_start3A_13] : memref<16384x128xf32, #tpu.memory_space<hbm>> -> memref<128x128xf32, #tpu.memory_space<hbm>>
    %dma_start3A_15 = arith.constant 0 : i32
    %dma_start3A_16 = tpu.memref_slice %arg2[%add3A, %dma_start3A_15] : memref<16384x128xf32, #tpu.memory_space<hbm>> -> memref<128x128xf32, #tpu.memory_space<hbm>>
    tpu.enqueue_dma source(%dma_start3A_16 : memref<128x128xf32, #tpu.memory_space<hbm>>) target(%arg6 : memref<128x128xf32, #tpu.memory_space<vmem>>) target_semaphore(%arg10 : memref<!tpu.dma_semaphore, #tpu.memory_space<semaphore_mem>>)
    %dma_wait3A = arith.constant 0 : i32
    %dma_wait3A_17 = tpu.memref_slice %arg5[%mul3A_4, %dma_wait3A] : memref<8208x128xf32, #tpu.memory_space<vmem_shared>> -> memref<512x128xf32, #tpu.memory_space<vmem_shared>>
    %dma_wait3A_18 = arith.constant 0 : i32
    %dma_wait3A_19 = tpu.memref_slice %arg2[%add3A, %dma_wait3A_18] : memref<16384x128xf32, #tpu.memory_space<hbm>> -> memref<512x128xf32, #tpu.memory_space<hbm>>
    tpu.wait_dma2 semaphore(%arg9 : memref<!tpu.dma_semaphore, #tpu.memory_space<semaphore_mem>>) src(%dma_wait3A_19 : memref<512x128xf32, #tpu.memory_space<hbm>>) dst(%dma_wait3A_17 : memref<512x128xf32, #tpu.memory_space<vmem_shared>>)
    %barrier3A = arith.constant 0 : index
    tpu.barrier barrier_id(%barrier3A)
    %dma_wait3A_20 = arith.constant 0 : i32
    %dma_wait3A_21 = tpu.memref_slice %arg2[%add3A, %dma_wait3A_20] : memref<16384x128xf32, #tpu.memory_space<hbm>> -> memref<128x128xf32, #tpu.memory_space<hbm>>
    %dma_wait3A_22 = arith.constant 0 : i32
    %dma_wait3A_23 = tpu.memref_slice %arg2[%add3A, %dma_wait3A_22] : memref<16384x128xf32, #tpu.memory_space<hbm>> -> memref<128x128xf32, #tpu.memory_space<hbm>>
    tpu.wait_dma2 semaphore(%arg10 : memref<!tpu.dma_semaphore, #tpu.memory_space<semaphore_mem>>) src(%dma_wait3A_23 : memref<128x128xf32, #tpu.memory_space<hbm>>) dst(%arg6 : memref<128x128xf32, #tpu.memory_space<vmem>>)
    %add3A_24 = arith.constant 128 : i32
    %add3A_25 = arith.addi %add3A, %add3A_24 : i32
    %dma_start3A_26 = arith.constant 0 : i32
    %dma_start3A_27 = tpu.memref_slice %arg2[%add3A_25, %dma_start3A_26] : memref<16384x128xf32, #tpu.memory_space<hbm>> -> memref<128x128xf32, #tpu.memory_space<hbm>>
    %dma_start3A_28 = arith.constant 0 : i32
    %dma_start3A_29 = tpu.memref_slice %arg2[%add3A_25, %dma_start3A_28] : memref<16384x128xf32, #tpu.memory_space<hbm>> -> memref<128x128xf32, #tpu.memory_space<hbm>>
    tpu.enqueue_dma source(%dma_start3A_29 : memref<128x128xf32, #tpu.memory_space<hbm>>) target(%arg7 : memref<128x128xf32, #tpu.memory_space<vmem>>) target_semaphore(%arg11 : memref<!tpu.dma_semaphore, #tpu.memory_space<semaphore_mem>>)
    %run_scoped3A = arith.constant 0 : i32
    "tpu.region"() ({
      %run_scoped3A_60 = tpu.sem_alloc : memref<!tpu.dma_semaphore, #tpu.memory_space<semaphore_mem>>
      %dma_start3A_61 = arith.constant 0 : i32
      %dma_start3A_62 = tpu.memref_slice %arg8[%run_scoped3A, %dma_start3A_61] : memref<4x128xi32, #tpu.memory_space<vmem>> -> memref<1x128xi32, #tpu.memory_space<vmem>>
      %dma_start3A_63 = tpu.memref_squeeze %dma_start3A_62 : memref<1x128xi32, #tpu.memory_space<vmem>> -> memref<128xi32, #tpu.memory_space<vmem>>
      %dma_start3A_64 = arith.constant 0 : i32
      %dma_start3A_65 = arith.constant 0 : i32
      %dma_start3A_66 = tpu.memref_slice %arg5[%dma_start3A_64, %dma_start3A_65] : memref<8208x128xf32, #tpu.memory_space<vmem_shared>> -> memref<8208x128xf32, #tpu.memory_space<vmem_shared>>
      tpu.enqueue_indirect_dma source(%arg6 : memref<128x128xf32, #tpu.memory_space<vmem>>) target(%dma_start3A_66 : memref<8208x128xf32, #tpu.memory_space<vmem_shared>>) offsets(%dma_start3A_63 : memref<128xi32, #tpu.memory_space<vmem>>) semaphore(%run_scoped3A_60 : memref<!tpu.dma_semaphore, #tpu.memory_space<semaphore_mem>>) {add = true}
      %dma_wait3A_67 = arith.constant 0 : i32
      %dma_wait3A_68 = tpu.memref_slice %arg8[%run_scoped3A, %dma_wait3A_67] : memref<4x128xi32, #tpu.memory_space<vmem>> -> memref<1x128xi32, #tpu.memory_space<vmem>>
      %dma_wait3A_69 = tpu.memref_squeeze %dma_wait3A_68 : memref<1x128xi32, #tpu.memory_space<vmem>> -> memref<128xi32, #tpu.memory_space<vmem>>
      %dma_wait3A_70 = arith.constant 0 : i32
      %dma_wait3A_71 = arith.constant 0 : i32
      %dma_wait3A_72 = tpu.memref_slice %arg5[%dma_wait3A_70, %dma_wait3A_71] : memref<8208x128xf32, #tpu.memory_space<vmem_shared>> -> memref<8208x128xf32, #tpu.memory_space<vmem_shared>>
      tpu.wait_indirect_dma semaphore(%run_scoped3A_60 : memref<!tpu.dma_semaphore, #tpu.memory_space<semaphore_mem>>) src(%arg6 : memref<128x128xf32, #tpu.memory_space<vmem>>) dst(%dma_wait3A_72 : memref<8208x128xf32, #tpu.memory_space<vmem_shared>>)
      tpu.yield
    }) : () -> ()
    %dma_wait3A_30 = arith.constant 0 : i32
    %dma_wait3A_31 = tpu.memref_slice %arg2[%add3A_25, %dma_wait3A_30] : memref<16384x128xf32, #tpu.memory_space<hbm>> -> memref<128x128xf32, #tpu.memory_space<hbm>>
    %dma_wait3A_32 = arith.constant 0 : i32
    %dma_wait3A_33 = tpu.memref_slice %arg2[%add3A_25, %dma_wait3A_32] : memref<16384x128xf32, #tpu.memory_space<hbm>> -> memref<128x128xf32, #tpu.memory_space<hbm>>
    tpu.wait_dma2 semaphore(%arg11 : memref<!tpu.dma_semaphore, #tpu.memory_space<semaphore_mem>>) src(%dma_wait3A_33 : memref<128x128xf32, #tpu.memory_space<hbm>>) dst(%arg7 : memref<128x128xf32, #tpu.memory_space<vmem>>)
    %add3A_34 = arith.constant 256 : i32
    %add3A_35 = arith.addi %add3A, %add3A_34 : i32
    %dma_start3A_36 = arith.constant 0 : i32
    %dma_start3A_37 = tpu.memref_slice %arg2[%add3A_35, %dma_start3A_36] : memref<16384x128xf32, #tpu.memory_space<hbm>> -> memref<128x128xf32, #tpu.memory_space<hbm>>
    %dma_start3A_38 = arith.constant 0 : i32
    %dma_start3A_39 = tpu.memref_slice %arg2[%add3A_35, %dma_start3A_38] : memref<16384x128xf32, #tpu.memory_space<hbm>> -> memref<128x128xf32, #tpu.memory_space<hbm>>
    tpu.enqueue_dma source(%dma_start3A_39 : memref<128x128xf32, #tpu.memory_space<hbm>>) target(%arg6 : memref<128x128xf32, #tpu.memory_space<vmem>>) target_semaphore(%arg10 : memref<!tpu.dma_semaphore, #tpu.memory_space<semaphore_mem>>)
    %run_scoped3A_40 = arith.constant 1 : i32
    "tpu.region"() ({
      %run_scoped3A_60 = tpu.sem_alloc : memref<!tpu.dma_semaphore, #tpu.memory_space<semaphore_mem>>
      %dma_start3A_61 = arith.constant 0 : i32
      %dma_start3A_62 = tpu.memref_slice %arg8[%run_scoped3A_40, %dma_start3A_61] : memref<4x128xi32, #tpu.memory_space<vmem>> -> memref<1x128xi32, #tpu.memory_space<vmem>>
      %dma_start3A_63 = tpu.memref_squeeze %dma_start3A_62 : memref<1x128xi32, #tpu.memory_space<vmem>> -> memref<128xi32, #tpu.memory_space<vmem>>
      %dma_start3A_64 = arith.constant 0 : i32
      %dma_start3A_65 = arith.constant 0 : i32
      %dma_start3A_66 = tpu.memref_slice %arg5[%dma_start3A_64, %dma_start3A_65] : memref<8208x128xf32, #tpu.memory_space<vmem_shared>> -> memref<8208x128xf32, #tpu.memory_space<vmem_shared>>
      tpu.enqueue_indirect_dma source(%arg7 : memref<128x128xf32, #tpu.memory_space<vmem>>) target(%dma_start3A_66 : memref<8208x128xf32, #tpu.memory_space<vmem_shared>>) offsets(%dma_start3A_63 : memref<128xi32, #tpu.memory_space<vmem>>) semaphore(%run_scoped3A_60 : memref<!tpu.dma_semaphore, #tpu.memory_space<semaphore_mem>>) {add = true}
      %dma_wait3A_67 = arith.constant 0 : i32
      %dma_wait3A_68 = tpu.memref_slice %arg8[%run_scoped3A_40, %dma_wait3A_67] : memref<4x128xi32, #tpu.memory_space<vmem>> -> memref<1x128xi32, #tpu.memory_space<vmem>>
      %dma_wait3A_69 = tpu.memref_squeeze %dma_wait3A_68 : memref<1x128xi32, #tpu.memory_space<vmem>> -> memref<128xi32, #tpu.memory_space<vmem>>
      %dma_wait3A_70 = arith.constant 0 : i32
      %dma_wait3A_71 = arith.constant 0 : i32
      %dma_wait3A_72 = tpu.memref_slice %arg5[%dma_wait3A_70, %dma_wait3A_71] : memref<8208x128xf32, #tpu.memory_space<vmem_shared>> -> memref<8208x128xf32, #tpu.memory_space<vmem_shared>>
      tpu.wait_indirect_dma semaphore(%run_scoped3A_60 : memref<!tpu.dma_semaphore, #tpu.memory_space<semaphore_mem>>) src(%arg7 : memref<128x128xf32, #tpu.memory_space<vmem>>) dst(%dma_wait3A_72 : memref<8208x128xf32, #tpu.memory_space<vmem_shared>>)
      tpu.yield
    }) : () -> ()
    %dma_wait3A_41 = arith.constant 0 : i32
    %dma_wait3A_42 = tpu.memref_slice %arg2[%add3A_35, %dma_wait3A_41] : memref<16384x128xf32, #tpu.memory_space<hbm>> -> memref<128x128xf32, #tpu.memory_space<hbm>>
    %dma_wait3A_43 = arith.constant 0 : i32
    %dma_wait3A_44 = tpu.memref_slice %arg2[%add3A_35, %dma_wait3A_43] : memref<16384x128xf32, #tpu.memory_space<hbm>> -> memref<128x128xf32, #tpu.memory_space<hbm>>
    tpu.wait_dma2 semaphore(%arg10 : memref<!tpu.dma_semaphore, #tpu.memory_space<semaphore_mem>>) src(%dma_wait3A_44 : memref<128x128xf32, #tpu.memory_space<hbm>>) dst(%arg6 : memref<128x128xf32, #tpu.memory_space<vmem>>)
    %add3A_45 = arith.constant 384 : i32
    %add3A_46 = arith.addi %add3A, %add3A_45 : i32
    %dma_start3A_47 = arith.constant 0 : i32
    %dma_start3A_48 = tpu.memref_slice %arg2[%add3A_46, %dma_start3A_47] : memref<16384x128xf32, #tpu.memory_space<hbm>> -> memref<128x128xf32, #tpu.memory_space<hbm>>
    %dma_start3A_49 = arith.constant 0 : i32
    %dma_start3A_50 = tpu.memref_slice %arg2[%add3A_46, %dma_start3A_49] : memref<16384x128xf32, #tpu.memory_space<hbm>> -> memref<128x128xf32, #tpu.memory_space<hbm>>
    tpu.enqueue_dma source(%dma_start3A_50 : memref<128x128xf32, #tpu.memory_space<hbm>>) target(%arg7 : memref<128x128xf32, #tpu.memory_space<vmem>>) target_semaphore(%arg11 : memref<!tpu.dma_semaphore, #tpu.memory_space<semaphore_mem>>)
    %run_scoped3A_51 = arith.constant 2 : i32
    "tpu.region"() ({
      %run_scoped3A_60 = tpu.sem_alloc : memref<!tpu.dma_semaphore, #tpu.memory_space<semaphore_mem>>
      %dma_start3A_61 = arith.constant 0 : i32
      %dma_start3A_62 = tpu.memref_slice %arg8[%run_scoped3A_51, %dma_start3A_61] : memref<4x128xi32, #tpu.memory_space<vmem>> -> memref<1x128xi32, #tpu.memory_space<vmem>>
      %dma_start3A_63 = tpu.memref_squeeze %dma_start3A_62 : memref<1x128xi32, #tpu.memory_space<vmem>> -> memref<128xi32, #tpu.memory_space<vmem>>
      %dma_start3A_64 = arith.constant 0 : i32
      %dma_start3A_65 = arith.constant 0 : i32
      %dma_start3A_66 = tpu.memref_slice %arg5[%dma_start3A_64, %dma_start3A_65] : memref<8208x128xf32, #tpu.memory_space<vmem_shared>> -> memref<8208x128xf32, #tpu.memory_space<vmem_shared>>
      tpu.enqueue_indirect_dma source(%arg6 : memref<128x128xf32, #tpu.memory_space<vmem>>) target(%dma_start3A_66 : memref<8208x128xf32, #tpu.memory_space<vmem_shared>>) offsets(%dma_start3A_63 : memref<128xi32, #tpu.memory_space<vmem>>) semaphore(%run_scoped3A_60 : memref<!tpu.dma_semaphore, #tpu.memory_space<semaphore_mem>>) {add = true}
      %dma_wait3A_67 = arith.constant 0 : i32
      %dma_wait3A_68 = tpu.memref_slice %arg8[%run_scoped3A_51, %dma_wait3A_67] : memref<4x128xi32, #tpu.memory_space<vmem>> -> memref<1x128xi32, #tpu.memory_space<vmem>>
      %dma_wait3A_69 = tpu.memref_squeeze %dma_wait3A_68 : memref<1x128xi32, #tpu.memory_space<vmem>> -> memref<128xi32, #tpu.memory_space<vmem>>
      %dma_wait3A_70 = arith.constant 0 : i32
      %dma_wait3A_71 = arith.constant 0 : i32
      %dma_wait3A_72 = tpu.memref_slice %arg5[%dma_wait3A_70, %dma_wait3A_71] : memref<8208x128xf32, #tpu.memory_space<vmem_shared>> -> memref<8208x128xf32, #tpu.memory_space<vmem_shared>>
      tpu.wait_indirect_dma semaphore(%run_scoped3A_60 : memref<!tpu.dma_semaphore, #tpu.memory_space<semaphore_mem>>) src(%arg6 : memref<128x128xf32, #tpu.memory_space<vmem>>) dst(%dma_wait3A_72 : memref<8208x128xf32, #tpu.memory_space<vmem_shared>>)
      tpu.yield
    }) : () -> ()
    %dma_wait3A_52 = arith.constant 0 : i32
    %dma_wait3A_53 = tpu.memref_slice %arg2[%add3A_46, %dma_wait3A_52] : memref<16384x128xf32, #tpu.memory_space<hbm>> -> memref<128x128xf32, #tpu.memory_space<hbm>>
    %dma_wait3A_54 = arith.constant 0 : i32
    %dma_wait3A_55 = tpu.memref_slice %arg2[%add3A_46, %dma_wait3A_54] : memref<16384x128xf32, #tpu.memory_space<hbm>> -> memref<128x128xf32, #tpu.memory_space<hbm>>
    tpu.wait_dma2 semaphore(%arg11 : memref<!tpu.dma_semaphore, #tpu.memory_space<semaphore_mem>>) src(%dma_wait3A_55 : memref<128x128xf32, #tpu.memory_space<hbm>>) dst(%arg7 : memref<128x128xf32, #tpu.memory_space<vmem>>)
    %run_scoped3A_56 = arith.constant 3 : i32
    "tpu.region"() ({
      %run_scoped3A_60 = tpu.sem_alloc : memref<!tpu.dma_semaphore, #tpu.memory_space<semaphore_mem>>
      %dma_start3A_61 = arith.constant 0 : i32
      %dma_start3A_62 = tpu.memref_slice %arg8[%run_scoped3A_56, %dma_start3A_61] : memref<4x128xi32, #tpu.memory_space<vmem>> -> memref<1x128xi32, #tpu.memory_space<vmem>>
      %dma_start3A_63 = tpu.memref_squeeze %dma_start3A_62 : memref<1x128xi32, #tpu.memory_space<vmem>> -> memref<128xi32, #tpu.memory_space<vmem>>
      %dma_start3A_64 = arith.constant 0 : i32
      %dma_start3A_65 = arith.constant 0 : i32
      %dma_start3A_66 = tpu.memref_slice %arg5[%dma_start3A_64, %dma_start3A_65] : memref<8208x128xf32, #tpu.memory_space<vmem_shared>> -> memref<8208x128xf32, #tpu.memory_space<vmem_shared>>
      tpu.enqueue_indirect_dma source(%arg7 : memref<128x128xf32, #tpu.memory_space<vmem>>) target(%dma_start3A_66 : memref<8208x128xf32, #tpu.memory_space<vmem_shared>>) offsets(%dma_start3A_63 : memref<128xi32, #tpu.memory_space<vmem>>) semaphore(%run_scoped3A_60 : memref<!tpu.dma_semaphore, #tpu.memory_space<semaphore_mem>>) {add = true}
      %dma_wait3A_67 = arith.constant 0 : i32
      %dma_wait3A_68 = tpu.memref_slice %arg8[%run_scoped3A_56, %dma_wait3A_67] : memref<4x128xi32, #tpu.memory_space<vmem>> -> memref<1x128xi32, #tpu.memory_space<vmem>>
      %dma_wait3A_69 = tpu.memref_squeeze %dma_wait3A_68 : memref<1x128xi32, #tpu.memory_space<vmem>> -> memref<128xi32, #tpu.memory_space<vmem>>
      %dma_wait3A_70 = arith.constant 0 : i32
      %dma_wait3A_71 = arith.constant 0 : i32
      %dma_wait3A_72 = tpu.memref_slice %arg5[%dma_wait3A_70, %dma_wait3A_71] : memref<8208x128xf32, #tpu.memory_space<vmem_shared>> -> memref<8208x128xf32, #tpu.memory_space<vmem_shared>>
      tpu.wait_indirect_dma semaphore(%run_scoped3A_60 : memref<!tpu.dma_semaphore, #tpu.memory_space<semaphore_mem>>) src(%arg7 : memref<128x128xf32, #tpu.memory_space<vmem>>) dst(%dma_wait3A_72 : memref<8208x128xf32, #tpu.memory_space<vmem_shared>>)
      tpu.yield
    }) : () -> ()
    %barrier3A_57 = arith.constant 0 : index
    tpu.barrier barrier_id(%barrier3A_57)
    %mul3A_58 = arith.constant 512 : i32
    %mul3A_59 = arith.muli %arg1, %mul3A_58 : i32
    "tpu.region"() ({
      %run_scoped3A_60 = tpu.sem_alloc : memref<!tpu.dma_semaphore, #tpu.memory_space<semaphore_mem>>
      %dma_start3A_61 = arith.constant 0 : i32
      %dma_start3A_62 = tpu.memref_slice %arg4[%add3A, %dma_start3A_61] : memref<16384x128xf32, #tpu.memory_space<hbm>> -> memref<512x128xf32, #tpu.memory_space<hbm>>
      %dma_start3A_63 = arith.constant 0 : i32
      %dma_start3A_64 = tpu.memref_slice %arg5[%mul3A_59, %dma_start3A_63] : memref<8208x128xf32, #tpu.memory_space<vmem_shared>> -> memref<512x128xf32, #tpu.memory_space<vmem_shared>>
      tpu.enqueue_dma source(%dma_start3A_64 : memref<512x128xf32, #tpu.memory_space<vmem_shared>>) target(%dma_start3A_62 : memref<512x128xf32, #tpu.memory_space<hbm>>) target_semaphore(%run_scoped3A_60 : memref<!tpu.dma_semaphore, #tpu.memory_space<semaphore_mem>>)
      %dma_wait3A_65 = arith.constant 0 : i32
      %dma_wait3A_66 = tpu.memref_slice %arg4[%add3A, %dma_wait3A_65] : memref<16384x128xf32, #tpu.memory_space<hbm>> -> memref<512x128xf32, #tpu.memory_space<hbm>>
      %dma_wait3A_67 = arith.constant 0 : i32
      %dma_wait3A_68 = tpu.memref_slice %arg5[%mul3A_59, %dma_wait3A_67] : memref<8208x128xf32, #tpu.memory_space<vmem_shared>> -> memref<512x128xf32, #tpu.memory_space<vmem_shared>>
      tpu.wait_dma2 semaphore(%run_scoped3A_60 : memref<!tpu.dma_semaphore, #tpu.memory_space<semaphore_mem>>) src(%dma_wait3A_68 : memref<512x128xf32, #tpu.memory_space<vmem_shared>>) dst(%dma_wait3A_66 : memref<512x128xf32, #tpu.memory_space<hbm>>)
      tpu.yield
    }) : () -> ()
    return
  }
}

module attributes {stable_mosaic.version = 14 : i64} {
  func.func @_post1a_body(%arg0: i32, %arg1: memref<1024x128xf32, #tpu.memory_space<vmem>>, %arg2: memref<1024x128xf32, #tpu.memory_space<vmem>>, %arg3: memref<1024x1xf32, #tpu.memory_space<vmem>>, %arg4: memref<1x128xf32, #tpu.memory_space<vmem>>, %arg5: memref<1x1xf32, #tpu.memory_space<vmem>>, %arg6: memref<1024x128xf32, #tpu.memory_space<vmem>>, %arg7: memref<8x128xf32, #tpu.memory_space<vmem>>) attributes {dimension_semantics = [#tpu.dimension_semantics<arbitrary>], iteration_bounds = array<i64: 16>, scalar_prefetch = 0 : i64, scratch_operands = 0 : i64, tpu.core_type = #tpu.core_type<tc>, window_params = [{transform_indices = @transform_0, window_bounds = array<i64: 1024, 128>}, {transform_indices = @transform_1, window_bounds = array<i64: 1024, 128>}, {transform_indices = @transform_2, window_bounds = array<i64: 1024, 1>}, {pipeline_mode = #tpu.pipeline_mode<synchronous>, transform_indices = @transform_3, window_bounds = array<i64: 1, 128>}, {pipeline_mode = #tpu.pipeline_mode<synchronous>, transform_indices = @transform_4, window_bounds = array<i64: 1, 1>}, {transform_indices = @transform_5, window_bounds = array<i64: 1024, 128>}, {pipeline_mode = #tpu.pipeline_mode<synchronous>, transform_indices = @transform_6, window_bounds = array<i64: 8, 128>}]} {
    %get3A = arith.constant 0 : index
    %get3A_0 = arith.constant 0 : index
    %get3A_1 = vector.load %arg3[%get3A, %get3A_0] : memref<1024x1xf32, #tpu.memory_space<vmem>>, vector<1024x1xf32>
    %get3A_2 = arith.constant 0 : index
    %get3A_3 = arith.constant 0 : index
    %get3A_4 = vector.load %arg2[%get3A_2, %get3A_3] : memref<1024x128xf32, #tpu.memory_space<vmem>>, vector<1024x128xf32>
    %mul3A = vector.broadcast %get3A_1 : vector<1024x1xf32> to vector<1024x128xf32>
    %mul3A_5 = arith.mulf %mul3A, %get3A_4 : vector<1024x128xf32>
    %get3A_6 = arith.constant 0 : index
    %get3A_7 = arith.constant 0 : index
    %get3A_8 = vector.load %arg4[%get3A_6, %get3A_7] : memref<1x128xf32, #tpu.memory_space<vmem>>, vector<1x128xf32>
    %add3A = vector.broadcast %get3A_8 : vector<1x128xf32> to vector<1024x128xf32>
    %add3A_9 = arith.addf %mul3A_5, %add3A : vector<1024x128xf32>
    %get3A_10 = arith.constant 0 : index
    %get3A_11 = arith.constant 0 : index
    %get3A_12 = vector.load %arg1[%get3A_10, %get3A_11] : memref<1024x128xf32, #tpu.memory_space<vmem>>, vector<1024x128xf32>
    %mul3A_13 = arith.mulf %get3A_12, %get3A_12 : vector<1024x128xf32>
    %reduce_sum3A = arith.constant dense<0.000000e+00> : vector<1024xf32>
    %reduce_sum3A_14 = vector.multi_reduction <add>, %mul3A_13, %reduce_sum3A [1] : vector<1024x128xf32> to vector<1024xf32>
    %broadcast_in_dim3A = vector.shape_cast %reduce_sum3A_14 : vector<1024xf32> to vector<1024x1xf32>
    %sqrt3A = math.sqrt %broadcast_in_dim3A : vector<1024x1xf32>
    %get3A_15 = arith.constant 0 : index
    %get3A_16 = arith.constant 0 : index
    %get3A_17 = vector.load %arg5[%get3A_15, %get3A_16] : memref<1x1xf32, #tpu.memory_space<vmem>>, vector<1x1xf32>
    %mul3A_18 = arith.mulf %add3A_9, %add3A_9 : vector<1024x128xf32>
    %reduce_sum3A_19 = arith.constant dense<0.000000e+00> : vector<1024xf32>
    %reduce_sum3A_20 = vector.multi_reduction <add>, %mul3A_18, %reduce_sum3A_19 [1] : vector<1024x128xf32> to vector<1024xf32>
    %broadcast_in_dim3A_21 = vector.shape_cast %reduce_sum3A_20 : vector<1024xf32> to vector<1024x1xf32>
    %sqrt3A_22 = math.sqrt %broadcast_in_dim3A_21 : vector<1024x1xf32>
    %max3A = arith.constant 9.99999996E-13 : f32
    %max3A_23 = vector.broadcast %max3A : f32 to vector<1024x1xf32>
    %max3A_24 = arith.maximumf %sqrt3A_22, %max3A_23 : vector<1024x1xf32>
    %div3A = vector.broadcast %max3A_24 : vector<1024x1xf32> to vector<1024x128xf32>
    %div3A_25 = arith.divf %add3A_9, %div3A : vector<1024x128xf32>
    %mul3A_26 = vector.broadcast %sqrt3A : vector<1024x1xf32> to vector<1024x128xf32>
    %mul3A_27 = arith.mulf %div3A_25, %mul3A_26 : vector<1024x128xf32>
    %mul3A_28 = vector.broadcast %get3A_17 : vector<1x1xf32> to vector<1024x128xf32>
    %mul3A_29 = arith.mulf %mul3A_27, %mul3A_28 : vector<1024x128xf32>
    %add3A_30 = arith.addf %mul3A_29, %get3A_12 : vector<1024x128xf32>
    %swap3A = arith.constant 0 : index
    %swap3A_31 = arith.constant 0 : index
    %swap3A_32 = vector.load %arg6[%swap3A, %swap3A_31] : memref<1024x128xf32, #tpu.memory_space<vmem>>, vector<1024x128xf32>
    tpu.vector_store %arg6[%swap3A, %swap3A_31], %add3A_30 {strides = array<i32>} : memref<1024x128xf32, #tpu.memory_space<vmem>>, vector<1024x128xf32>,
    %eq3A = arith.constant 0 : i32
    %eq3A_33 = arith.cmpi eq, %arg0, %eq3A : i32
    %convert_element_type3A = arith.extui %eq3A_33 : i1 to i32
    %cond3A = arith.constant 0 : i32
    %cond3A_34 = arith.cmpi ne, %convert_element_type3A, %cond3A : i32
    scf.if %cond3A_34 {
      %broadcast_in_dim3A_56 = arith.constant 0.000000e+00 : f32
      %broadcast_in_dim3A_57 = vector.broadcast %broadcast_in_dim3A_56 : f32 to vector<8x128xf32>
      %swap3A_58 = arith.constant 0 : index
      %swap3A_59 = arith.constant 0 : index
      %swap3A_60 = vector.load %arg7[%swap3A_58, %swap3A_59] : memref<8x128xf32, #tpu.memory_space<vmem>>, vector<8x128xf32>
      tpu.vector_store %arg7[%swap3A_58, %swap3A_59], %broadcast_in_dim3A_57 {strides = array<i32>} : memref<8x128xf32, #tpu.memory_space<vmem>>, vector<8x128xf32>,
    } else {
    }
    %get3A_35 = arith.constant 0 : index
    %get3A_36 = arith.constant 0 : index
    %get3A_37 = vector.load %arg7[%get3A_35, %get3A_36] : memref<8x128xf32, #tpu.memory_space<vmem>>, vector<1x128xf32>
    %reduce_sum3A_38 = arith.constant dense<0.000000e+00> : vector<128xf32>
    %reduce_sum3A_39 = vector.multi_reduction <add>, %add3A_30, %reduce_sum3A_38 [0] : vector<1024x128xf32> to vector<128xf32>
    %broadcast_in_dim3A_40 = vector.shape_cast %reduce_sum3A_39 : vector<128xf32> to vector<1x128xf32>
    %add3A_41 = arith.addf %get3A_37, %broadcast_in_dim3A_40 : vector<1x128xf32>
    %swap3A_42 = arith.constant 0 : index
    %swap3A_43 = arith.constant 0 : index
    %swap3A_44 = vector.load %arg7[%swap3A_42, %swap3A_43] : memref<8x128xf32, #tpu.memory_space<vmem>>, vector<1x128xf32>
    tpu.vector_store %arg7[%swap3A_42, %swap3A_43], %add3A_41 {strides = array<i32>} : memref<8x128xf32, #tpu.memory_space<vmem>>, vector<1x128xf32>,
    %get3A_45 = arith.constant 1 : index
    %get3A_46 = arith.constant 0 : index
    %get3A_47 = vector.load %arg7[%get3A_45, %get3A_46] : memref<8x128xf32, #tpu.memory_space<vmem>>, vector<1x128xf32>
    %mul3A_48 = arith.mulf %add3A_30, %add3A_30 : vector<1024x128xf32>
    %reduce_sum3A_49 = arith.constant dense<0.000000e+00> : vector<128xf32>
    %reduce_sum3A_50 = vector.multi_reduction <add>, %mul3A_48, %reduce_sum3A_49 [0] : vector<1024x128xf32> to vector<128xf32>
    %broadcast_in_dim3A_51 = vector.shape_cast %reduce_sum3A_50 : vector<128xf32> to vector<1x128xf32>
    %add3A_52 = arith.addf %get3A_47, %broadcast_in_dim3A_51 : vector<1x128xf32>
    %swap3A_53 = arith.constant 1 : index
    %swap3A_54 = arith.constant 0 : index
    %swap3A_55 = vector.load %arg7[%swap3A_53, %swap3A_54] : memref<8x128xf32, #tpu.memory_space<vmem>>, vector<1x128xf32>
    tpu.vector_store %arg7[%swap3A_53, %swap3A_54], %add3A_52 {strides = array<i32>} : memref<8x128xf32, #tpu.memory_space<vmem>>, vector<1x128xf32>,
    return
  }
  func.func @transform_0(%arg0: i32) -> (i32, i32) {
    %c0_i32 = arith.constant 0 : i32
    %c0_i32_0 = arith.constant 0 : i32
    return %arg0, %c0_i32 : i32, i32
  }
  func.func @transform_1(%arg0: i32) -> (i32, i32) {
    %c0_i32 = arith.constant 0 : i32
    %c0_i32_0 = arith.constant 0 : i32
    return %arg0, %c0_i32 : i32, i32
  }
  func.func @transform_2(%arg0: i32) -> (i32, i32) {
    %c0_i32 = arith.constant 0 : i32
    %c0_i32_0 = arith.constant 0 : i32
    return %arg0, %c0_i32 : i32, i32
  }
  func.func @transform_3(%arg0: i32) -> (i32, i32) {
    %c0_i32 = arith.constant 0 : i32
    %c0_i32_0 = arith.constant 0 : i32
    %c0_i32_1 = arith.constant 0 : i32
    return %c0_i32, %c0_i32_0 : i32, i32
  }
  func.func @transform_4(%arg0: i32) -> (i32, i32) {
    %c0_i32 = arith.constant 0 : i32
    %c0_i32_0 = arith.constant 0 : i32
    %c0_i32_1 = arith.constant 0 : i32
    return %c0_i32, %c0_i32_0 : i32, i32
  }
  func.func @transform_5(%arg0: i32) -> (i32, i32) {
    %c0_i32 = arith.constant 0 : i32
    %c0_i32_0 = arith.constant 0 : i32
    return %arg0, %c0_i32 : i32, i32
  }
  func.func @transform_6(%arg0: i32) -> (i32, i32) {
    %c0_i32 = arith.constant 0 : i32
    %c0_i32_0 = arith.constant 0 : i32
    %c0_i32_1 = arith.constant 0 : i32
    return %c0_i32, %c0_i32_0 : i32, i32
  }
}

module attributes {stable_mosaic.version = 14 : i64} {
  func.func @_edges_body(%arg0: i32, %arg1: memref<1x2048x128xf32, #tpu.memory_space<vmem>>, %arg2: memref<128x128xf32, #tpu.memory_space<vmem>>, %arg3: memref<1x1x2048xi32, #tpu.memory_space<vmem>>, %arg4: memref<2048x1xf32, #tpu.memory_space<vmem>>, %arg5: memref<2048x128xf32, #tpu.memory_space<vmem>>) attributes {dimension_semantics = [#tpu.dimension_semantics<arbitrary>], iteration_bounds = array<i64: 8>, scalar_prefetch = 0 : i64, scratch_operands = 0 : i64, tpu.core_type = #tpu.core_type<tc>, window_params = [{transform_indices = @transform_0, window_bounds = array<i64: 1, 2048, 128>}, {pipeline_mode = #tpu.pipeline_mode<synchronous>, transform_indices = @transform_1, window_bounds = array<i64: 128, 128>}, {transform_indices = @transform_2, window_bounds = array<i64: 1, 1, 2048>}, {transform_indices = @transform_3, window_bounds = array<i64: 2048, 1>}, {transform_indices = @transform_4, window_bounds = array<i64: 2048, 128>}]} {
    %get3A = arith.constant 0 : index
    %get3A_0 = arith.constant 0 : index
    %get3A_1 = arith.constant 0 : index
    %get3A_2 = vector.load %arg1[%get3A, %get3A_0, %get3A_1] : memref<1x2048x128xf32, #tpu.memory_space<vmem>>, vector<1x2048x128xf32>
    %get3A_3 = vector.shape_cast %get3A_2 : vector<1x2048x128xf32> to vector<2048x128xf32>
    %jit3A = arith.constant 4 : i32
    %eq3A = arith.constant 0 : i32
    %eq3A_4 = arith.cmpi eq, %jit3A, %eq3A : i32
    %jit3A_5 = arith.constant 1 : i32
    %select_n3A = arith.select %eq3A_4, %jit3A_5, %jit3A : i32
    %rem3A = arith.remsi %arg0, %select_n3A : i32
    %ne3A = arith.constant 0 : i32
    %ne3A_6 = arith.cmpi ne, %rem3A, %ne3A : i32
    %lt3A = arith.constant 0 : i32
    %lt3A_7 = arith.cmpi slt, %rem3A, %lt3A : i32
    %lt3A_8 = arith.constant 0 : i32
    %lt3A_9 = arith.cmpi slt, %select_n3A, %lt3A_8 : i32
    %ne3A_10 = arith.xori %lt3A_7, %lt3A_9 : i1
    %and3A = arith.andi %ne3A_10, %ne3A_6 : i1
    %add3A = arith.addi %rem3A, %select_n3A : i32
    %select_n3A_11 = arith.select %and3A, %add3A, %rem3A : i32
    %mul3A = arith.constant 2048 : i32
    %mul3A_12 = arith.muli %select_n3A_11, %mul3A : i32
    %iota3A = tpu.iota {dimensions = array<i32: 1>} : vector<512x2048xi32>
    %add3A_13 = arith.constant 1 : i32
    %add3A_14 = vector.broadcast %add3A_13 : i32 to vector<512x2048xi32>
    %add3A_15 = arith.addi %iota3A, %add3A_14 : vector<512x2048xi32>
    %convert_element_type3A = arith.sitofp %add3A_15 : vector<512x2048xi32> to vector<512x2048xf32>
    %broadcast_in_dim3A = arith.constant 0.000000e+00 : f32
    %broadcast_in_dim3A_16 = vector.broadcast %broadcast_in_dim3A : f32 to vector<2048xf32>
    %scan3A = arith.constant 0 : i32
    %scan3A_17 = arith.constant 4 : i32
    %scan3A_18 = arith.addi %scan3A, %scan3A_17 : i32
    %scan3A_19 = arith.constant 1 : i32
    %scan3A_20 = scf.for %scan3A_36 = %scan3A to %scan3A_18 step %scan3A_19 iter_args(%scan3A_37 = %broadcast_in_dim3A_16) -> (vector<2048xf32>)  : i32 {
      %mul3A_38 = arith.constant 512 : i32
      %mul3A_39 = arith.muli %scan3A_36, %mul3A_38 : i32
      %get3A_40 = arith.constant 0 : index
      %get3A_41 = arith.index_cast %mul3A_39 : i32 to index
      %get3A_42 = arith.constant 0 : index
      %get3A_43 = vector.load %arg1[%get3A_40, %get3A_41, %get3A_42] : memref<1x2048x128xf32, #tpu.memory_space<vmem>>, vector<1x512x128xf32>
      %get3A_44 = vector.shape_cast %get3A_43 : vector<1x512x128xf32> to vector<512x128xf32>
      %dot_general3A_45 = arith.constant dense<0.000000e+00> : vector<512x2048xf32>
      %dot_general3A_46 = tpu.matmul %get3A_44, %get3A_3, %dot_general3A_45 {dimension_numbers = #tpu.dot_dimension_numbers<[1], [1], [0], [0], [0, 0, 1, 0], [], []>, transpose_lhs_hint = false} : vector<512x128xf32>, vector<2048x128xf32>, vector<512x2048xf32> -> vector<512x2048xf32>
      %reduce_max3A = arith.constant dense<0xFF800000> : vector<512xf32>
      %reduce_max3A_47 = vector.multi_reduction <maximumf>, %dot_general3A_46, %reduce_max3A [1] : vector<512x2048xf32> to vector<512xf32>
      %broadcast_in_dim3A_48 = vector.shape_cast %reduce_max3A_47 : vector<512xf32> to vector<512x1xf32>
      %sub3A = vector.broadcast %broadcast_in_dim3A_48 : vector<512x1xf32> to vector<512x2048xf32>
      %sub3A_49 = arith.subf %dot_general3A_46, %sub3A : vector<512x2048xf32>
      %exp3A = math.exp %sub3A_49 : vector<512x2048xf32>
      %reduce_sum3A = arith.constant dense<0.000000e+00> : vector<512xf32>
      %reduce_sum3A_50 = vector.multi_reduction <add>, %exp3A, %reduce_sum3A [1] : vector<512x2048xf32> to vector<512xf32>
      %broadcast_in_dim3A_51 = vector.shape_cast %reduce_sum3A_50 : vector<512xf32> to vector<512x1xf32>
      %mul3A_52 = arith.constant 0.699999988 : f32
      %mul3A_53 = vector.broadcast %mul3A_52 : f32 to vector<512x1xf32>
      %mul3A_54 = arith.mulf %mul3A_53, %broadcast_in_dim3A_51 : vector<512x1xf32>
      %gt3A = vector.broadcast %mul3A_54 : vector<512x1xf32> to vector<512x2048xf32>
      %gt3A_55 = arith.cmpf ogt, %exp3A, %gt3A : vector<512x2048xf32>
      %convert_element_type3A_56 = arith.extui %gt3A_55 : vector<512x2048xi1> to vector<512x2048xi32>
      %convert_element_type3A_57 = arith.sitofp %convert_element_type3A_56 : vector<512x2048xi32> to vector<512x2048xf32>
      %mul3A_58 = arith.mulf %convert_element_type3A_57, %convert_element_type3A : vector<512x2048xf32>
      %reduce_max3A_59 = arith.constant dense<0xFF800000> : vector<512xf32>
      %reduce_max3A_60 = vector.multi_reduction <maximumf>, %mul3A_58, %reduce_max3A_59 [1] : vector<512x2048xf32> to vector<512xf32>
      %gt3A_61 = arith.constant 5.000000e-01 : f32
      %gt3A_62 = vector.broadcast %gt3A_61 : f32 to vector<512xf32>
      %gt3A_63 = arith.cmpf ogt, %reduce_max3A_60, %gt3A_62 : vector<512xf32>
      %convert_element_type3A_64 = arith.fptosi %reduce_max3A_60 : vector<512xf32> to vector<512xi32>
      %sub3A_65 = arith.constant 1 : i32
      %sub3A_66 = vector.broadcast %sub3A_65 : i32 to vector<512xi32>
      %sub3A_67 = arith.subi %convert_element_type3A_64, %sub3A_66 : vector<512xi32>
      %add3A_68 = vector.broadcast %mul3A_12 : i32 to vector<512xi32>
      %add3A_69 = arith.addi %sub3A_67, %add3A_68 : vector<512xi32>
      %jit3A_70 = arith.constant 8192 : i32
      %broadcast_in_dim3A_71 = vector.broadcast %jit3A_70 : i32 to vector<512xi32>
      %select_n3A_72 = arith.select %gt3A_63, %add3A_69, %broadcast_in_dim3A_71 : vector<512xi1>, vector<512xi32>
      %mul3A_73 = arith.constant 512 : i32
      %mul3A_74 = arith.muli %scan3A_36, %mul3A_73 : i32
      %swap3A_75 = arith.constant 0 : index
      %swap3A_76 = arith.constant 0 : index
      %swap3A_77 = arith.index_cast %mul3A_74 : i32 to index
      %swap3A_78 = vector.load %arg3[%swap3A_75, %swap3A_76, %swap3A_77] : memref<1x1x2048xi32, #tpu.memory_space<vmem>>, vector<1x1x512xi32>
      %swap3A_79 = vector.shape_cast %swap3A_78 : vector<1x1x512xi32> to vector<512xi32>
      %swap3A_80 = vector.shape_cast %select_n3A_72 : vector<512xi32> to vector<1x1x512xi32>
      tpu.vector_store %arg3[%swap3A_75, %swap3A_76, %swap3A_77], %swap3A_80 {strides = array<i32>} : memref<1x1x2048xi32, #tpu.memory_space<vmem>>, vector<1x1x512xi32>,
      %reduce_sum3A_81 = arith.constant dense<0.000000e+00> : vector<2048xf32>
      %reduce_sum3A_82 = vector.multi_reduction <add>, %convert_element_type3A_57, %reduce_sum3A_81 [0] : vector<512x2048xf32> to vector<2048xf32>
      %add3A_83 = arith.addf %scan3A_37, %reduce_sum3A_82 : vector<2048xf32>
      scf.yield %add3A_83 : vector<2048xf32>
    }
    %scan3A_21 = arith.constant 4 : i32
    %reshape3A = vector.shape_cast %scan3A_20 : vector<2048xf32> to vector<1x2048xf32>
    %transpose3A = tpu.transpose %reshape3A, [1, 0] : vector<1x2048xf32> -> vector<2048x1xf32>
    %add3A_22 = arith.constant 1.000000e+00 : f32
    %add3A_23 = vector.broadcast %add3A_22 : f32 to vector<2048x1xf32>
    %add3A_24 = arith.addf %add3A_23, %transpose3A : vector<2048x1xf32>
    %rsqrt3A = math.rsqrt %add3A_24 : vector<2048x1xf32>
    %swap3A = arith.constant 0 : index
    %swap3A_25 = arith.constant 0 : index
    %swap3A_26 = vector.load %arg4[%swap3A, %swap3A_25] : memref<2048x1xf32, #tpu.memory_space<vmem>>, vector<2048x1xf32>
    tpu.vector_store %arg4[%swap3A, %swap3A_25], %rsqrt3A {strides = array<i32>} : memref<2048x1xf32, #tpu.memory_space<vmem>>, vector<2048x1xf32>,
    %get3A_27 = arith.constant 0 : index
    %get3A_28 = arith.constant 0 : index
    %get3A_29 = vector.load %arg2[%get3A_27, %get3A_28] : memref<128x128xf32, #tpu.memory_space<vmem>>, vector<128x128xf32>
    %dot_general3A = arith.constant dense<0.000000e+00> : vector<2048x128xf32>
    %dot_general3A_30 = tpu.matmul %get3A_3, %get3A_29, %dot_general3A {dimension_numbers = #tpu.dot_dimension_numbers<[1], [0], [0], [1], [0, 0, 1, 1], [], []>, transpose_lhs_hint = false} : vector<2048x128xf32>, vector<128x128xf32>, vector<2048x128xf32> -> vector<2048x128xf32>
    %mul3A_31 = vector.broadcast %rsqrt3A : vector<2048x1xf32> to vector<2048x128xf32>
    %mul3A_32 = arith.mulf %dot_general3A_30, %mul3A_31 : vector<2048x128xf32>
    %swap3A_33 = arith.constant 0 : index
    %swap3A_34 = arith.constant 0 : index
    %swap3A_35 = vector.load %arg5[%swap3A_33, %swap3A_34] : memref<2048x128xf32, #tpu.memory_space<vmem>>, vector<2048x128xf32>
    tpu.vector_store %arg5[%swap3A_33, %swap3A_34], %mul3A_32 {strides = array<i32>} : memref<2048x128xf32, #tpu.memory_space<vmem>>, vector<2048x128xf32>,
    return
  }
  func.func @transform_0(%arg0: i32) -> (i32, i32, i32) {
    %c0_i32 = arith.constant 0 : i32
    %c0_i32_0 = arith.constant 0 : i32
    %c0_i32_1 = arith.constant 0 : i32
    return %arg0, %c0_i32, %c0_i32_0 : i32, i32, i32
  }
  func.func @transform_1(%arg0: i32) -> (i32, i32) {
    %c0_i32 = arith.constant 0 : i32
    %c0_i32_0 = arith.constant 0 : i32
    %c0_i32_1 = arith.constant 0 : i32
    return %c0_i32, %c0_i32_0 : i32, i32
  }
  func.func @transform_2(%arg0: i32) -> (i32, i32, i32) {
    %c0_i32 = arith.constant 0 : i32
    %c0_i32_0 = arith.constant 0 : i32
    %c0_i32_1 = arith.constant 0 : i32
    return %arg0, %c0_i32, %c0_i32_0 : i32, i32, i32
  }
  func.func @transform_3(%arg0: i32) -> (i32, i32) {
    %c0_i32 = arith.constant 0 : i32
    %c0_i32_0 = arith.constant 0 : i32
    return %arg0, %c0_i32 : i32, i32
  }
  func.func @transform_4(%arg0: i32) -> (i32, i32) {
    %c0_i32 = arith.constant 0 : i32
    %c0_i32_0 = arith.constant 0 : i32
    return %arg0, %c0_i32 : i32, i32
  }
}

module attributes {stable_mosaic.version = 14 : i64} {
  func.func @_post1b_body(%arg0: i32, %arg1: memref<1024x128xf32, #tpu.memory_space<vmem>>, %arg2: memref<8x128xf32, #tpu.memory_space<vmem>>, %arg3: memref<1x128xf32, #tpu.memory_space<vmem>>, %arg4: memref<1x128xf32, #tpu.memory_space<vmem>>, %arg5: memref<1x128xf32, #tpu.memory_space<vmem>>, %arg6: memref<128x128xf32, #tpu.memory_space<vmem>>, %arg7: memref<1024x1xf32, #tpu.memory_space<vmem>>, %arg8: memref<1024x128xf32, #tpu.memory_space<vmem>>) attributes {dimension_semantics = [#tpu.dimension_semantics<arbitrary>], iteration_bounds = array<i64: 16>, scalar_prefetch = 0 : i64, scratch_operands = 0 : i64, tpu.core_type = #tpu.core_type<tc>, window_params = [{transform_indices = @transform_0, window_bounds = array<i64: 1024, 128>}, {pipeline_mode = #tpu.pipeline_mode<synchronous>, transform_indices = @transform_1, window_bounds = array<i64: 8, 128>}, {pipeline_mode = #tpu.pipeline_mode<synchronous>, transform_indices = @transform_2, window_bounds = array<i64: 1, 128>}, {pipeline_mode = #tpu.pipeline_mode<synchronous>, transform_indices = @transform_3, window_bounds = array<i64: 1, 128>}, {pipeline_mode = #tpu.pipeline_mode<synchronous>, transform_indices = @transform_4, window_bounds = array<i64: 1, 128>}, {pipeline_mode = #tpu.pipeline_mode<synchronous>, transform_indices = @transform_5, window_bounds = array<i64: 128, 128>}, {transform_indices = @transform_6, window_bounds = array<i64: 1024, 1>}, {transform_indices = @transform_7, window_bounds = array<i64: 1024, 128>}]} {
    %get3A = arith.constant 0 : index
    %get3A_0 = arith.constant 0 : index
    %get3A_1 = vector.load %arg1[%get3A, %get3A_0] : memref<1024x128xf32, #tpu.memory_space<vmem>>, vector<1024x128xf32>
    %get3A_2 = arith.constant 0 : index
    %get3A_3 = arith.constant 0 : index
    %get3A_4 = vector.load %arg2[%get3A_2, %get3A_3] : memref<8x128xf32, #tpu.memory_space<vmem>>, vector<1x128xf32>
    %mul3A = arith.constant 6.10351563E-5 : f32
    %mul3A_5 = vector.broadcast %mul3A : f32 to vector<1x128xf32>
    %mul3A_6 = arith.mulf %get3A_4, %mul3A_5 : vector<1x128xf32>
    %get3A_7 = arith.constant 0 : index
    %get3A_8 = arith.constant 0 : index
    %get3A_9 = vector.load %arg5[%get3A_7, %get3A_8] : memref<1x128xf32, #tpu.memory_space<vmem>>, vector<1x128xf32>
    %mul3A_10 = arith.mulf %mul3A_6, %get3A_9 : vector<1x128xf32>
    %get3A_11 = arith.constant 1 : index
    %get3A_12 = arith.constant 0 : index
    %get3A_13 = vector.load %arg2[%get3A_11, %get3A_12] : memref<8x128xf32, #tpu.memory_space<vmem>>, vector<1x128xf32>
    %mul3A_14 = arith.constant 6.10351563E-5 : f32
    %mul3A_15 = vector.broadcast %mul3A_14 : f32 to vector<1x128xf32>
    %mul3A_16 = arith.mulf %get3A_13, %mul3A_15 : vector<1x128xf32>
    %mul3A_17 = arith.constant 2.000000e+00 : f32
    %mul3A_18 = vector.broadcast %mul3A_17 : f32 to vector<1x128xf32>
    %mul3A_19 = arith.mulf %mul3A_18, %mul3A_10 : vector<1x128xf32>
    %mul3A_20 = arith.mulf %mul3A_19, %mul3A_6 : vector<1x128xf32>
    %sub3A = arith.subf %mul3A_16, %mul3A_20 : vector<1x128xf32>
    %mul3A_21 = arith.mulf %mul3A_10, %mul3A_10 : vector<1x128xf32>
    %add3A = arith.addf %sub3A, %mul3A_21 : vector<1x128xf32>
    %sub3A_22 = vector.broadcast %mul3A_10 : vector<1x128xf32> to vector<1024x128xf32>
    %sub3A_23 = arith.subf %get3A_1, %sub3A_22 : vector<1024x128xf32>
    %get3A_24 = arith.constant 0 : index
    %get3A_25 = arith.constant 0 : index
    %get3A_26 = vector.load %arg3[%get3A_24, %get3A_25] : memref<1x128xf32, #tpu.memory_space<vmem>>, vector<1x128xf32>
    %mul3A_27 = vector.broadcast %get3A_26 : vector<1x128xf32> to vector<1024x128xf32>
    %mul3A_28 = arith.mulf %mul3A_27, %sub3A_23 : vector<1024x128xf32>
    %add3A_29 = arith.constant 9.99999974E-6 : f32
    %add3A_30 = vector.broadcast %add3A_29 : f32 to vector<1x128xf32>
    %add3A_31 = arith.addf %add3A, %add3A_30 : vector<1x128xf32>
    %rsqrt3A = math.rsqrt %add3A_31 : vector<1x128xf32>
    %mul3A_32 = vector.broadcast %rsqrt3A : vector<1x128xf32> to vector<1024x128xf32>
    %mul3A_33 = arith.mulf %mul3A_28, %mul3A_32 : vector<1024x128xf32>
    %get3A_34 = arith.constant 0 : index
    %get3A_35 = arith.constant 0 : index
    %get3A_36 = vector.load %arg4[%get3A_34, %get3A_35] : memref<1x128xf32, #tpu.memory_space<vmem>>, vector<1x128xf32>
    %add3A_37 = vector.broadcast %get3A_36 : vector<1x128xf32> to vector<1024x128xf32>
    %add3A_38 = arith.addf %mul3A_33, %add3A_37 : vector<1024x128xf32>
    %mul3A_39 = arith.constant 5.000000e-01 : f32
    %mul3A_40 = vector.broadcast %mul3A_39 : f32 to vector<1024x128xf32>
    %mul3A_41 = arith.mulf %mul3A_40, %add3A_38 : vector<1024x128xf32>
    %mul3A_42 = arith.constant 0.707106769 : f32
    %mul3A_43 = vector.broadcast %mul3A_42 : f32 to vector<1024x128xf32>
    %mul3A_44 = arith.mulf %add3A_38, %mul3A_43 : vector<1024x128xf32>
    %erf3A = math.erf %mul3A_44 : vector<1024x128xf32>
    %add3A_45 = arith.constant 1.000000e+00 : f32
    %add3A_46 = vector.broadcast %add3A_45 : f32 to vector<1024x128xf32>
    %add3A_47 = arith.addf %add3A_46, %erf3A : vector<1024x128xf32>
    %mul3A_48 = arith.mulf %mul3A_41, %add3A_47 : vector<1024x128xf32>
    %get3A_49 = arith.constant 0 : index
    %get3A_50 = arith.constant 0 : index
    %get3A_51 = vector.load %arg6[%get3A_49, %get3A_50] : memref<128x128xf32, #tpu.memory_space<vmem>>, vector<128x128xf32>
    %dot_general3A = arith.constant dense<0.000000e+00> : vector<1024x128xf32>
    %dot_general3A_52 = tpu.matmul %mul3A_48, %get3A_51, %dot_general3A {dimension_numbers = #tpu.dot_dimension_numbers<[1], [0], [0], [1], [0, 0, 1, 1], [], []>, transpose_lhs_hint = false} : vector<1024x128xf32>, vector<128x128xf32>, vector<1024x128xf32> -> vector<1024x128xf32>
    %get3A_53 = arith.constant 0 : index
    %get3A_54 = arith.constant 0 : index
    %get3A_55 = vector.load %arg7[%get3A_53, %get3A_54] : memref<1024x1xf32, #tpu.memory_space<vmem>>, vector<1024x1xf32>
    %mul3A_56 = vector.broadcast %get3A_55 : vector<1024x1xf32> to vector<1024x128xf32>
    %mul3A_57 = arith.mulf %dot_general3A_52, %mul3A_56 : vector<1024x128xf32>
    %swap3A = arith.constant 0 : index
    %swap3A_58 = arith.constant 0 : index
    %swap3A_59 = vector.load %arg8[%swap3A, %swap3A_58] : memref<1024x128xf32, #tpu.memory_space<vmem>>, vector<1024x128xf32>
    tpu.vector_store %arg8[%swap3A, %swap3A_58], %mul3A_57 {strides = array<i32>} : memref<1024x128xf32, #tpu.memory_space<vmem>>, vector<1024x128xf32>,
    return
  }
  func.func @transform_0(%arg0: i32) -> (i32, i32) {
    %c0_i32 = arith.constant 0 : i32
    %c0_i32_0 = arith.constant 0 : i32
    return %arg0, %c0_i32 : i32, i32
  }
  func.func @transform_1(%arg0: i32) -> (i32, i32) {
    %c0_i32 = arith.constant 0 : i32
    %c0_i32_0 = arith.constant 0 : i32
    %c0_i32_1 = arith.constant 0 : i32
    return %c0_i32, %c0_i32_0 : i32, i32
  }
  func.func @transform_2(%arg0: i32) -> (i32, i32) {
    %c0_i32 = arith.constant 0 : i32
    %c0_i32_0 = arith.constant 0 : i32
    %c0_i32_1 = arith.constant 0 : i32
    return %c0_i32, %c0_i32_0 : i32, i32
  }
  func.func @transform_3(%arg0: i32) -> (i32, i32) {
    %c0_i32 = arith.constant 0 : i32
    %c0_i32_0 = arith.constant 0 : i32
    %c0_i32_1 = arith.constant 0 : i32
    return %c0_i32, %c0_i32_0 : i32, i32
  }
  func.func @transform_4(%arg0: i32) -> (i32, i32) {
    %c0_i32 = arith.constant 0 : i32
    %c0_i32_0 = arith.constant 0 : i32
    %c0_i32_1 = arith.constant 0 : i32
    return %c0_i32, %c0_i32_0 : i32, i32
  }
  func.func @transform_5(%arg0: i32) -> (i32, i32) {
    %c0_i32 = arith.constant 0 : i32
    %c0_i32_0 = arith.constant 0 : i32
    %c0_i32_1 = arith.constant 0 : i32
    return %c0_i32, %c0_i32_0 : i32, i32
  }
  func.func @transform_6(%arg0: i32) -> (i32, i32) {
    %c0_i32 = arith.constant 0 : i32
    %c0_i32_0 = arith.constant 0 : i32
    return %arg0, %c0_i32 : i32, i32
  }
  func.func @transform_7(%arg0: i32) -> (i32, i32) {
    %c0_i32 = arith.constant 0 : i32
    %c0_i32_0 = arith.constant 0 : i32
    return %arg0, %c0_i32 : i32, i32
  }
}

module attributes {stable_mosaic.version = 14 : i64} {
  func.func @_post2a_body(%arg0: i32, %arg1: memref<1024x128xf32, #tpu.memory_space<vmem>>, %arg2: memref<1024x128xf32, #tpu.memory_space<vmem>>, %arg3: memref<8x128xf32, #tpu.memory_space<vmem>>, %arg4: memref<1x128xf32, #tpu.memory_space<vmem>>, %arg5: memref<1x128xf32, #tpu.memory_space<vmem>>, %arg6: memref<1x128xf32, #tpu.memory_space<vmem>>, %arg7: memref<1024x128xf32, #tpu.memory_space<vmem>>, %arg8: memref<1024x1xf32, #tpu.memory_space<vmem>>, %arg9: memref<1x128xf32, #tpu.memory_space<vmem>>, %arg10: memref<1x1xf32, #tpu.memory_space<vmem>>, %arg11: memref<1x1xf32, #tpu.memory_space<vmem>>, %arg12: memref<1024x128xf32, #tpu.memory_space<vmem>>, %arg13: memref<8x128xf32, #tpu.memory_space<vmem>>) attributes {dimension_semantics = [#tpu.dimension_semantics<arbitrary>], iteration_bounds = array<i64: 16>, scalar_prefetch = 0 : i64, scratch_operands = 0 : i64, tpu.core_type = #tpu.core_type<tc>, window_params = [{transform_indices = @transform_0, window_bounds = array<i64: 1024, 128>}, {transform_indices = @transform_1, window_bounds = array<i64: 1024, 128>}, {pipeline_mode = #tpu.pipeline_mode<synchronous>, transform_indices = @transform_2, window_bounds = array<i64: 8, 128>}, {pipeline_mode = #tpu.pipeline_mode<synchronous>, transform_indices = @transform_3, window_bounds = array<i64: 1, 128>}, {pipeline_mode = #tpu.pipeline_mode<synchronous>, transform_indices = @transform_4, window_bounds = array<i64: 1, 128>}, {pipeline_mode = #tpu.pipeline_mode<synchronous>, transform_indices = @transform_5, window_bounds = array<i64: 1, 128>}, {transform_indices = @transform_6, window_bounds = array<i64: 1024, 128>}, {transform_indices = @transform_7, window_bounds = array<i64: 1024, 1>}, {pipeline_mode = #tpu.pipeline_mode<synchronous>, transform_indices = @transform_8, window_bounds = array<i64: 1, 128>}, {pipeline_mode = #tpu.pipeline_mode<synchronous>, transform_indices = @transform_9, window_bounds = array<i64: 1, 1>}, {pipeline_mode = #tpu.pipeline_mode<synchronous>, transform_indices = @transform_10, window_bounds = array<i64: 1, 1>}, {transform_indices = @transform_11, window_bounds = array<i64: 1024, 128>}, {pipeline_mode = #tpu.pipeline_mode<synchronous>, transform_indices = @transform_12, window_bounds = array<i64: 8, 128>}]} {
    %get3A = arith.constant 0 : index
    %get3A_0 = arith.constant 0 : index
    %get3A_1 = vector.load %arg2[%get3A, %get3A_0] : memref<1024x128xf32, #tpu.memory_space<vmem>>, vector<1024x128xf32>
    %get3A_2 = arith.constant 0 : index
    %get3A_3 = arith.constant 0 : index
    %get3A_4 = vector.load %arg3[%get3A_2, %get3A_3] : memref<8x128xf32, #tpu.memory_space<vmem>>, vector<1x128xf32>
    %mul3A = arith.constant 6.10351563E-5 : f32
    %mul3A_5 = vector.broadcast %mul3A : f32 to vector<1x128xf32>
    %mul3A_6 = arith.mulf %get3A_4, %mul3A_5 : vector<1x128xf32>
    %get3A_7 = arith.constant 0 : index
    %get3A_8 = arith.constant 0 : index
    %get3A_9 = vector.load %arg6[%get3A_7, %get3A_8] : memref<1x128xf32, #tpu.memory_space<vmem>>, vector<1x128xf32>
    %mul3A_10 = arith.mulf %mul3A_6, %get3A_9 : vector<1x128xf32>
    %get3A_11 = arith.constant 1 : index
    %get3A_12 = arith.constant 0 : index
    %get3A_13 = vector.load %arg3[%get3A_11, %get3A_12] : memref<8x128xf32, #tpu.memory_space<vmem>>, vector<1x128xf32>
    %mul3A_14 = arith.constant 6.10351563E-5 : f32
    %mul3A_15 = vector.broadcast %mul3A_14 : f32 to vector<1x128xf32>
    %mul3A_16 = arith.mulf %get3A_13, %mul3A_15 : vector<1x128xf32>
    %mul3A_17 = arith.constant 2.000000e+00 : f32
    %mul3A_18 = vector.broadcast %mul3A_17 : f32 to vector<1x128xf32>
    %mul3A_19 = arith.mulf %mul3A_18, %mul3A_10 : vector<1x128xf32>
    %mul3A_20 = arith.mulf %mul3A_19, %mul3A_6 : vector<1x128xf32>
    %sub3A = arith.subf %mul3A_16, %mul3A_20 : vector<1x128xf32>
    %mul3A_21 = arith.mulf %mul3A_10, %mul3A_10 : vector<1x128xf32>
    %add3A = arith.addf %sub3A, %mul3A_21 : vector<1x128xf32>
    %sub3A_22 = vector.broadcast %mul3A_10 : vector<1x128xf32> to vector<1024x128xf32>
    %sub3A_23 = arith.subf %get3A_1, %sub3A_22 : vector<1024x128xf32>
    %get3A_24 = arith.constant 0 : index
    %get3A_25 = arith.constant 0 : index
    %get3A_26 = vector.load %arg4[%get3A_24, %get3A_25] : memref<1x128xf32, #tpu.memory_space<vmem>>, vector<1x128xf32>
    %mul3A_27 = vector.broadcast %get3A_26 : vector<1x128xf32> to vector<1024x128xf32>
    %mul3A_28 = arith.mulf %mul3A_27, %sub3A_23 : vector<1024x128xf32>
    %add3A_29 = arith.constant 9.99999974E-6 : f32
    %add3A_30 = vector.broadcast %add3A_29 : f32 to vector<1x128xf32>
    %add3A_31 = arith.addf %add3A, %add3A_30 : vector<1x128xf32>
    %rsqrt3A = math.rsqrt %add3A_31 : vector<1x128xf32>
    %mul3A_32 = vector.broadcast %rsqrt3A : vector<1x128xf32> to vector<1024x128xf32>
    %mul3A_33 = arith.mulf %mul3A_28, %mul3A_32 : vector<1024x128xf32>
    %get3A_34 = arith.constant 0 : index
    %get3A_35 = arith.constant 0 : index
    %get3A_36 = vector.load %arg5[%get3A_34, %get3A_35] : memref<1x128xf32, #tpu.memory_space<vmem>>, vector<1x128xf32>
    %add3A_37 = vector.broadcast %get3A_36 : vector<1x128xf32> to vector<1024x128xf32>
    %add3A_38 = arith.addf %mul3A_33, %add3A_37 : vector<1024x128xf32>
    %mul3A_39 = arith.constant 5.000000e-01 : f32
    %mul3A_40 = vector.broadcast %mul3A_39 : f32 to vector<1024x128xf32>
    %mul3A_41 = arith.mulf %mul3A_40, %add3A_38 : vector<1024x128xf32>
    %mul3A_42 = arith.constant 0.707106769 : f32
    %mul3A_43 = vector.broadcast %mul3A_42 : f32 to vector<1024x128xf32>
    %mul3A_44 = arith.mulf %add3A_38, %mul3A_43 : vector<1024x128xf32>
    %erf3A = math.erf %mul3A_44 : vector<1024x128xf32>
    %add3A_45 = arith.constant 1.000000e+00 : f32
    %add3A_46 = vector.broadcast %add3A_45 : f32 to vector<1024x128xf32>
    %add3A_47 = arith.addf %add3A_46, %erf3A : vector<1024x128xf32>
    %mul3A_48 = arith.mulf %mul3A_41, %add3A_47 : vector<1024x128xf32>
    %get3A_49 = arith.constant 0 : index
    %get3A_50 = arith.constant 0 : index
    %get3A_51 = vector.load %arg8[%get3A_49, %get3A_50] : memref<1024x1xf32, #tpu.memory_space<vmem>>, vector<1024x1xf32>
    %get3A_52 = arith.constant 0 : index
    %get3A_53 = arith.constant 0 : index
    %get3A_54 = vector.load %arg7[%get3A_52, %get3A_53] : memref<1024x128xf32, #tpu.memory_space<vmem>>, vector<1024x128xf32>
    %mul3A_55 = vector.broadcast %get3A_51 : vector<1024x1xf32> to vector<1024x128xf32>
    %mul3A_56 = arith.mulf %mul3A_55, %get3A_54 : vector<1024x128xf32>
    %get3A_57 = arith.constant 0 : index
    %get3A_58 = arith.constant 0 : index
    %get3A_59 = vector.load %arg9[%get3A_57, %get3A_58] : memref<1x128xf32, #tpu.memory_space<vmem>>, vector<1x128xf32>
    %add3A_60 = vector.broadcast %get3A_59 : vector<1x128xf32> to vector<1024x128xf32>
    %add3A_61 = arith.addf %mul3A_56, %add3A_60 : vector<1024x128xf32>
    %mul3A_62 = arith.mulf %mul3A_48, %mul3A_48 : vector<1024x128xf32>
    %reduce_sum3A = arith.constant dense<0.000000e+00> : vector<1024xf32>
    %reduce_sum3A_63 = vector.multi_reduction <add>, %mul3A_62, %reduce_sum3A [1] : vector<1024x128xf32> to vector<1024xf32>
    %broadcast_in_dim3A = vector.shape_cast %reduce_sum3A_63 : vector<1024xf32> to vector<1024x1xf32>
    %sqrt3A = math.sqrt %broadcast_in_dim3A : vector<1024x1xf32>
    %get3A_64 = arith.constant 0 : index
    %get3A_65 = arith.constant 0 : index
    %get3A_66 = vector.load %arg10[%get3A_64, %get3A_65] : memref<1x1xf32, #tpu.memory_space<vmem>>, vector<1x1xf32>
    %mul3A_67 = arith.mulf %add3A_61, %add3A_61 : vector<1024x128xf32>
    %reduce_sum3A_68 = arith.constant dense<0.000000e+00> : vector<1024xf32>
    %reduce_sum3A_69 = vector.multi_reduction <add>, %mul3A_67, %reduce_sum3A_68 [1] : vector<1024x128xf32> to vector<1024xf32>
    %broadcast_in_dim3A_70 = vector.shape_cast %reduce_sum3A_69 : vector<1024xf32> to vector<1024x1xf32>
    %sqrt3A_71 = math.sqrt %broadcast_in_dim3A_70 : vector<1024x1xf32>
    %max3A = arith.constant 9.99999996E-13 : f32
    %max3A_72 = vector.broadcast %max3A : f32 to vector<1024x1xf32>
    %max3A_73 = arith.maximumf %sqrt3A_71, %max3A_72 : vector<1024x1xf32>
    %div3A = vector.broadcast %max3A_73 : vector<1024x1xf32> to vector<1024x128xf32>
    %div3A_74 = arith.divf %add3A_61, %div3A : vector<1024x128xf32>
    %mul3A_75 = vector.broadcast %sqrt3A : vector<1024x1xf32> to vector<1024x128xf32>
    %mul3A_76 = arith.mulf %div3A_74, %mul3A_75 : vector<1024x128xf32>
    %mul3A_77 = vector.broadcast %get3A_66 : vector<1x1xf32> to vector<1024x128xf32>
    %mul3A_78 = arith.mulf %mul3A_76, %mul3A_77 : vector<1024x128xf32>
    %add3A_79 = arith.addf %mul3A_78, %mul3A_48 : vector<1024x128xf32>
    %get3A_80 = arith.constant 0 : index
    %get3A_81 = arith.constant 0 : index
    %get3A_82 = vector.load %arg1[%get3A_80, %get3A_81] : memref<1024x128xf32, #tpu.memory_space<vmem>>, vector<1024x128xf32>
    %mul3A_83 = arith.mulf %get3A_82, %get3A_82 : vector<1024x128xf32>
    %reduce_sum3A_84 = arith.constant dense<0.000000e+00> : vector<1024xf32>
    %reduce_sum3A_85 = vector.multi_reduction <add>, %mul3A_83, %reduce_sum3A_84 [1] : vector<1024x128xf32> to vector<1024xf32>
    %broadcast_in_dim3A_86 = vector.shape_cast %reduce_sum3A_85 : vector<1024xf32> to vector<1024x1xf32>
    %sqrt3A_87 = math.sqrt %broadcast_in_dim3A_86 : vector<1024x1xf32>
    %get3A_88 = arith.constant 0 : index
    %get3A_89 = arith.constant 0 : index
    %get3A_90 = vector.load %arg11[%get3A_88, %get3A_89] : memref<1x1xf32, #tpu.memory_space<vmem>>, vector<1x1xf32>
    %mul3A_91 = arith.mulf %add3A_79, %add3A_79 : vector<1024x128xf32>
    %reduce_sum3A_92 = arith.constant dense<0.000000e+00> : vector<1024xf32>
    %reduce_sum3A_93 = vector.multi_reduction <add>, %mul3A_91, %reduce_sum3A_92 [1] : vector<1024x128xf32> to vector<1024xf32>
    %broadcast_in_dim3A_94 = vector.shape_cast %reduce_sum3A_93 : vector<1024xf32> to vector<1024x1xf32>
    %sqrt3A_95 = math.sqrt %broadcast_in_dim3A_94 : vector<1024x1xf32>
    %max3A_96 = arith.constant 9.99999996E-13 : f32
    %max3A_97 = vector.broadcast %max3A_96 : f32 to vector<1024x1xf32>
    %max3A_98 = arith.maximumf %sqrt3A_95, %max3A_97 : vector<1024x1xf32>
    %div3A_99 = vector.broadcast %max3A_98 : vector<1024x1xf32> to vector<1024x128xf32>
    %div3A_100 = arith.divf %add3A_79, %div3A_99 : vector<1024x128xf32>
    %mul3A_101 = vector.broadcast %sqrt3A_87 : vector<1024x1xf32> to vector<1024x128xf32>
    %mul3A_102 = arith.mulf %div3A_100, %mul3A_101 : vector<1024x128xf32>
    %mul3A_103 = vector.broadcast %get3A_90 : vector<1x1xf32> to vector<1024x128xf32>
    %mul3A_104 = arith.mulf %mul3A_102, %mul3A_103 : vector<1024x128xf32>
    %add3A_105 = arith.addf %mul3A_104, %get3A_82 : vector<1024x128xf32>
    %swap3A = arith.constant 0 : index
    %swap3A_106 = arith.constant 0 : index
    %swap3A_107 = vector.load %arg12[%swap3A, %swap3A_106] : memref<1024x128xf32, #tpu.memory_space<vmem>>, vector<1024x128xf32>
    tpu.vector_store %arg12[%swap3A, %swap3A_106], %add3A_105 {strides = array<i32>} : memref<1024x128xf32, #tpu.memory_space<vmem>>, vector<1024x128xf32>,
    %eq3A = arith.constant 0 : i32
    %eq3A_108 = arith.cmpi eq, %arg0, %eq3A : i32
    %convert_element_type3A = arith.extui %eq3A_108 : i1 to i32
    %cond3A = arith.constant 0 : i32
    %cond3A_109 = arith.cmpi ne, %convert_element_type3A, %cond3A : i32
    scf.if %cond3A_109 {
      %broadcast_in_dim3A_131 = arith.constant 0.000000e+00 : f32
      %broadcast_in_dim3A_132 = vector.broadcast %broadcast_in_dim3A_131 : f32 to vector<8x128xf32>
      %swap3A_133 = arith.constant 0 : index
      %swap3A_134 = arith.constant 0 : index
      %swap3A_135 = vector.load %arg13[%swap3A_133, %swap3A_134] : memref<8x128xf32, #tpu.memory_space<vmem>>, vector<8x128xf32>
      tpu.vector_store %arg13[%swap3A_133, %swap3A_134], %broadcast_in_dim3A_132 {strides = array<i32>} : memref<8x128xf32, #tpu.memory_space<vmem>>, vector<8x128xf32>,
    } else {
    }
    %get3A_110 = arith.constant 0 : index
    %get3A_111 = arith.constant 0 : index
    %get3A_112 = vector.load %arg13[%get3A_110, %get3A_111] : memref<8x128xf32, #tpu.memory_space<vmem>>, vector<1x128xf32>
    %reduce_sum3A_113 = arith.constant dense<0.000000e+00> : vector<128xf32>
    %reduce_sum3A_114 = vector.multi_reduction <add>, %add3A_105, %reduce_sum3A_113 [0] : vector<1024x128xf32> to vector<128xf32>
    %broadcast_in_dim3A_115 = vector.shape_cast %reduce_sum3A_114 : vector<128xf32> to vector<1x128xf32>
    %add3A_116 = arith.addf %get3A_112, %broadcast_in_dim3A_115 : vector<1x128xf32>
    %swap3A_117 = arith.constant 0 : index
    %swap3A_118 = arith.constant 0 : index
    %swap3A_119 = vector.load %arg13[%swap3A_117, %swap3A_118] : memref<8x128xf32, #tpu.memory_space<vmem>>, vector<1x128xf32>
    tpu.vector_store %arg13[%swap3A_117, %swap3A_118], %add3A_116 {strides = array<i32>} : memref<8x128xf32, #tpu.memory_space<vmem>>, vector<1x128xf32>,
    %get3A_120 = arith.constant 1 : index
    %get3A_121 = arith.constant 0 : index
    %get3A_122 = vector.load %arg13[%get3A_120, %get3A_121] : memref<8x128xf32, #tpu.memory_space<vmem>>, vector<1x128xf32>
    %mul3A_123 = arith.mulf %add3A_105, %add3A_105 : vector<1024x128xf32>
    %reduce_sum3A_124 = arith.constant dense<0.000000e+00> : vector<128xf32>
    %reduce_sum3A_125 = vector.multi_reduction <add>, %mul3A_123, %reduce_sum3A_124 [0] : vector<1024x128xf32> to vector<128xf32>
    %broadcast_in_dim3A_126 = vector.shape_cast %reduce_sum3A_125 : vector<128xf32> to vector<1x128xf32>
    %add3A_127 = arith.addf %get3A_122, %broadcast_in_dim3A_126 : vector<1x128xf32>
    %swap3A_128 = arith.constant 1 : index
    %swap3A_129 = arith.constant 0 : index
    %swap3A_130 = vector.load %arg13[%swap3A_128, %swap3A_129] : memref<8x128xf32, #tpu.memory_space<vmem>>, vector<1x128xf32>
    tpu.vector_store %arg13[%swap3A_128, %swap3A_129], %add3A_127 {strides = array<i32>} : memref<8x128xf32, #tpu.memory_space<vmem>>, vector<1x128xf32>,
    return
  }
  func.func @transform_0(%arg0: i32) -> (i32, i32) {
    %c0_i32 = arith.constant 0 : i32
    %c0_i32_0 = arith.constant 0 : i32
    return %arg0, %c0_i32 : i32, i32
  }
  func.func @transform_1(%arg0: i32) -> (i32, i32) {
    %c0_i32 = arith.constant 0 : i32
    %c0_i32_0 = arith.constant 0 : i32
    return %arg0, %c0_i32 : i32, i32
  }
  func.func @transform_2(%arg0: i32) -> (i32, i32) {
    %c0_i32 = arith.constant 0 : i32
    %c0_i32_0 = arith.constant 0 : i32
    %c0_i32_1 = arith.constant 0 : i32
    return %c0_i32, %c0_i32_0 : i32, i32
  }
  func.func @transform_3(%arg0: i32) -> (i32, i32) {
    %c0_i32 = arith.constant 0 : i32
    %c0_i32_0 = arith.constant 0 : i32
    %c0_i32_1 = arith.constant 0 : i32
    return %c0_i32, %c0_i32_0 : i32, i32
  }
  func.func @transform_4(%arg0: i32) -> (i32, i32) {
    %c0_i32 = arith.constant 0 : i32
    %c0_i32_0 = arith.constant 0 : i32
    %c0_i32_1 = arith.constant 0 : i32
    return %c0_i32, %c0_i32_0 : i32, i32
  }
  func.func @transform_5(%arg0: i32) -> (i32, i32) {
    %c0_i32 = arith.constant 0 : i32
    %c0_i32_0 = arith.constant 0 : i32
    %c0_i32_1 = arith.constant 0 : i32
    return %c0_i32, %c0_i32_0 : i32, i32
  }
  func.func @transform_6(%arg0: i32) -> (i32, i32) {
    %c0_i32 = arith.constant 0 : i32
    %c0_i32_0 = arith.constant 0 : i32
    return %arg0, %c0_i32 : i32, i32
  }
  func.func @transform_7(%arg0: i32) -> (i32, i32) {
    %c0_i32 = arith.constant 0 : i32
    %c0_i32_0 = arith.constant 0 : i32
    return %arg0, %c0_i32 : i32, i32
  }
  func.func @transform_8(%arg0: i32) -> (i32, i32) {
    %c0_i32 = arith.constant 0 : i32
    %c0_i32_0 = arith.constant 0 : i32
    %c0_i32_1 = arith.constant 0 : i32
    return %c0_i32, %c0_i32_0 : i32, i32
  }
  func.func @transform_9(%arg0: i32) -> (i32, i32) {
    %c0_i32 = arith.constant 0 : i32
    %c0_i32_0 = arith.constant 0 : i32
    %c0_i32_1 = arith.constant 0 : i32
    return %c0_i32, %c0_i32_0 : i32, i32
  }
  func.func @transform_10(%arg0: i32) -> (i32, i32) {
    %c0_i32 = arith.constant 0 : i32
    %c0_i32_0 = arith.constant 0 : i32
    %c0_i32_1 = arith.constant 0 : i32
    return %c0_i32, %c0_i32_0 : i32, i32
  }
  func.func @transform_11(%arg0: i32) -> (i32, i32) {
    %c0_i32 = arith.constant 0 : i32
    %c0_i32_0 = arith.constant 0 : i32
    return %arg0, %c0_i32 : i32, i32
  }
  func.func @transform_12(%arg0: i32) -> (i32, i32) {
    %c0_i32 = arith.constant 0 : i32
    %c0_i32_0 = arith.constant 0 : i32
    %c0_i32_1 = arith.constant 0 : i32
    return %c0_i32, %c0_i32_0 : i32, i32
  }
}

module attributes {stable_mosaic.version = 14 : i64} {
  func.func @_post2b_next_body(%arg0: i32, %arg1: memref<1024x128xf32, #tpu.memory_space<vmem>>, %arg2: memref<8x128xf32, #tpu.memory_space<vmem>>, %arg3: memref<1x128xf32, #tpu.memory_space<vmem>>, %arg4: memref<1x128xf32, #tpu.memory_space<vmem>>, %arg5: memref<1x128xf32, #tpu.memory_space<vmem>>, %arg6: memref<128x128xf32, #tpu.memory_space<vmem>>, %arg7: memref<1024x1xf32, #tpu.memory_space<vmem>>, %arg8: memref<1024x128xf32, #tpu.memory_space<vmem>>) attributes {dimension_semantics = [#tpu.dimension_semantics<arbitrary>], iteration_bounds = array<i64: 16>, scalar_prefetch = 0 : i64, scratch_operands = 0 : i64, tpu.core_type = #tpu.core_type<tc>, window_params = [{transform_indices = @transform_0, window_bounds = array<i64: 1024, 128>}, {pipeline_mode = #tpu.pipeline_mode<synchronous>, transform_indices = @transform_1, window_bounds = array<i64: 8, 128>}, {pipeline_mode = #tpu.pipeline_mode<synchronous>, transform_indices = @transform_2, window_bounds = array<i64: 1, 128>}, {pipeline_mode = #tpu.pipeline_mode<synchronous>, transform_indices = @transform_3, window_bounds = array<i64: 1, 128>}, {pipeline_mode = #tpu.pipeline_mode<synchronous>, transform_indices = @transform_4, window_bounds = array<i64: 1, 128>}, {pipeline_mode = #tpu.pipeline_mode<synchronous>, transform_indices = @transform_5, window_bounds = array<i64: 128, 128>}, {transform_indices = @transform_6, window_bounds = array<i64: 1024, 1>}, {transform_indices = @transform_7, window_bounds = array<i64: 1024, 128>}]} {
    %get3A = arith.constant 0 : index
    %get3A_0 = arith.constant 0 : index
    %get3A_1 = vector.load %arg1[%get3A, %get3A_0] : memref<1024x128xf32, #tpu.memory_space<vmem>>, vector<1024x128xf32>
    %get3A_2 = arith.constant 0 : index
    %get3A_3 = arith.constant 0 : index
    %get3A_4 = vector.load %arg2[%get3A_2, %get3A_3] : memref<8x128xf32, #tpu.memory_space<vmem>>, vector<1x128xf32>
    %mul3A = arith.constant 6.10351563E-5 : f32
    %mul3A_5 = vector.broadcast %mul3A : f32 to vector<1x128xf32>
    %mul3A_6 = arith.mulf %get3A_4, %mul3A_5 : vector<1x128xf32>
    %get3A_7 = arith.constant 0 : index
    %get3A_8 = arith.constant 0 : index
    %get3A_9 = vector.load %arg5[%get3A_7, %get3A_8] : memref<1x128xf32, #tpu.memory_space<vmem>>, vector<1x128xf32>
    %mul3A_10 = arith.mulf %mul3A_6, %get3A_9 : vector<1x128xf32>
    %get3A_11 = arith.constant 1 : index
    %get3A_12 = arith.constant 0 : index
    %get3A_13 = vector.load %arg2[%get3A_11, %get3A_12] : memref<8x128xf32, #tpu.memory_space<vmem>>, vector<1x128xf32>
    %mul3A_14 = arith.constant 6.10351563E-5 : f32
    %mul3A_15 = vector.broadcast %mul3A_14 : f32 to vector<1x128xf32>
    %mul3A_16 = arith.mulf %get3A_13, %mul3A_15 : vector<1x128xf32>
    %mul3A_17 = arith.constant 2.000000e+00 : f32
    %mul3A_18 = vector.broadcast %mul3A_17 : f32 to vector<1x128xf32>
    %mul3A_19 = arith.mulf %mul3A_18, %mul3A_10 : vector<1x128xf32>
    %mul3A_20 = arith.mulf %mul3A_19, %mul3A_6 : vector<1x128xf32>
    %sub3A = arith.subf %mul3A_16, %mul3A_20 : vector<1x128xf32>
    %mul3A_21 = arith.mulf %mul3A_10, %mul3A_10 : vector<1x128xf32>
    %add3A = arith.addf %sub3A, %mul3A_21 : vector<1x128xf32>
    %sub3A_22 = vector.broadcast %mul3A_10 : vector<1x128xf32> to vector<1024x128xf32>
    %sub3A_23 = arith.subf %get3A_1, %sub3A_22 : vector<1024x128xf32>
    %get3A_24 = arith.constant 0 : index
    %get3A_25 = arith.constant 0 : index
    %get3A_26 = vector.load %arg3[%get3A_24, %get3A_25] : memref<1x128xf32, #tpu.memory_space<vmem>>, vector<1x128xf32>
    %mul3A_27 = vector.broadcast %get3A_26 : vector<1x128xf32> to vector<1024x128xf32>
    %mul3A_28 = arith.mulf %mul3A_27, %sub3A_23 : vector<1024x128xf32>
    %add3A_29 = arith.constant 9.99999974E-6 : f32
    %add3A_30 = vector.broadcast %add3A_29 : f32 to vector<1x128xf32>
    %add3A_31 = arith.addf %add3A, %add3A_30 : vector<1x128xf32>
    %rsqrt3A = math.rsqrt %add3A_31 : vector<1x128xf32>
    %mul3A_32 = vector.broadcast %rsqrt3A : vector<1x128xf32> to vector<1024x128xf32>
    %mul3A_33 = arith.mulf %mul3A_28, %mul3A_32 : vector<1024x128xf32>
    %get3A_34 = arith.constant 0 : index
    %get3A_35 = arith.constant 0 : index
    %get3A_36 = vector.load %arg4[%get3A_34, %get3A_35] : memref<1x128xf32, #tpu.memory_space<vmem>>, vector<1x128xf32>
    %add3A_37 = vector.broadcast %get3A_36 : vector<1x128xf32> to vector<1024x128xf32>
    %add3A_38 = arith.addf %mul3A_33, %add3A_37 : vector<1024x128xf32>
    %mul3A_39 = arith.constant 5.000000e-01 : f32
    %mul3A_40 = vector.broadcast %mul3A_39 : f32 to vector<1024x128xf32>
    %mul3A_41 = arith.mulf %mul3A_40, %add3A_38 : vector<1024x128xf32>
    %mul3A_42 = arith.constant 0.707106769 : f32
    %mul3A_43 = vector.broadcast %mul3A_42 : f32 to vector<1024x128xf32>
    %mul3A_44 = arith.mulf %add3A_38, %mul3A_43 : vector<1024x128xf32>
    %erf3A = math.erf %mul3A_44 : vector<1024x128xf32>
    %add3A_45 = arith.constant 1.000000e+00 : f32
    %add3A_46 = vector.broadcast %add3A_45 : f32 to vector<1024x128xf32>
    %add3A_47 = arith.addf %add3A_46, %erf3A : vector<1024x128xf32>
    %mul3A_48 = arith.mulf %mul3A_41, %add3A_47 : vector<1024x128xf32>
    %get3A_49 = arith.constant 0 : index
    %get3A_50 = arith.constant 0 : index
    %get3A_51 = vector.load %arg6[%get3A_49, %get3A_50] : memref<128x128xf32, #tpu.memory_space<vmem>>, vector<128x128xf32>
    %dot_general3A = arith.constant dense<0.000000e+00> : vector<1024x128xf32>
    %dot_general3A_52 = tpu.matmul %mul3A_48, %get3A_51, %dot_general3A {dimension_numbers = #tpu.dot_dimension_numbers<[1], [0], [0], [1], [0, 0, 1, 1], [], []>, transpose_lhs_hint = false} : vector<1024x128xf32>, vector<128x128xf32>, vector<1024x128xf32> -> vector<1024x128xf32>
    %get3A_53 = arith.constant 0 : index
    %get3A_54 = arith.constant 0 : index
    %get3A_55 = vector.load %arg7[%get3A_53, %get3A_54] : memref<1024x1xf32, #tpu.memory_space<vmem>>, vector<1024x1xf32>
    %mul3A_56 = vector.broadcast %get3A_55 : vector<1024x1xf32> to vector<1024x128xf32>
    %mul3A_57 = arith.mulf %dot_general3A_52, %mul3A_56 : vector<1024x128xf32>
    %swap3A = arith.constant 0 : index
    %swap3A_58 = arith.constant 0 : index
    %swap3A_59 = vector.load %arg8[%swap3A, %swap3A_58] : memref<1024x128xf32, #tpu.memory_space<vmem>>, vector<1024x128xf32>
    tpu.vector_store %arg8[%swap3A, %swap3A_58], %mul3A_57 {strides = array<i32>} : memref<1024x128xf32, #tpu.memory_space<vmem>>, vector<1024x128xf32>,
    return
  }
  func.func @transform_0(%arg0: i32) -> (i32, i32) {
    %c0_i32 = arith.constant 0 : i32
    %c0_i32_0 = arith.constant 0 : i32
    return %arg0, %c0_i32 : i32, i32
  }
  func.func @transform_1(%arg0: i32) -> (i32, i32) {
    %c0_i32 = arith.constant 0 : i32
    %c0_i32_0 = arith.constant 0 : i32
    %c0_i32_1 = arith.constant 0 : i32
    return %c0_i32, %c0_i32_0 : i32, i32
  }
  func.func @transform_2(%arg0: i32) -> (i32, i32) {
    %c0_i32 = arith.constant 0 : i32
    %c0_i32_0 = arith.constant 0 : i32
    %c0_i32_1 = arith.constant 0 : i32
    return %c0_i32, %c0_i32_0 : i32, i32
  }
  func.func @transform_3(%arg0: i32) -> (i32, i32) {
    %c0_i32 = arith.constant 0 : i32
    %c0_i32_0 = arith.constant 0 : i32
    %c0_i32_1 = arith.constant 0 : i32
    return %c0_i32, %c0_i32_0 : i32, i32
  }
  func.func @transform_4(%arg0: i32) -> (i32, i32) {
    %c0_i32 = arith.constant 0 : i32
    %c0_i32_0 = arith.constant 0 : i32
    %c0_i32_1 = arith.constant 0 : i32
    return %c0_i32, %c0_i32_0 : i32, i32
  }
  func.func @transform_5(%arg0: i32) -> (i32, i32) {
    %c0_i32 = arith.constant 0 : i32
    %c0_i32_0 = arith.constant 0 : i32
    %c0_i32_1 = arith.constant 0 : i32
    return %c0_i32, %c0_i32_0 : i32, i32
  }
  func.func @transform_6(%arg0: i32) -> (i32, i32) {
    %c0_i32 = arith.constant 0 : i32
    %c0_i32_0 = arith.constant 0 : i32
    return %arg0, %c0_i32 : i32, i32
  }
  func.func @transform_7(%arg0: i32) -> (i32, i32) {
    %c0_i32 = arith.constant 0 : i32
    %c0_i32_0 = arith.constant 0 : i32
    return %arg0, %c0_i32 : i32, i32
  }
}

module attributes {stable_mosaic.version = 14 : i64} {
  func.func @_post1a_r_body(%arg0: i32, %arg1: memref<1024x128xf32, #tpu.memory_space<vmem>>, %arg2: memref<8x128xf32, #tpu.memory_space<vmem>>, %arg3: memref<1x128xf32, #tpu.memory_space<vmem>>, %arg4: memref<1x128xf32, #tpu.memory_space<vmem>>, %arg5: memref<1x128xf32, #tpu.memory_space<vmem>>, %arg6: memref<1024x128xf32, #tpu.memory_space<vmem>>, %arg7: memref<1024x1xf32, #tpu.memory_space<vmem>>, %arg8: memref<1x128xf32, #tpu.memory_space<vmem>>, %arg9: memref<1x1xf32, #tpu.memory_space<vmem>>, %arg10: memref<1024x128xf32, #tpu.memory_space<vmem>>, %arg11: memref<8x128xf32, #tpu.memory_space<vmem>>) attributes {dimension_semantics = [#tpu.dimension_semantics<arbitrary>], iteration_bounds = array<i64: 16>, scalar_prefetch = 0 : i64, scratch_operands = 0 : i64, tpu.core_type = #tpu.core_type<tc>, window_params = [{transform_indices = @transform_0, window_bounds = array<i64: 1024, 128>}, {pipeline_mode = #tpu.pipeline_mode<synchronous>, transform_indices = @transform_1, window_bounds = array<i64: 8, 128>}, {pipeline_mode = #tpu.pipeline_mode<synchronous>, transform_indices = @transform_2, window_bounds = array<i64: 1, 128>}, {pipeline_mode = #tpu.pipeline_mode<synchronous>, transform_indices = @transform_3, window_bounds = array<i64: 1, 128>}, {pipeline_mode = #tpu.pipeline_mode<synchronous>, transform_indices = @transform_4, window_bounds = array<i64: 1, 128>}, {transform_indices = @transform_5, window_bounds = array<i64: 1024, 128>}, {transform_indices = @transform_6, window_bounds = array<i64: 1024, 1>}, {pipeline_mode = #tpu.pipeline_mode<synchronous>, transform_indices = @transform_7, window_bounds = array<i64: 1, 128>}, {pipeline_mode = #tpu.pipeline_mode<synchronous>, transform_indices = @transform_8, window_bounds = array<i64: 1, 1>}, {transform_indices = @transform_9, window_bounds = array<i64: 1024, 128>}, {pipeline_mode = #tpu.pipeline_mode<synchronous>, transform_indices = @transform_10, window_bounds = array<i64: 8, 128>}]} {
    %get3A = arith.constant 0 : index
    %get3A_0 = arith.constant 0 : index
    %get3A_1 = vector.load %arg1[%get3A, %get3A_0] : memref<1024x128xf32, #tpu.memory_space<vmem>>, vector<1024x128xf32>
    %get3A_2 = arith.constant 0 : index
    %get3A_3 = arith.constant 0 : index
    %get3A_4 = vector.load %arg2[%get3A_2, %get3A_3] : memref<8x128xf32, #tpu.memory_space<vmem>>, vector<1x128xf32>
    %mul3A = arith.constant 6.10351563E-5 : f32
    %mul3A_5 = vector.broadcast %mul3A : f32 to vector<1x128xf32>
    %mul3A_6 = arith.mulf %get3A_4, %mul3A_5 : vector<1x128xf32>
    %get3A_7 = arith.constant 0 : index
    %get3A_8 = arith.constant 0 : index
    %get3A_9 = vector.load %arg5[%get3A_7, %get3A_8] : memref<1x128xf32, #tpu.memory_space<vmem>>, vector<1x128xf32>
    %mul3A_10 = arith.mulf %mul3A_6, %get3A_9 : vector<1x128xf32>
    %get3A_11 = arith.constant 1 : index
    %get3A_12 = arith.constant 0 : index
    %get3A_13 = vector.load %arg2[%get3A_11, %get3A_12] : memref<8x128xf32, #tpu.memory_space<vmem>>, vector<1x128xf32>
    %mul3A_14 = arith.constant 6.10351563E-5 : f32
    %mul3A_15 = vector.broadcast %mul3A_14 : f32 to vector<1x128xf32>
    %mul3A_16 = arith.mulf %get3A_13, %mul3A_15 : vector<1x128xf32>
    %mul3A_17 = arith.constant 2.000000e+00 : f32
    %mul3A_18 = vector.broadcast %mul3A_17 : f32 to vector<1x128xf32>
    %mul3A_19 = arith.mulf %mul3A_18, %mul3A_10 : vector<1x128xf32>
    %mul3A_20 = arith.mulf %mul3A_19, %mul3A_6 : vector<1x128xf32>
    %sub3A = arith.subf %mul3A_16, %mul3A_20 : vector<1x128xf32>
    %mul3A_21 = arith.mulf %mul3A_10, %mul3A_10 : vector<1x128xf32>
    %add3A = arith.addf %sub3A, %mul3A_21 : vector<1x128xf32>
    %sub3A_22 = vector.broadcast %mul3A_10 : vector<1x128xf32> to vector<1024x128xf32>
    %sub3A_23 = arith.subf %get3A_1, %sub3A_22 : vector<1024x128xf32>
    %get3A_24 = arith.constant 0 : index
    %get3A_25 = arith.constant 0 : index
    %get3A_26 = vector.load %arg3[%get3A_24, %get3A_25] : memref<1x128xf32, #tpu.memory_space<vmem>>, vector<1x128xf32>
    %mul3A_27 = vector.broadcast %get3A_26 : vector<1x128xf32> to vector<1024x128xf32>
    %mul3A_28 = arith.mulf %mul3A_27, %sub3A_23 : vector<1024x128xf32>
    %add3A_29 = arith.constant 9.99999974E-6 : f32
    %add3A_30 = vector.broadcast %add3A_29 : f32 to vector<1x128xf32>
    %add3A_31 = arith.addf %add3A, %add3A_30 : vector<1x128xf32>
    %rsqrt3A = math.rsqrt %add3A_31 : vector<1x128xf32>
    %mul3A_32 = vector.broadcast %rsqrt3A : vector<1x128xf32> to vector<1024x128xf32>
    %mul3A_33 = arith.mulf %mul3A_28, %mul3A_32 : vector<1024x128xf32>
    %get3A_34 = arith.constant 0 : index
    %get3A_35 = arith.constant 0 : index
    %get3A_36 = vector.load %arg4[%get3A_34, %get3A_35] : memref<1x128xf32, #tpu.memory_space<vmem>>, vector<1x128xf32>
    %add3A_37 = vector.broadcast %get3A_36 : vector<1x128xf32> to vector<1024x128xf32>
    %add3A_38 = arith.addf %mul3A_33, %add3A_37 : vector<1024x128xf32>
    %mul3A_39 = arith.constant 5.000000e-01 : f32
    %mul3A_40 = vector.broadcast %mul3A_39 : f32 to vector<1024x128xf32>
    %mul3A_41 = arith.mulf %mul3A_40, %add3A_38 : vector<1024x128xf32>
    %mul3A_42 = arith.constant 0.707106769 : f32
    %mul3A_43 = vector.broadcast %mul3A_42 : f32 to vector<1024x128xf32>
    %mul3A_44 = arith.mulf %add3A_38, %mul3A_43 : vector<1024x128xf32>
    %erf3A = math.erf %mul3A_44 : vector<1024x128xf32>
    %add3A_45 = arith.constant 1.000000e+00 : f32
    %add3A_46 = vector.broadcast %add3A_45 : f32 to vector<1024x128xf32>
    %add3A_47 = arith.addf %add3A_46, %erf3A : vector<1024x128xf32>
    %mul3A_48 = arith.mulf %mul3A_41, %add3A_47 : vector<1024x128xf32>
    %get3A_49 = arith.constant 0 : index
    %get3A_50 = arith.constant 0 : index
    %get3A_51 = vector.load %arg7[%get3A_49, %get3A_50] : memref<1024x1xf32, #tpu.memory_space<vmem>>, vector<1024x1xf32>
    %get3A_52 = arith.constant 0 : index
    %get3A_53 = arith.constant 0 : index
    %get3A_54 = vector.load %arg6[%get3A_52, %get3A_53] : memref<1024x128xf32, #tpu.memory_space<vmem>>, vector<1024x128xf32>
    %mul3A_55 = vector.broadcast %get3A_51 : vector<1024x1xf32> to vector<1024x128xf32>
    %mul3A_56 = arith.mulf %mul3A_55, %get3A_54 : vector<1024x128xf32>
    %get3A_57 = arith.constant 0 : index
    %get3A_58 = arith.constant 0 : index
    %get3A_59 = vector.load %arg8[%get3A_57, %get3A_58] : memref<1x128xf32, #tpu.memory_space<vmem>>, vector<1x128xf32>
    %add3A_60 = vector.broadcast %get3A_59 : vector<1x128xf32> to vector<1024x128xf32>
    %add3A_61 = arith.addf %mul3A_56, %add3A_60 : vector<1024x128xf32>
    %mul3A_62 = arith.mulf %mul3A_48, %mul3A_48 : vector<1024x128xf32>
    %reduce_sum3A = arith.constant dense<0.000000e+00> : vector<1024xf32>
    %reduce_sum3A_63 = vector.multi_reduction <add>, %mul3A_62, %reduce_sum3A [1] : vector<1024x128xf32> to vector<1024xf32>
    %broadcast_in_dim3A = vector.shape_cast %reduce_sum3A_63 : vector<1024xf32> to vector<1024x1xf32>
    %sqrt3A = math.sqrt %broadcast_in_dim3A : vector<1024x1xf32>
    %get3A_64 = arith.constant 0 : index
    %get3A_65 = arith.constant 0 : index
    %get3A_66 = vector.load %arg9[%get3A_64, %get3A_65] : memref<1x1xf32, #tpu.memory_space<vmem>>, vector<1x1xf32>
    %mul3A_67 = arith.mulf %add3A_61, %add3A_61 : vector<1024x128xf32>
    %reduce_sum3A_68 = arith.constant dense<0.000000e+00> : vector<1024xf32>
    %reduce_sum3A_69 = vector.multi_reduction <add>, %mul3A_67, %reduce_sum3A_68 [1] : vector<1024x128xf32> to vector<1024xf32>
    %broadcast_in_dim3A_70 = vector.shape_cast %reduce_sum3A_69 : vector<1024xf32> to vector<1024x1xf32>
    %sqrt3A_71 = math.sqrt %broadcast_in_dim3A_70 : vector<1024x1xf32>
    %max3A = arith.constant 9.99999996E-13 : f32
    %max3A_72 = vector.broadcast %max3A : f32 to vector<1024x1xf32>
    %max3A_73 = arith.maximumf %sqrt3A_71, %max3A_72 : vector<1024x1xf32>
    %div3A = vector.broadcast %max3A_73 : vector<1024x1xf32> to vector<1024x128xf32>
    %div3A_74 = arith.divf %add3A_61, %div3A : vector<1024x128xf32>
    %mul3A_75 = vector.broadcast %sqrt3A : vector<1024x1xf32> to vector<1024x128xf32>
    %mul3A_76 = arith.mulf %div3A_74, %mul3A_75 : vector<1024x128xf32>
    %mul3A_77 = vector.broadcast %get3A_66 : vector<1x1xf32> to vector<1024x128xf32>
    %mul3A_78 = arith.mulf %mul3A_76, %mul3A_77 : vector<1024x128xf32>
    %add3A_79 = arith.addf %mul3A_78, %mul3A_48 : vector<1024x128xf32>
    %swap3A = arith.constant 0 : index
    %swap3A_80 = arith.constant 0 : index
    %swap3A_81 = vector.load %arg10[%swap3A, %swap3A_80] : memref<1024x128xf32, #tpu.memory_space<vmem>>, vector<1024x128xf32>
    tpu.vector_store %arg10[%swap3A, %swap3A_80], %add3A_79 {strides = array<i32>} : memref<1024x128xf32, #tpu.memory_space<vmem>>, vector<1024x128xf32>,
    %eq3A = arith.constant 0 : i32
    %eq3A_82 = arith.cmpi eq, %arg0, %eq3A : i32
    %convert_element_type3A = arith.extui %eq3A_82 : i1 to i32
    %cond3A = arith.constant 0 : i32
    %cond3A_83 = arith.cmpi ne, %convert_element_type3A, %cond3A : i32
    scf.if %cond3A_83 {
      %broadcast_in_dim3A_105 = arith.constant 0.000000e+00 : f32
      %broadcast_in_dim3A_106 = vector.broadcast %broadcast_in_dim3A_105 : f32 to vector<8x128xf32>
      %swap3A_107 = arith.constant 0 : index
      %swap3A_108 = arith.constant 0 : index
      %swap3A_109 = vector.load %arg11[%swap3A_107, %swap3A_108] : memref<8x128xf32, #tpu.memory_space<vmem>>, vector<8x128xf32>
      tpu.vector_store %arg11[%swap3A_107, %swap3A_108], %broadcast_in_dim3A_106 {strides = array<i32>} : memref<8x128xf32, #tpu.memory_space<vmem>>, vector<8x128xf32>,
    } else {
    }
    %get3A_84 = arith.constant 0 : index
    %get3A_85 = arith.constant 0 : index
    %get3A_86 = vector.load %arg11[%get3A_84, %get3A_85] : memref<8x128xf32, #tpu.memory_space<vmem>>, vector<1x128xf32>
    %reduce_sum3A_87 = arith.constant dense<0.000000e+00> : vector<128xf32>
    %reduce_sum3A_88 = vector.multi_reduction <add>, %add3A_79, %reduce_sum3A_87 [0] : vector<1024x128xf32> to vector<128xf32>
    %broadcast_in_dim3A_89 = vector.shape_cast %reduce_sum3A_88 : vector<128xf32> to vector<1x128xf32>
    %add3A_90 = arith.addf %get3A_86, %broadcast_in_dim3A_89 : vector<1x128xf32>
    %swap3A_91 = arith.constant 0 : index
    %swap3A_92 = arith.constant 0 : index
    %swap3A_93 = vector.load %arg11[%swap3A_91, %swap3A_92] : memref<8x128xf32, #tpu.memory_space<vmem>>, vector<1x128xf32>
    tpu.vector_store %arg11[%swap3A_91, %swap3A_92], %add3A_90 {strides = array<i32>} : memref<8x128xf32, #tpu.memory_space<vmem>>, vector<1x128xf32>,
    %get3A_94 = arith.constant 1 : index
    %get3A_95 = arith.constant 0 : index
    %get3A_96 = vector.load %arg11[%get3A_94, %get3A_95] : memref<8x128xf32, #tpu.memory_space<vmem>>, vector<1x128xf32>
    %mul3A_97 = arith.mulf %add3A_79, %add3A_79 : vector<1024x128xf32>
    %reduce_sum3A_98 = arith.constant dense<0.000000e+00> : vector<128xf32>
    %reduce_sum3A_99 = vector.multi_reduction <add>, %mul3A_97, %reduce_sum3A_98 [0] : vector<1024x128xf32> to vector<128xf32>
    %broadcast_in_dim3A_100 = vector.shape_cast %reduce_sum3A_99 : vector<128xf32> to vector<1x128xf32>
    %add3A_101 = arith.addf %get3A_96, %broadcast_in_dim3A_100 : vector<1x128xf32>
    %swap3A_102 = arith.constant 1 : index
    %swap3A_103 = arith.constant 0 : index
    %swap3A_104 = vector.load %arg11[%swap3A_102, %swap3A_103] : memref<8x128xf32, #tpu.memory_space<vmem>>, vector<1x128xf32>
    tpu.vector_store %arg11[%swap3A_102, %swap3A_103], %add3A_101 {strides = array<i32>} : memref<8x128xf32, #tpu.memory_space<vmem>>, vector<1x128xf32>,
    return
  }
  func.func @transform_0(%arg0: i32) -> (i32, i32) {
    %c0_i32 = arith.constant 0 : i32
    %c0_i32_0 = arith.constant 0 : i32
    return %arg0, %c0_i32 : i32, i32
  }
  func.func @transform_1(%arg0: i32) -> (i32, i32) {
    %c0_i32 = arith.constant 0 : i32
    %c0_i32_0 = arith.constant 0 : i32
    %c0_i32_1 = arith.constant 0 : i32
    return %c0_i32, %c0_i32_0 : i32, i32
  }
  func.func @transform_2(%arg0: i32) -> (i32, i32) {
    %c0_i32 = arith.constant 0 : i32
    %c0_i32_0 = arith.constant 0 : i32
    %c0_i32_1 = arith.constant 0 : i32
    return %c0_i32, %c0_i32_0 : i32, i32
  }
  func.func @transform_3(%arg0: i32) -> (i32, i32) {
    %c0_i32 = arith.constant 0 : i32
    %c0_i32_0 = arith.constant 0 : i32
    %c0_i32_1 = arith.constant 0 : i32
    return %c0_i32, %c0_i32_0 : i32, i32
  }
  func.func @transform_4(%arg0: i32) -> (i32, i32) {
    %c0_i32 = arith.constant 0 : i32
    %c0_i32_0 = arith.constant 0 : i32
    %c0_i32_1 = arith.constant 0 : i32
    return %c0_i32, %c0_i32_0 : i32, i32
  }
  func.func @transform_5(%arg0: i32) -> (i32, i32) {
    %c0_i32 = arith.constant 0 : i32
    %c0_i32_0 = arith.constant 0 : i32
    return %arg0, %c0_i32 : i32, i32
  }
  func.func @transform_6(%arg0: i32) -> (i32, i32) {
    %c0_i32 = arith.constant 0 : i32
    %c0_i32_0 = arith.constant 0 : i32
    return %arg0, %c0_i32 : i32, i32
  }
  func.func @transform_7(%arg0: i32) -> (i32, i32) {
    %c0_i32 = arith.constant 0 : i32
    %c0_i32_0 = arith.constant 0 : i32
    %c0_i32_1 = arith.constant 0 : i32
    return %c0_i32, %c0_i32_0 : i32, i32
  }
  func.func @transform_8(%arg0: i32) -> (i32, i32) {
    %c0_i32 = arith.constant 0 : i32
    %c0_i32_0 = arith.constant 0 : i32
    %c0_i32_1 = arith.constant 0 : i32
    return %c0_i32, %c0_i32_0 : i32, i32
  }
  func.func @transform_9(%arg0: i32) -> (i32, i32) {
    %c0_i32 = arith.constant 0 : i32
    %c0_i32_0 = arith.constant 0 : i32
    return %arg0, %c0_i32 : i32, i32
  }
  func.func @transform_10(%arg0: i32) -> (i32, i32) {
    %c0_i32 = arith.constant 0 : i32
    %c0_i32_0 = arith.constant 0 : i32
    %c0_i32_1 = arith.constant 0 : i32
    return %c0_i32, %c0_i32_0 : i32, i32
  }
}

module attributes {stable_mosaic.version = 14 : i64} {
  func.func @_post2a_r_body(%arg0: i32, %arg1: memref<1024x128xf32, #tpu.memory_space<vmem>>, %arg2: memref<8x128xf32, #tpu.memory_space<vmem>>, %arg3: memref<1x128xf32, #tpu.memory_space<vmem>>, %arg4: memref<1x128xf32, #tpu.memory_space<vmem>>, %arg5: memref<1x128xf32, #tpu.memory_space<vmem>>, %arg6: memref<1024x128xf32, #tpu.memory_space<vmem>>, %arg7: memref<8x128xf32, #tpu.memory_space<vmem>>, %arg8: memref<1x128xf32, #tpu.memory_space<vmem>>, %arg9: memref<1x128xf32, #tpu.memory_space<vmem>>, %arg10: memref<1x128xf32, #tpu.memory_space<vmem>>, %arg11: memref<1024x128xf32, #tpu.memory_space<vmem>>, %arg12: memref<1024x1xf32, #tpu.memory_space<vmem>>, %arg13: memref<1x128xf32, #tpu.memory_space<vmem>>, %arg14: memref<1x1xf32, #tpu.memory_space<vmem>>, %arg15: memref<1x1xf32, #tpu.memory_space<vmem>>, %arg16: memref<1024x128xf32, #tpu.memory_space<vmem>>, %arg17: memref<8x128xf32, #tpu.memory_space<vmem>>) attributes {dimension_semantics = [#tpu.dimension_semantics<arbitrary>], iteration_bounds = array<i64: 16>, scalar_prefetch = 0 : i64, scratch_operands = 0 : i64, tpu.core_type = #tpu.core_type<tc>, window_params = [{transform_indices = @transform_0, window_bounds = array<i64: 1024, 128>}, {pipeline_mode = #tpu.pipeline_mode<synchronous>, transform_indices = @transform_1, window_bounds = array<i64: 8, 128>}, {pipeline_mode = #tpu.pipeline_mode<synchronous>, transform_indices = @transform_2, window_bounds = array<i64: 1, 128>}, {pipeline_mode = #tpu.pipeline_mode<synchronous>, transform_indices = @transform_3, window_bounds = array<i64: 1, 128>}, {pipeline_mode = #tpu.pipeline_mode<synchronous>, transform_indices = @transform_4, window_bounds = array<i64: 1, 128>}, {transform_indices = @transform_5, window_bounds = array<i64: 1024, 128>}, {pipeline_mode = #tpu.pipeline_mode<synchronous>, transform_indices = @transform_6, window_bounds = array<i64: 8, 128>}, {pipeline_mode = #tpu.pipeline_mode<synchronous>, transform_indices = @transform_7, window_bounds = array<i64: 1, 128>}, {pipeline_mode = #tpu.pipeline_mode<synchronous>, transform_indices = @transform_8, window_bounds = array<i64: 1, 128>}, {pipeline_mode = #tpu.pipeline_mode<synchronous>, transform_indices = @transform_9, window_bounds = array<i64: 1, 128>}, {transform_indices = @transform_10, window_bounds = array<i64: 1024, 128>}, {transform_indices = @transform_11, window_bounds = array<i64: 1024, 1>}, {pipeline_mode = #tpu.pipeline_mode<synchronous>, transform_indices = @transform_12, window_bounds = array<i64: 1, 128>}, {pipeline_mode = #tpu.pipeline_mode<synchronous>, transform_indices = @transform_13, window_bounds = array<i64: 1, 1>}, {pipeline_mode = #tpu.pipeline_mode<synchronous>, transform_indices = @transform_14, window_bounds = array<i64: 1, 1>}, {transform_indices = @transform_15, window_bounds = array<i64: 1024, 128>}, {pipeline_mode = #tpu.pipeline_mode<synchronous>, transform_indices = @transform_16, window_bounds = array<i64: 8, 128>}]} {
    %get3A = arith.constant 0 : index
    %get3A_0 = arith.constant 0 : index
    %get3A_1 = vector.load %arg1[%get3A, %get3A_0] : memref<1024x128xf32, #tpu.memory_space<vmem>>, vector<1024x128xf32>
    %get3A_2 = arith.constant 0 : index
    %get3A_3 = arith.constant 0 : index
    %get3A_4 = vector.load %arg2[%get3A_2, %get3A_3] : memref<8x128xf32, #tpu.memory_space<vmem>>, vector<1x128xf32>
    %mul3A = arith.constant 6.10351563E-5 : f32
    %mul3A_5 = vector.broadcast %mul3A : f32 to vector<1x128xf32>
    %mul3A_6 = arith.mulf %get3A_4, %mul3A_5 : vector<1x128xf32>
    %get3A_7 = arith.constant 0 : index
    %get3A_8 = arith.constant 0 : index
    %get3A_9 = vector.load %arg5[%get3A_7, %get3A_8] : memref<1x128xf32, #tpu.memory_space<vmem>>, vector<1x128xf32>
    %mul3A_10 = arith.mulf %mul3A_6, %get3A_9 : vector<1x128xf32>
    %get3A_11 = arith.constant 1 : index
    %get3A_12 = arith.constant 0 : index
    %get3A_13 = vector.load %arg2[%get3A_11, %get3A_12] : memref<8x128xf32, #tpu.memory_space<vmem>>, vector<1x128xf32>
    %mul3A_14 = arith.constant 6.10351563E-5 : f32
    %mul3A_15 = vector.broadcast %mul3A_14 : f32 to vector<1x128xf32>
    %mul3A_16 = arith.mulf %get3A_13, %mul3A_15 : vector<1x128xf32>
    %mul3A_17 = arith.constant 2.000000e+00 : f32
    %mul3A_18 = vector.broadcast %mul3A_17 : f32 to vector<1x128xf32>
    %mul3A_19 = arith.mulf %mul3A_18, %mul3A_10 : vector<1x128xf32>
    %mul3A_20 = arith.mulf %mul3A_19, %mul3A_6 : vector<1x128xf32>
    %sub3A = arith.subf %mul3A_16, %mul3A_20 : vector<1x128xf32>
    %mul3A_21 = arith.mulf %mul3A_10, %mul3A_10 : vector<1x128xf32>
    %add3A = arith.addf %sub3A, %mul3A_21 : vector<1x128xf32>
    %sub3A_22 = vector.broadcast %mul3A_10 : vector<1x128xf32> to vector<1024x128xf32>
    %sub3A_23 = arith.subf %get3A_1, %sub3A_22 : vector<1024x128xf32>
    %get3A_24 = arith.constant 0 : index
    %get3A_25 = arith.constant 0 : index
    %get3A_26 = vector.load %arg3[%get3A_24, %get3A_25] : memref<1x128xf32, #tpu.memory_space<vmem>>, vector<1x128xf32>
    %mul3A_27 = vector.broadcast %get3A_26 : vector<1x128xf32> to vector<1024x128xf32>
    %mul3A_28 = arith.mulf %mul3A_27, %sub3A_23 : vector<1024x128xf32>
    %add3A_29 = arith.constant 9.99999974E-6 : f32
    %add3A_30 = vector.broadcast %add3A_29 : f32 to vector<1x128xf32>
    %add3A_31 = arith.addf %add3A, %add3A_30 : vector<1x128xf32>
    %rsqrt3A = math.rsqrt %add3A_31 : vector<1x128xf32>
    %mul3A_32 = vector.broadcast %rsqrt3A : vector<1x128xf32> to vector<1024x128xf32>
    %mul3A_33 = arith.mulf %mul3A_28, %mul3A_32 : vector<1024x128xf32>
    %get3A_34 = arith.constant 0 : index
    %get3A_35 = arith.constant 0 : index
    %get3A_36 = vector.load %arg4[%get3A_34, %get3A_35] : memref<1x128xf32, #tpu.memory_space<vmem>>, vector<1x128xf32>
    %add3A_37 = vector.broadcast %get3A_36 : vector<1x128xf32> to vector<1024x128xf32>
    %add3A_38 = arith.addf %mul3A_33, %add3A_37 : vector<1024x128xf32>
    %mul3A_39 = arith.constant 5.000000e-01 : f32
    %mul3A_40 = vector.broadcast %mul3A_39 : f32 to vector<1024x128xf32>
    %mul3A_41 = arith.mulf %mul3A_40, %add3A_38 : vector<1024x128xf32>
    %mul3A_42 = arith.constant 0.707106769 : f32
    %mul3A_43 = vector.broadcast %mul3A_42 : f32 to vector<1024x128xf32>
    %mul3A_44 = arith.mulf %add3A_38, %mul3A_43 : vector<1024x128xf32>
    %erf3A = math.erf %mul3A_44 : vector<1024x128xf32>
    %add3A_45 = arith.constant 1.000000e+00 : f32
    %add3A_46 = vector.broadcast %add3A_45 : f32 to vector<1024x128xf32>
    %add3A_47 = arith.addf %add3A_46, %erf3A : vector<1024x128xf32>
    %mul3A_48 = arith.mulf %mul3A_41, %add3A_47 : vector<1024x128xf32>
    %get3A_49 = arith.constant 0 : index
    %get3A_50 = arith.constant 0 : index
    %get3A_51 = vector.load %arg6[%get3A_49, %get3A_50] : memref<1024x128xf32, #tpu.memory_space<vmem>>, vector<1024x128xf32>
    %get3A_52 = arith.constant 0 : index
    %get3A_53 = arith.constant 0 : index
    %get3A_54 = vector.load %arg7[%get3A_52, %get3A_53] : memref<8x128xf32, #tpu.memory_space<vmem>>, vector<1x128xf32>
    %mul3A_55 = arith.constant 6.10351563E-5 : f32
    %mul3A_56 = vector.broadcast %mul3A_55 : f32 to vector<1x128xf32>
    %mul3A_57 = arith.mulf %get3A_54, %mul3A_56 : vector<1x128xf32>
    %get3A_58 = arith.constant 0 : index
    %get3A_59 = arith.constant 0 : index
    %get3A_60 = vector.load %arg10[%get3A_58, %get3A_59] : memref<1x128xf32, #tpu.memory_space<vmem>>, vector<1x128xf32>
    %mul3A_61 = arith.mulf %mul3A_57, %get3A_60 : vector<1x128xf32>
    %get3A_62 = arith.constant 1 : index
    %get3A_63 = arith.constant 0 : index
    %get3A_64 = vector.load %arg7[%get3A_62, %get3A_63] : memref<8x128xf32, #tpu.memory_space<vmem>>, vector<1x128xf32>
    %mul3A_65 = arith.constant 6.10351563E-5 : f32
    %mul3A_66 = vector.broadcast %mul3A_65 : f32 to vector<1x128xf32>
    %mul3A_67 = arith.mulf %get3A_64, %mul3A_66 : vector<1x128xf32>
    %mul3A_68 = arith.constant 2.000000e+00 : f32
    %mul3A_69 = vector.broadcast %mul3A_68 : f32 to vector<1x128xf32>
    %mul3A_70 = arith.mulf %mul3A_69, %mul3A_61 : vector<1x128xf32>
    %mul3A_71 = arith.mulf %mul3A_70, %mul3A_57 : vector<1x128xf32>
    %sub3A_72 = arith.subf %mul3A_67, %mul3A_71 : vector<1x128xf32>
    %mul3A_73 = arith.mulf %mul3A_61, %mul3A_61 : vector<1x128xf32>
    %add3A_74 = arith.addf %sub3A_72, %mul3A_73 : vector<1x128xf32>
    %sub3A_75 = vector.broadcast %mul3A_61 : vector<1x128xf32> to vector<1024x128xf32>
    %sub3A_76 = arith.subf %get3A_51, %sub3A_75 : vector<1024x128xf32>
    %get3A_77 = arith.constant 0 : index
    %get3A_78 = arith.constant 0 : index
    %get3A_79 = vector.load %arg8[%get3A_77, %get3A_78] : memref<1x128xf32, #tpu.memory_space<vmem>>, vector<1x128xf32>
    %mul3A_80 = vector.broadcast %get3A_79 : vector<1x128xf32> to vector<1024x128xf32>
    %mul3A_81 = arith.mulf %mul3A_80, %sub3A_76 : vector<1024x128xf32>
    %add3A_82 = arith.constant 9.99999974E-6 : f32
    %add3A_83 = vector.broadcast %add3A_82 : f32 to vector<1x128xf32>
    %add3A_84 = arith.addf %add3A_74, %add3A_83 : vector<1x128xf32>
    %rsqrt3A_85 = math.rsqrt %add3A_84 : vector<1x128xf32>
    %mul3A_86 = vector.broadcast %rsqrt3A_85 : vector<1x128xf32> to vector<1024x128xf32>
    %mul3A_87 = arith.mulf %mul3A_81, %mul3A_86 : vector<1024x128xf32>
    %get3A_88 = arith.constant 0 : index
    %get3A_89 = arith.constant 0 : index
    %get3A_90 = vector.load %arg9[%get3A_88, %get3A_89] : memref<1x128xf32, #tpu.memory_space<vmem>>, vector<1x128xf32>
    %add3A_91 = vector.broadcast %get3A_90 : vector<1x128xf32> to vector<1024x128xf32>
    %add3A_92 = arith.addf %mul3A_87, %add3A_91 : vector<1024x128xf32>
    %mul3A_93 = arith.constant 5.000000e-01 : f32
    %mul3A_94 = vector.broadcast %mul3A_93 : f32 to vector<1024x128xf32>
    %mul3A_95 = arith.mulf %mul3A_94, %add3A_92 : vector<1024x128xf32>
    %mul3A_96 = arith.constant 0.707106769 : f32
    %mul3A_97 = vector.broadcast %mul3A_96 : f32 to vector<1024x128xf32>
    %mul3A_98 = arith.mulf %add3A_92, %mul3A_97 : vector<1024x128xf32>
    %erf3A_99 = math.erf %mul3A_98 : vector<1024x128xf32>
    %add3A_100 = arith.constant 1.000000e+00 : f32
    %add3A_101 = vector.broadcast %add3A_100 : f32 to vector<1024x128xf32>
    %add3A_102 = arith.addf %add3A_101, %erf3A_99 : vector<1024x128xf32>
    %mul3A_103 = arith.mulf %mul3A_95, %add3A_102 : vector<1024x128xf32>
    %get3A_104 = arith.constant 0 : index
    %get3A_105 = arith.constant 0 : index
    %get3A_106 = vector.load %arg12[%get3A_104, %get3A_105] : memref<1024x1xf32, #tpu.memory_space<vmem>>, vector<1024x1xf32>
    %get3A_107 = arith.constant 0 : index
    %get3A_108 = arith.constant 0 : index
    %get3A_109 = vector.load %arg11[%get3A_107, %get3A_108] : memref<1024x128xf32, #tpu.memory_space<vmem>>, vector<1024x128xf32>
    %mul3A_110 = vector.broadcast %get3A_106 : vector<1024x1xf32> to vector<1024x128xf32>
    %mul3A_111 = arith.mulf %mul3A_110, %get3A_109 : vector<1024x128xf32>
    %get3A_112 = arith.constant 0 : index
    %get3A_113 = arith.constant 0 : index
    %get3A_114 = vector.load %arg13[%get3A_112, %get3A_113] : memref<1x128xf32, #tpu.memory_space<vmem>>, vector<1x128xf32>
    %add3A_115 = vector.broadcast %get3A_114 : vector<1x128xf32> to vector<1024x128xf32>
    %add3A_116 = arith.addf %mul3A_111, %add3A_115 : vector<1024x128xf32>
    %mul3A_117 = arith.mulf %mul3A_103, %mul3A_103 : vector<1024x128xf32>
    %reduce_sum3A = arith.constant dense<0.000000e+00> : vector<1024xf32>
    %reduce_sum3A_118 = vector.multi_reduction <add>, %mul3A_117, %reduce_sum3A [1] : vector<1024x128xf32> to vector<1024xf32>
    %broadcast_in_dim3A = vector.shape_cast %reduce_sum3A_118 : vector<1024xf32> to vector<1024x1xf32>
    %sqrt3A = math.sqrt %broadcast_in_dim3A : vector<1024x1xf32>
    %get3A_119 = arith.constant 0 : index
    %get3A_120 = arith.constant 0 : index
    %get3A_121 = vector.load %arg14[%get3A_119, %get3A_120] : memref<1x1xf32, #tpu.memory_space<vmem>>, vector<1x1xf32>
    %mul3A_122 = arith.mulf %add3A_116, %add3A_116 : vector<1024x128xf32>
    %reduce_sum3A_123 = arith.constant dense<0.000000e+00> : vector<1024xf32>
    %reduce_sum3A_124 = vector.multi_reduction <add>, %mul3A_122, %reduce_sum3A_123 [1] : vector<1024x128xf32> to vector<1024xf32>
    %broadcast_in_dim3A_125 = vector.shape_cast %reduce_sum3A_124 : vector<1024xf32> to vector<1024x1xf32>
    %sqrt3A_126 = math.sqrt %broadcast_in_dim3A_125 : vector<1024x1xf32>
    %max3A = arith.constant 9.99999996E-13 : f32
    %max3A_127 = vector.broadcast %max3A : f32 to vector<1024x1xf32>
    %max3A_128 = arith.maximumf %sqrt3A_126, %max3A_127 : vector<1024x1xf32>
    %div3A = vector.broadcast %max3A_128 : vector<1024x1xf32> to vector<1024x128xf32>
    %div3A_129 = arith.divf %add3A_116, %div3A : vector<1024x128xf32>
    %mul3A_130 = vector.broadcast %sqrt3A : vector<1024x1xf32> to vector<1024x128xf32>
    %mul3A_131 = arith.mulf %div3A_129, %mul3A_130 : vector<1024x128xf32>
    %mul3A_132 = vector.broadcast %get3A_121 : vector<1x1xf32> to vector<1024x128xf32>
    %mul3A_133 = arith.mulf %mul3A_131, %mul3A_132 : vector<1024x128xf32>
    %add3A_134 = arith.addf %mul3A_133, %mul3A_103 : vector<1024x128xf32>
    %mul3A_135 = arith.mulf %mul3A_48, %mul3A_48 : vector<1024x128xf32>
    %reduce_sum3A_136 = arith.constant dense<0.000000e+00> : vector<1024xf32>
    %reduce_sum3A_137 = vector.multi_reduction <add>, %mul3A_135, %reduce_sum3A_136 [1] : vector<1024x128xf32> to vector<1024xf32>
    %broadcast_in_dim3A_138 = vector.shape_cast %reduce_sum3A_137 : vector<1024xf32> to vector<1024x1xf32>
    %sqrt3A_139 = math.sqrt %broadcast_in_dim3A_138 : vector<1024x1xf32>
    %get3A_140 = arith.constant 0 : index
    %get3A_141 = arith.constant 0 : index
    %get3A_142 = vector.load %arg15[%get3A_140, %get3A_141] : memref<1x1xf32, #tpu.memory_space<vmem>>, vector<1x1xf32>
    %mul3A_143 = arith.mulf %add3A_134, %add3A_134 : vector<1024x128xf32>
    %reduce_sum3A_144 = arith.constant dense<0.000000e+00> : vector<1024xf32>
    %reduce_sum3A_145 = vector.multi_reduction <add>, %mul3A_143, %reduce_sum3A_144 [1] : vector<1024x128xf32> to vector<1024xf32>
    %broadcast_in_dim3A_146 = vector.shape_cast %reduce_sum3A_145 : vector<1024xf32> to vector<1024x1xf32>
    %sqrt3A_147 = math.sqrt %broadcast_in_dim3A_146 : vector<1024x1xf32>
    %max3A_148 = arith.constant 9.99999996E-13 : f32
    %max3A_149 = vector.broadcast %max3A_148 : f32 to vector<1024x1xf32>
    %max3A_150 = arith.maximumf %sqrt3A_147, %max3A_149 : vector<1024x1xf32>
    %div3A_151 = vector.broadcast %max3A_150 : vector<1024x1xf32> to vector<1024x128xf32>
    %div3A_152 = arith.divf %add3A_134, %div3A_151 : vector<1024x128xf32>
    %mul3A_153 = vector.broadcast %sqrt3A_139 : vector<1024x1xf32> to vector<1024x128xf32>
    %mul3A_154 = arith.mulf %div3A_152, %mul3A_153 : vector<1024x128xf32>
    %mul3A_155 = vector.broadcast %get3A_142 : vector<1x1xf32> to vector<1024x128xf32>
    %mul3A_156 = arith.mulf %mul3A_154, %mul3A_155 : vector<1024x128xf32>
    %add3A_157 = arith.addf %mul3A_156, %mul3A_48 : vector<1024x128xf32>
    %swap3A = arith.constant 0 : index
    %swap3A_158 = arith.constant 0 : index
    %swap3A_159 = vector.load %arg16[%swap3A, %swap3A_158] : memref<1024x128xf32, #tpu.memory_space<vmem>>, vector<1024x128xf32>
    tpu.vector_store %arg16[%swap3A, %swap3A_158], %add3A_157 {strides = array<i32>} : memref<1024x128xf32, #tpu.memory_space<vmem>>, vector<1024x128xf32>,
    %eq3A = arith.constant 0 : i32
    %eq3A_160 = arith.cmpi eq, %arg0, %eq3A : i32
    %convert_element_type3A = arith.extui %eq3A_160 : i1 to i32
    %cond3A = arith.constant 0 : i32
    %cond3A_161 = arith.cmpi ne, %convert_element_type3A, %cond3A : i32
    scf.if %cond3A_161 {
      %broadcast_in_dim3A_183 = arith.constant 0.000000e+00 : f32
      %broadcast_in_dim3A_184 = vector.broadcast %broadcast_in_dim3A_183 : f32 to vector<8x128xf32>
      %swap3A_185 = arith.constant 0 : index
      %swap3A_186 = arith.constant 0 : index
      %swap3A_187 = vector.load %arg17[%swap3A_185, %swap3A_186] : memref<8x128xf32, #tpu.memory_space<vmem>>, vector<8x128xf32>
      tpu.vector_store %arg17[%swap3A_185, %swap3A_186], %broadcast_in_dim3A_184 {strides = array<i32>} : memref<8x128xf32, #tpu.memory_space<vmem>>, vector<8x128xf32>,
    } else {
    }
    %get3A_162 = arith.constant 0 : index
    %get3A_163 = arith.constant 0 : index
    %get3A_164 = vector.load %arg17[%get3A_162, %get3A_163] : memref<8x128xf32, #tpu.memory_space<vmem>>, vector<1x128xf32>
    %reduce_sum3A_165 = arith.constant dense<0.000000e+00> : vector<128xf32>
    %reduce_sum3A_166 = vector.multi_reduction <add>, %add3A_157, %reduce_sum3A_165 [0] : vector<1024x128xf32> to vector<128xf32>
    %broadcast_in_dim3A_167 = vector.shape_cast %reduce_sum3A_166 : vector<128xf32> to vector<1x128xf32>
    %add3A_168 = arith.addf %get3A_164, %broadcast_in_dim3A_167 : vector<1x128xf32>
    %swap3A_169 = arith.constant 0 : index
    %swap3A_170 = arith.constant 0 : index
    %swap3A_171 = vector.load %arg17[%swap3A_169, %swap3A_170] : memref<8x128xf32, #tpu.memory_space<vmem>>, vector<1x128xf32>
    tpu.vector_store %arg17[%swap3A_169, %swap3A_170], %add3A_168 {strides = array<i32>} : memref<8x128xf32, #tpu.memory_space<vmem>>, vector<1x128xf32>,
    %get3A_172 = arith.constant 1 : index
    %get3A_173 = arith.constant 0 : index
    %get3A_174 = vector.load %arg17[%get3A_172, %get3A_173] : memref<8x128xf32, #tpu.memory_space<vmem>>, vector<1x128xf32>
    %mul3A_175 = arith.mulf %add3A_157, %add3A_157 : vector<1024x128xf32>
    %reduce_sum3A_176 = arith.constant dense<0.000000e+00> : vector<128xf32>
    %reduce_sum3A_177 = vector.multi_reduction <add>, %mul3A_175, %reduce_sum3A_176 [0] : vector<1024x128xf32> to vector<128xf32>
    %broadcast_in_dim3A_178 = vector.shape_cast %reduce_sum3A_177 : vector<128xf32> to vector<1x128xf32>
    %add3A_179 = arith.addf %get3A_174, %broadcast_in_dim3A_178 : vector<1x128xf32>
    %swap3A_180 = arith.constant 1 : index
    %swap3A_181 = arith.constant 0 : index
    %swap3A_182 = vector.load %arg17[%swap3A_180, %swap3A_181] : memref<8x128xf32, #tpu.memory_space<vmem>>, vector<1x128xf32>
    tpu.vector_store %arg17[%swap3A_180, %swap3A_181], %add3A_179 {strides = array<i32>} : memref<8x128xf32, #tpu.memory_space<vmem>>, vector<1x128xf32>,
    return
  }
  func.func @transform_0(%arg0: i32) -> (i32, i32) {
    %c0_i32 = arith.constant 0 : i32
    %c0_i32_0 = arith.constant 0 : i32
    return %arg0, %c0_i32 : i32, i32
  }
  func.func @transform_1(%arg0: i32) -> (i32, i32) {
    %c0_i32 = arith.constant 0 : i32
    %c0_i32_0 = arith.constant 0 : i32
    %c0_i32_1 = arith.constant 0 : i32
    return %c0_i32, %c0_i32_0 : i32, i32
  }
  func.func @transform_2(%arg0: i32) -> (i32, i32) {
    %c0_i32 = arith.constant 0 : i32
    %c0_i32_0 = arith.constant 0 : i32
    %c0_i32_1 = arith.constant 0 : i32
    return %c0_i32, %c0_i32_0 : i32, i32
  }
  func.func @transform_3(%arg0: i32) -> (i32, i32) {
    %c0_i32 = arith.constant 0 : i32
    %c0_i32_0 = arith.constant 0 : i32
    %c0_i32_1 = arith.constant 0 : i32
    return %c0_i32, %c0_i32_0 : i32, i32
  }
  func.func @transform_4(%arg0: i32) -> (i32, i32) {
    %c0_i32 = arith.constant 0 : i32
    %c0_i32_0 = arith.constant 0 : i32
    %c0_i32_1 = arith.constant 0 : i32
    return %c0_i32, %c0_i32_0 : i32, i32
  }
  func.func @transform_5(%arg0: i32) -> (i32, i32) {
    %c0_i32 = arith.constant 0 : i32
    %c0_i32_0 = arith.constant 0 : i32
    return %arg0, %c0_i32 : i32, i32
  }
  func.func @transform_6(%arg0: i32) -> (i32, i32) {
    %c0_i32 = arith.constant 0 : i32
    %c0_i32_0 = arith.constant 0 : i32
    %c0_i32_1 = arith.constant 0 : i32
    return %c0_i32, %c0_i32_0 : i32, i32
  }
  func.func @transform_7(%arg0: i32) -> (i32, i32) {
    %c0_i32 = arith.constant 0 : i32
    %c0_i32_0 = arith.constant 0 : i32
    %c0_i32_1 = arith.constant 0 : i32
    return %c0_i32, %c0_i32_0 : i32, i32
  }
  func.func @transform_8(%arg0: i32) -> (i32, i32) {
    %c0_i32 = arith.constant 0 : i32
    %c0_i32_0 = arith.constant 0 : i32
    %c0_i32_1 = arith.constant 0 : i32
    return %c0_i32, %c0_i32_0 : i32, i32
  }
  func.func @transform_9(%arg0: i32) -> (i32, i32) {
    %c0_i32 = arith.constant 0 : i32
    %c0_i32_0 = arith.constant 0 : i32
    %c0_i32_1 = arith.constant 0 : i32
    return %c0_i32, %c0_i32_0 : i32, i32
  }
  func.func @transform_10(%arg0: i32) -> (i32, i32) {
    %c0_i32 = arith.constant 0 : i32
    %c0_i32_0 = arith.constant 0 : i32
    return %arg0, %c0_i32 : i32, i32
  }
  func.func @transform_11(%arg0: i32) -> (i32, i32) {
    %c0_i32 = arith.constant 0 : i32
    %c0_i32_0 = arith.constant 0 : i32
    return %arg0, %c0_i32 : i32, i32
  }
  func.func @transform_12(%arg0: i32) -> (i32, i32) {
    %c0_i32 = arith.constant 0 : i32
    %c0_i32_0 = arith.constant 0 : i32
    %c0_i32_1 = arith.constant 0 : i32
    return %c0_i32, %c0_i32_0 : i32, i32
  }
  func.func @transform_13(%arg0: i32) -> (i32, i32) {
    %c0_i32 = arith.constant 0 : i32
    %c0_i32_0 = arith.constant 0 : i32
    %c0_i32_1 = arith.constant 0 : i32
    return %c0_i32, %c0_i32_0 : i32, i32
  }
  func.func @transform_14(%arg0: i32) -> (i32, i32) {
    %c0_i32 = arith.constant 0 : i32
    %c0_i32_0 = arith.constant 0 : i32
    %c0_i32_1 = arith.constant 0 : i32
    return %c0_i32, %c0_i32_0 : i32, i32
  }
  func.func @transform_15(%arg0: i32) -> (i32, i32) {
    %c0_i32 = arith.constant 0 : i32
    %c0_i32_0 = arith.constant 0 : i32
    return %arg0, %c0_i32 : i32, i32
  }
  func.func @transform_16(%arg0: i32) -> (i32, i32) {
    %c0_i32 = arith.constant 0 : i32
    %c0_i32_0 = arith.constant 0 : i32
    %c0_i32_1 = arith.constant 0 : i32
    return %c0_i32, %c0_i32_0 : i32, i32
  }
}

module attributes {stable_mosaic.version = 14 : i64} {
  func.func @_post2b_body(%arg0: i32, %arg1: memref<1024x128xf32, #tpu.memory_space<vmem>>, %arg2: memref<8x128xf32, #tpu.memory_space<vmem>>, %arg3: memref<1x128xf32, #tpu.memory_space<vmem>>, %arg4: memref<1x128xf32, #tpu.memory_space<vmem>>, %arg5: memref<1x128xf32, #tpu.memory_space<vmem>>, %arg6: memref<1024x128xf32, #tpu.memory_space<vmem>>) attributes {dimension_semantics = [#tpu.dimension_semantics<arbitrary>], iteration_bounds = array<i64: 16>, scalar_prefetch = 0 : i64, scratch_operands = 0 : i64, tpu.core_type = #tpu.core_type<tc>, window_params = [{transform_indices = @transform_0, window_bounds = array<i64: 1024, 128>}, {pipeline_mode = #tpu.pipeline_mode<synchronous>, transform_indices = @transform_1, window_bounds = array<i64: 8, 128>}, {pipeline_mode = #tpu.pipeline_mode<synchronous>, transform_indices = @transform_2, window_bounds = array<i64: 1, 128>}, {pipeline_mode = #tpu.pipeline_mode<synchronous>, transform_indices = @transform_3, window_bounds = array<i64: 1, 128>}, {pipeline_mode = #tpu.pipeline_mode<synchronous>, transform_indices = @transform_4, window_bounds = array<i64: 1, 128>}, {transform_indices = @transform_5, window_bounds = array<i64: 1024, 128>}]} {
    %get3A = arith.constant 0 : index
    %get3A_0 = arith.constant 0 : index
    %get3A_1 = vector.load %arg1[%get3A, %get3A_0] : memref<1024x128xf32, #tpu.memory_space<vmem>>, vector<1024x128xf32>
    %get3A_2 = arith.constant 0 : index
    %get3A_3 = arith.constant 0 : index
    %get3A_4 = vector.load %arg2[%get3A_2, %get3A_3] : memref<8x128xf32, #tpu.memory_space<vmem>>, vector<1x128xf32>
    %mul3A = arith.constant 6.10351563E-5 : f32
    %mul3A_5 = vector.broadcast %mul3A : f32 to vector<1x128xf32>
    %mul3A_6 = arith.mulf %get3A_4, %mul3A_5 : vector<1x128xf32>
    %get3A_7 = arith.constant 0 : index
    %get3A_8 = arith.constant 0 : index
    %get3A_9 = vector.load %arg5[%get3A_7, %get3A_8] : memref<1x128xf32, #tpu.memory_space<vmem>>, vector<1x128xf32>
    %mul3A_10 = arith.mulf %mul3A_6, %get3A_9 : vector<1x128xf32>
    %get3A_11 = arith.constant 1 : index
    %get3A_12 = arith.constant 0 : index
    %get3A_13 = vector.load %arg2[%get3A_11, %get3A_12] : memref<8x128xf32, #tpu.memory_space<vmem>>, vector<1x128xf32>
    %mul3A_14 = arith.constant 6.10351563E-5 : f32
    %mul3A_15 = vector.broadcast %mul3A_14 : f32 to vector<1x128xf32>
    %mul3A_16 = arith.mulf %get3A_13, %mul3A_15 : vector<1x128xf32>
    %mul3A_17 = arith.constant 2.000000e+00 : f32
    %mul3A_18 = vector.broadcast %mul3A_17 : f32 to vector<1x128xf32>
    %mul3A_19 = arith.mulf %mul3A_18, %mul3A_10 : vector<1x128xf32>
    %mul3A_20 = arith.mulf %mul3A_19, %mul3A_6 : vector<1x128xf32>
    %sub3A = arith.subf %mul3A_16, %mul3A_20 : vector<1x128xf32>
    %mul3A_21 = arith.mulf %mul3A_10, %mul3A_10 : vector<1x128xf32>
    %add3A = arith.addf %sub3A, %mul3A_21 : vector<1x128xf32>
    %sub3A_22 = vector.broadcast %mul3A_10 : vector<1x128xf32> to vector<1024x128xf32>
    %sub3A_23 = arith.subf %get3A_1, %sub3A_22 : vector<1024x128xf32>
    %get3A_24 = arith.constant 0 : index
    %get3A_25 = arith.constant 0 : index
    %get3A_26 = vector.load %arg3[%get3A_24, %get3A_25] : memref<1x128xf32, #tpu.memory_space<vmem>>, vector<1x128xf32>
    %mul3A_27 = vector.broadcast %get3A_26 : vector<1x128xf32> to vector<1024x128xf32>
    %mul3A_28 = arith.mulf %mul3A_27, %sub3A_23 : vector<1024x128xf32>
    %add3A_29 = arith.constant 9.99999974E-6 : f32
    %add3A_30 = vector.broadcast %add3A_29 : f32 to vector<1x128xf32>
    %add3A_31 = arith.addf %add3A, %add3A_30 : vector<1x128xf32>
    %rsqrt3A = math.rsqrt %add3A_31 : vector<1x128xf32>
    %mul3A_32 = vector.broadcast %rsqrt3A : vector<1x128xf32> to vector<1024x128xf32>
    %mul3A_33 = arith.mulf %mul3A_28, %mul3A_32 : vector<1024x128xf32>
    %get3A_34 = arith.constant 0 : index
    %get3A_35 = arith.constant 0 : index
    %get3A_36 = vector.load %arg4[%get3A_34, %get3A_35] : memref<1x128xf32, #tpu.memory_space<vmem>>, vector<1x128xf32>
    %add3A_37 = vector.broadcast %get3A_36 : vector<1x128xf32> to vector<1024x128xf32>
    %add3A_38 = arith.addf %mul3A_33, %add3A_37 : vector<1024x128xf32>
    %mul3A_39 = arith.constant 5.000000e-01 : f32
    %mul3A_40 = vector.broadcast %mul3A_39 : f32 to vector<1024x128xf32>
    %mul3A_41 = arith.mulf %mul3A_40, %add3A_38 : vector<1024x128xf32>
    %mul3A_42 = arith.constant 0.707106769 : f32
    %mul3A_43 = vector.broadcast %mul3A_42 : f32 to vector<1024x128xf32>
    %mul3A_44 = arith.mulf %add3A_38, %mul3A_43 : vector<1024x128xf32>
    %erf3A = math.erf %mul3A_44 : vector<1024x128xf32>
    %add3A_45 = arith.constant 1.000000e+00 : f32
    %add3A_46 = vector.broadcast %add3A_45 : f32 to vector<1024x128xf32>
    %add3A_47 = arith.addf %add3A_46, %erf3A : vector<1024x128xf32>
    %mul3A_48 = arith.mulf %mul3A_41, %add3A_47 : vector<1024x128xf32>
    %swap3A = arith.constant 0 : index
    %swap3A_49 = arith.constant 0 : index
    %swap3A_50 = vector.load %arg6[%swap3A, %swap3A_49] : memref<1024x128xf32, #tpu.memory_space<vmem>>, vector<1024x128xf32>
    tpu.vector_store %arg6[%swap3A, %swap3A_49], %mul3A_48 {strides = array<i32>} : memref<1024x128xf32, #tpu.memory_space<vmem>>, vector<1024x128xf32>,
    return
  }
  func.func @transform_0(%arg0: i32) -> (i32, i32) {
    %c0_i32 = arith.constant 0 : i32
    %c0_i32_0 = arith.constant 0 : i32
    return %arg0, %c0_i32 : i32, i32
  }
  func.func @transform_1(%arg0: i32) -> (i32, i32) {
    %c0_i32 = arith.constant 0 : i32
    %c0_i32_0 = arith.constant 0 : i32
    %c0_i32_1 = arith.constant 0 : i32
    return %c0_i32, %c0_i32_0 : i32, i32
  }
  func.func @transform_2(%arg0: i32) -> (i32, i32) {
    %c0_i32 = arith.constant 0 : i32
    %c0_i32_0 = arith.constant 0 : i32
    %c0_i32_1 = arith.constant 0 : i32
    return %c0_i32, %c0_i32_0 : i32, i32
  }
  func.func @transform_3(%arg0: i32) -> (i32, i32) {
    %c0_i32 = arith.constant 0 : i32
    %c0_i32_0 = arith.constant 0 : i32
    %c0_i32_1 = arith.constant 0 : i32
    return %c0_i32, %c0_i32_0 : i32, i32
  }
  func.func @transform_4(%arg0: i32) -> (i32, i32) {
    %c0_i32 = arith.constant 0 : i32
    %c0_i32_0 = arith.constant 0 : i32
    %c0_i32_1 = arith.constant 0 : i32
    return %c0_i32, %c0_i32_0 : i32, i32
  }
  func.func @transform_5(%arg0: i32) -> (i32, i32) {
    %c0_i32 = arith.constant 0 : i32
    %c0_i32_0 = arith.constant 0 : i32
    return %arg0, %c0_i32 : i32, i32
  }
}

</mosaic_0001>

<sc_bundles>
// kernel: kernel.15.cloned.1.call-start
scs
__scs_entry_jumppad:
0x0: {  	(pc) =	sbr.rel $0x88, $3  }
0x1: {  	(tag) =	ssettag $0x0;
	lr =	simm.s32 $0x1  }
0x2: {  	[smem:$0x3F93] =	sst lr;
	_ =	strace $0xD0000000  }
0x3: {  	_ = 	snop  }
0x4: {  	_ = 	snop  }
0x5: {  	_ = 	snop  }
0x6: {  	_ = 	snop  }
0x7: {  	_ = 	snop  }
__scs_overlays_trampoline_lowered:
0x8: {  	[smem:$0x3FA2] =	sst s0  }
0x9: {  	[smem:$0x3FA3] =	sst s1  }
0xa: {  	[smem:$0x3FA4] =	sst s2  }
0xb: {  	[smem:$0x3FA5] =	sst s3  }
0xc: {  	[smem:$0x3FA6] =	sst s4  }
0xd: {  	[smem:$0x3FA7] =	sst s5  }
0xe: {  	[smem:$0x3FA8] =	sst s6  }
0xf: {  	[smem:$0x3FA9] =	sst s7  }
0x10: {  	[smem:$0x3FAA] =	sst s8  }
0x11: {  	[smem:$0x3FAB] =	sst s9;
	s0 =	simm.s32 @!p0 $0x0  }
0x12: {  	s1 =	sld [smem:$0x3F91];
	s0 =	simm.s32 @p0 $0x1  }
0x13: {  	[smem:$0x3FAC] =	sst s0;
	s0 =	simm.s32 @!p1 $0x0  }
0x14: {  	s2 =	sld [smem:$0x3F90];
	s0 =	simm.s32 @p1 $0x1  }
0x15: {  	[smem:$0x3FAD] =	sst s0;
	s0 =	simm.s32 @!p2 $0x0  }
0x16: {  	s3 =	sld [smem:$0x3FDB];
	s0 =	simm.s32 @p2 $0x1  }
0x17: {  	s4 =	simm.s32 $0x1BF5;
	[smem:$0x3FAF] =	sst s0  }
0x18: {  	s0 =	sld [smem:$0x3F92];
	_ =	swait.ge [sflag:s4], $0x0  }
0x19: {  	s7 =	sld [smem:$0x3F93]  }
0x1a: {  	s8 =	sadd.s32 $0xFFFFE003, lr  }
0x1b: {  	s9 =	sadd.s32 $0xFFFFFEF7, lr;
	s5 =	simm.s32 $0xFFFFFFFF;
	p2 =	slt.u32 s8, $0xFFFFF086  }
0x1c: {  	p1 =	slt.u32 s9, $0xF7A;
	s5 =	simm.s32 @!p2 $0x0  }
0x1d: {  	s5 =	simm.s32 @p1 $0x1;
	p0 =	seq.s32 s7, s2  }
0x1e: {  	s7 =	smul.u32 @!p0 $0xF7A, s2;
	p2 =	seq.s32 @!p0 s5, $0x0  }
0x1f: {  	s9 =	smul.u32 $0xF7A, s1;
	s8 =	simm.s32 @!p0 $0x1BF5;
	p2 =	por !p2, p0  }
0x20: {  	[sflag:s8] =	ssyncset.s32 @!p0 $0xFFFFF086;
	s6 =	sadd.s32 @!p0 s3, s7;
	s7 =	simm.s32 @!p0 $0x108  }
0x21: {  	s3 =	sadd.s32 s3, s9;
	s6 =	sadd.s32 @!p0 $0x88, s6;
	s7 =	simm.s32 @p2 $0x1082  }
0x22: {  	[simem:s7], [sflag:s8] =	dma.local @!p0 [hbm:s6], $0xF7A  }
0x23: {  	s9 =	sor.u32 $0xD0000000, s2;
	s6 =	simm.s32 $0x108;
	_ =	swait.ge @!p0 [sflag:s8], $0x0  }
0x24: {  	s3 =	sadd.s32 $0x88, s3;
	s6 =	simm.s32 @!p1 $0x1082;
	[sflag:s4] =	ssyncset.s32 $0xFFFFF086  }
0x25: {  	[simem:s6], [sflag:s4] =	dma.local [hbm:s3], $0xF7A  }
0x26: {  	[smem:$0x3F93] =	sst s1;
	(tag) =	ssettag s2;
	_ =	strace s9  }
0x27: {  	s1 =	sld [smem:$0x3FA3]  }
0x28: {  	s2 =	sld [smem:$0x3FA4]  }
0x29: {  	s4 =	sld [smem:$0x3FA6]  }
0x2a: {  	p0 =	seq.s32 s5, $0x0;
	s5 =	sld [smem:$0x3FA7]  }
0x2b: {  	s6 =	sld [smem:$0x3FA8]  }
0x2c: {  	s7 =	sld [smem:$0x3FA9]  }
0x2d: {  	s3 =	simm.s32 $0x108;
	s8 =	sld [smem:$0x3FAA]  }
0x2e: {  	s3 =	simm.s32 @!p0 $0x1082;
	s9 =	sld [smem:$0x3FAB]  }
0x2f: {  	lr =	sadd.s32 s0, s3;
	s0 =	sld [smem:$0x3FA2]  }
0x30: {  	s3 =	sld [smem:$0x3FA5]  }
0x31: {  	[smem:$0x3FAE] =	sst s10  }
0x32: {  	s10 =	sld [smem:$0x3FAC];
	_ =	sdelay $0x3  }
0x33: {  	p0 =	seq.s32 s10, $0x1;
	s10 =	sld [smem:$0x3FAE];
	_ =	sdelay $0x3  }
0x34: {  	[smem:$0x3FAE] =	sst s10  }
0x35: {  	s10 =	sld [smem:$0x3FAD];
	_ =	sdelay $0x3  }
0x36: {  	p1 =	seq.s32 s10, $0x1;
	s10 =	sld [smem:$0x3FAE];
	_ =	sdelay $0x3  }
0x37: {  	[smem:$0x3FAE] =	sst s10  }
0x38: {  	s10 =	sld [smem:$0x3FAF]  }
0x39: {  	_ = 	snop;
	(pc) =	sbr.ind lr, $3  }
0x3a: {  	_ = 	snop  }
0x3b: {  	_ = 	snop  }
0x3c: {  	p2 =	seq.s32 s10, $0x1;
	s10 =	sld [smem:$0x3FAE]  }
0x3d: {  	_ =	shalt  }
0x3e: {  	_ =	shalt  }
0x3f: {  	_ =	shalt  }
0x40: {  	_ =	shalt  }
0x41: {  	_ =	shalt  }
0x42: {  	_ =	shalt  }
0x43: {  	_ =	shalt  }
0x44: {  	_ =	shalt  }
0x45: {  	_ =	shalt  }
0x46: {  	_ =	shalt  }
0x47: {  	_ =	shalt  }
0x48: {  	_ =	shalt  }
0x49: {  	_ =	shalt  }
0x4a: {  	_ =	shalt  }
0x4b: {  	_ =	shalt  }
0x4c: {  	_ =	shalt  }
0x4d: {  	_ =	shalt  }
0x4e: {  	_ =	shalt  }
0x4f: {  	_ =	shalt  }
0x50: {  	_ =	shalt  }
0x51: {  	_ =	shalt  }
0x52: {  	_ =	shalt  }
0x53: {  	_ =	shalt  }
0x54: {  	_ =	shalt  }
0x55: {  	_ =	shalt  }
0x56: {  	_ =	shalt  }
0x57: {  	_ =	shalt  }
0x58: {  	_ =	shalt  }
0x59: {  	_ =	shalt  }
0x5a: {  	_ =	shalt  }
0x5b: {  	_ =	shalt  }
0x5c: {  	_ =	shalt  }
0x5d: {  	_ =	shalt  }
0x5e: {  	_ =	shalt  }
0x5f: {  	_ =	shalt  }
0x60: {  	_ =	shalt  }
0x61: {  	_ =	shalt  }
0x62: {  	_ =	shalt  }
0x63: {  	_ =	shalt  }
0x64: {  	_ =	shalt  }
0x65: {  	_ =	shalt  }
0x66: {  	_ =	shalt  }
0x67: {  	_ =	shalt  }
0x68: {  	_ =	shalt  }
0x69: {  	_ =	shalt  }
0x6a: {  	_ =	shalt  }
0x6b: {  	_ =	shalt  }
0x6c: {  	_ =	shalt  }
0x6d: {  	_ =	shalt  }
0x6e: {  	_ =	shalt  }
0x6f: {  	_ =	shalt  }
0x70: {  	_ =	shalt  }
0x71: {  	_ =	shalt  }
0x72: {  	_ =	shalt  }
0x73: {  	_ =	shalt  }
0x74: {  	_ =	shalt  }
0x75: {  	_ =	shalt  }
0x76: {  	_ =	shalt  }
0x77: {  	_ =	shalt  }
0x78: {  	_ =	shalt  }
0x79: {  	_ =	shalt  }
0x7a: {  	_ =	shalt  }
0x7b: {  	_ =	shalt  }
0x7c: {  	_ =	shalt  }
0x7d: {  	_ =	shalt  }
0x7e: {  	_ =	shalt  }
0x7f: {  	_ =	shalt  }
0x80: {  	_ =	shalt  }
0x81: {  	_ =	shalt  }
0x82: {  	_ =	shalt  }
0x83: {  	_ =	shalt  }
0x84: {  	_ =	shalt  }
0x85: {  	_ =	shalt  }
0x86: {  	_ =	shalt  }
0x87: {  	_ =	shalt  }
.Lfunc_end0:
.L_simem_size_0:
called_computation_lowered:
.L_overlay_start_0:
0x88: {  	s2 =	sld [smem:$0x3FD9]  }
0x89: {  	s3 =	sld [smem:$0x3FFE];
	_ =	sdelay $0x1  }
0x8a: {  	s1 =	srdreg.scid  }
0x8b: {  	s0 =	sand.u32 $0x1, s1  }
0x8c: {  	s17 =	sshll.u32 s0, $0xA;
	s2 =	sadd.s32 s3, s2  }
0x8d: {  	s2 =	sadd.s32 s2, s17  }
0x8e: {  	[smem:$0x3FBA] =	sst s2  }
0x8f: {  	_ = 	snop  }
0x90: {  	s2 =	sld [smem:$0x3FD0];
	(tm) =	ssettm $0x1  }
0x91: {  	s18 =	sld [smem:$0x3FFB];
	_ =	sdelay $0x3  }
0x92: {  	_ =	strace s18  }
0x93: {  	s3 =	sld [smem:$0x3FFC];
	_ =	sdelay $0x3  }
0x94: {  	_ =	strace s3  }
0x95: {  	s3 =	sld [smem:$0x3FFD];
	_ =	sdelay $0x3  }
0x96: {  	_ =	strace s3  }
0x97: {  	_ =	strace $0x8FFFFFFF  }
0x98: {  	s19 =	sld [smem:$0x3FDB];
	_ =	sdelay $0x1  }
0x99: {  	s4 =	simm.s32 $_scs_section_size  }
0x9a: {  	s5 =	simm.s32 $_size__tile_overlayer_lowered;
	s6 =	simm.s32 $_tile_overlayer_lowered  }
0x9b: {  	s22 =	simm.s32 $0x1BFF;
	s21 =	sshll.u32 s6, $0x1;
	s3 =	sadd.s32 s4, s19  }
0x9c: {  	s7 =	simm.s32 $0x0;
	s20 =	sshll.u32 s5, $0x1;
	s5 =	sadd.s32 s21, s3  }
0x9d: {  	[timem:s7], [sflag:s22] =	dma.local [hbm:s5], s20  }
0x9e: {  	_ =	swait.ge [sflag:s22], s20  }
0x9f: {  	s4 =	ssub.s32 $0x0, s20;
	[sflag:s22] =	ssyncset.done $0x0  }
0xa0: {  	[sflag:s22] =	ssyncadd.s32 s4;
	_ =	sdelay $0x1  }
0xa1: {  	s23 =	simm.s32 $0x1B8B  }
0xa2: {  	_ =	swait.ge [sflag:s23], $0x1  }
0xa3: {  	[sflag:s23] =	ssyncset.done $0x0  }
0xa4: {  	s25 =	simm.s32 $0x1B8E;
	s24 =	sld [smem:$0x3FFE];
	[sflag:s23] =	ssyncadd.s32 $0xFFFFFFFF  }
0xa5: {  	s26 =	simm.s32 $execute0_lowered;
	[smem:$0x3FD2] =	sst s25  }
0xa6: {  	s5 =	sshll.u32 s26, $0x1;
	_ =	strace $0x80000046;
	[dreg:$0x1] =	wrdreg $0xFFFFFFFF  }
0xa7: {  	s28 =	simm.s32 $_size_execute0_lowered;
	s3 =	sadd.s32 s3, s5;
	[dreg:$0x0] =	wrdreg $0x0  }
0xa8: {  	s5 =	sshll.u32 s28, $0x1;
	[dreg:$0x2] =	wrdreg s3  }
0xa9: {  	[dreg:$0x3] =	wrdreg s5  }
0xaa: {  	[dreg:$0x4] =	wrdreg $0xC0  }
0xab: {  	_ =	task [dreg:s7], $0x5FFFF  }
0xac: {  	[dreg:$0x1] =	wrdreg $0xFFFFFFFF  }
0xad: {  	[dreg:$0x0] =	wrdreg $0x60  }
0xae: {  	[dreg:$0x2] =	wrdreg s2  }
0xaf: {  	[dreg:$0x3] =	wrdreg s24  }
0xb0: {  	[dreg:$0x4] =	wrdreg $0x0  }
0xb1: {  	[dreg:$0x5] =	wrdreg $0x9  }
0xb2: {  	_ =	task.clear_ibuf [dreg:s7], $0x6FFFF;
	_ =	strace $0x90000046  }
0xb3: {  	s29 =	simm.s32 $0x9;
	_ =	strace $0x80000048  }
0xb4: {  	_ =	swait.ge [sflag:s29], $0x1  }
0xb5: {  	[sflag:s29] =	ssyncadd.s32 $0xFFFFFFFF  }
0xb6: {  	_ =	strace $0x90000048  }
0xb7: {  	_ =	sfence  }
0xb8: {  	s30 =	sld [smem:$0x0];
	_ =	sdelay $0x2  }
0xb9: {  	s31 =	sshll.u32 s1, $0xD;
	s1 =	sshrl.u32 s1, $0x2  }
0xba: {  	s3 =	sand.u32 $0x4000, s31;
	s1 =	sadd.s32 s1, s30  }
0xbb: {  	s0 =	sor.u32 s3, s0;
	s1 =	sshll.u32 s1, $0x11  }
0xbc: {  	s0 =	sor.u32 s1, s0  }
0xbd: {  	s0 =	sadd.s32 $0x8F2B, s0  }
0xbe: {  	[sflag:s0] =	ssyncadd.remote.s32 $0x1  }
0xbf: {  	_ =	sfence.sel $0xFFFF  }
0xc0: {  	[dreg:$0x0] =	wrdreg $0xFFFFFFFF;
	(pc) =	sbr.abs _section_cstart, $3  }
0xc1: {  	[dreg:$0x1] =	wrdreg $0xFFFFFFFF  }
0xc2: {  	_ =	task.clear_ibuf [dreg:s7], $0x2FFFF;
	_ =	strace $0x9FFFFFFF  }
0xc3: {  	(tm) =	ssettm $0x7FFFFFFF  }
tec
execute0_lowered:
.L_overlay_start_1:
0x0: {  	(tag) =	ssettag $0x1  }
0x1: {  	s4 =	rddreg [dreg:$0x0];
	s1 =	srdreg.scid  }
0x2: {  	s22 =	rddreg [dreg:$0x1];
	s0 =	stileid.u32  }
0x3: {  	s2 =	rddreg [dreg:$0x2];
	s3 =	simm.s32 $0x0;
	s9 =	simm.s32 $0x18080  }
0x4: {  	s8 =	simm.s32 $0x4;
	s23 =	sand.u32 $0x1, s1;
	s1 =	rddreg [dreg:$0x3]  }
0x5: {  	s6 =	sshll.u32 s0, $0x9;
	[smem:$0x7FF] =	sst s3;
	s5 =	sshll.u32 s23, $0xD  }
0x6: {  	s7 =	sshll.u32 s0, $0x10;
	s24 =	sshll.u32 s0, $0x6;
	s5 =	sor.u32 s6, s5  }
0x7: {  	_ =	strace $0x80000047;
	s7 =	sadd.s32 s7, s2;
	s6 =	sshrl.u32 s5, $0x3  }
0x8: {  	s7 =	sshrl.u32 s7, $0x3;
	s25 =	sshll.u32 s5, $0x4;
	s6 =	sadd.s32 s6, s22  }
0x9: {  	s5 =	sor.u32 $0x1C01, s24;
	s4 =	sadd.s32 s4, s25;
	s6 =	sadd.s32 $0x6200, s6  }
0xa: {  	[spmem:s7], [sflag:s5] =	dma.local [hbm:s4], $0x2000  }
0xb: {  	[tilespmem:s9], [sflag:$0x4] =	stream.linear.gather [hbm4b:s6+s3], $0x200, $0x38;
	[tilespmem:$0x18280] =	vst v63  }
0xc: {  	_ =	swait.ge [sflag:s8], $0x200  }
0xd: {  	[sflag:s8] =	ssyncset.done $0x0  }
0xe: {  	s10 =	simm.s32 $0x10080;
	s11 =	simm.s32 $0x1;
	[sflag:s8] =	ssyncadd.s32 $0xFFFFFE00  }
0xf: {  	[tilespmem:s10], [sflag:$0x2] =	stream.linear.gather [hbm4b:s4+s3], $0x4000, $0x38;
	[tilespmem:$0x18280] =	vst v63  }
0x10: {  	_ =	swait.ge [sflag:s11], $0x2000  }
0x11: {  	[sflag:s11] =	ssyncset.done $0x0  }
0x12: {  	[sflag:s11] =	ssyncadd.s32 $0xFFFFE000  }
0x13: {  	s12 =	simm.s32 $0x2;
	[bflag:$0x0] =	sbarrier.arrive $0xFFFF  }
0x14: {  	_ =	swait.ge [sflag:s12], $0x4000  }
0x15: {  	[sflag:s12] =	ssyncset.done $0x0  }
0x16: {  	s14 =	simm.s32 $0x14080;
	s13 =	sadd.s32 $0x800, s4;
	[sflag:s12] =	ssyncadd.s32 $0xFFFFC000  }
0x17: {  	[tilespmem:s14], [sflag:$0x3] =	stream.linear.gather [hbm4b:s13+s3], $0x4000, $0x38;
	[tilespmem:$0x18280] =	vst v63  }
0x18: {  	s15 =	simm.s32 $0x80  }
0x19: {  	[spmem:s2] =	stream.indirect.scatter.add.f32 [tilespmem:s10], [sflag:$0x4], $0x80, s9, s15, $0xb8;
	[tilespmem:$0x18280] =	vst v63  }
0x1a: {  	_ =	swait.ge [sflag:s8], $0x4000  }
0x1b: {  	[sflag:s8] =	ssyncset.done $0x0  }
0x1c: {  	s16 =	simm.s32 $0x3;
	[sflag:s8] =	ssyncadd.s32 $0xFFFFC000  }
0x1d: {  	_ =	swait.ge [sflag:s16], $0x4000  }
0x1e: {  	[sflag:s16] =	ssyncset.done $0x0  }
0x1f: {  	s17 =	sadd.s32 $0x1000, s4;
	[sflag:s16] =	ssyncadd.s32 $0xFFFFC000  }
0x20: {  	[tilespmem:s10], [sflag:$0x2] =	stream.linear.gather [hbm4b:s17+s3], $0x4000, $0x38;
	[tilespmem:$0x18280] =	vst v63  }
0x21: {  	s18 =	simm.s32 $0x18100  }
0x22: {  	[spmem:s2] =	stream.indirect.scatter.add.f32 [tilespmem:s14], [sflag:$0x4], $0x80, s18, s15, $0xb8;
	[tilespmem:$0x18280] =	vst v63  }
0x23: {  	_ =	swait.ge [sflag:s8], $0x4000  }
0x24: {  	[sflag:s8] =	ssyncset.done $0x0  }
0x25: {  	[sflag:s8] =	ssyncadd.s32 $0xFFFFC000  }
0x26: {  	_ =	swait.ge [sflag:s12], $0x4000  }
0x27: {  	[sflag:s12] =	ssyncset.done $0x0  }
0x28: {  	s19 =	sadd.s32 $0x1800, s4;
	[sflag:s12] =	ssyncadd.s32 $0xFFFFC000  }
0x29: {  	[tilespmem:s14], [sflag:$0x3] =	stream.linear.gather [hbm4b:s19+s3], $0x4000, $0x38;
	[tilespmem:$0x18280] =	vst v63  }
0x2a: {  	s20 =	simm.s32 $0x18180  }
0x2b: {  	[spmem:s2] =	stream.indirect.scatter.add.f32 [tilespmem:s10], [sflag:$0x4], $0x80, s20, s15, $0xb8;
	[tilespmem:$0x18280] =	vst v63  }
0x2c: {  	_ =	swait.ge [sflag:s8], $0x4000  }
0x2d: {  	[sflag:s8] =	ssyncset.done $0x0  }
0x2e: {  	[sflag:s8] =	ssyncadd.s32 $0xFFFFC000  }
0x2f: {  	s23 =	ssub.s32 $0x2, s23;
	_ =	swait.ge [sflag:s16], $0x4000  }
0x30: {  	s31 =	sshrl.u32 s23, $0x1;
	[sflag:s16] =	ssyncset.done $0x0  }
0x31: {  	s21 =	simm.s32 $0x18200;
	s23 =	ssub.s32 s23, s31;
	[sflag:s16] =	ssyncadd.s32 $0xFFFFC000  }
0x32: {  	[spmem:s2] =	stream.indirect.scatter.add.f32 [tilespmem:s14], [sflag:$0x4], $0x80, s21, s15, $0xb8;
	[tilespmem:$0x18280] =	vst v63  }
0x33: {  	s22 =	sadd.s32 s25, s22;
	s25 =	smax.u32 s23, $0x1;
	_ =	swait.ge [sflag:s8], $0x4000  }
0x34: {  	p0 =	sne.s32 s25, $0x1;
	[sflag:s8] =	ssyncset.done $0x0  }
.Ltmp0:
0x35: {  	[sflag:s8] =	ssyncadd.s32 $0xFFFFC000;
	(pc) =	sbr.rel @!p0 .LBB2_2-.Ltmp0, $4  }
0x36: {  	s23 =	sor.u32 $0x1C04, s24;
	s22 =	sadd.s32 $0x46A00, s22;
	[bflag:$0x0] =	sbarrier.arrive $0xFFFF  }
0x37: {  	[hbm:s22], [sflag:s23] =	dma.local [spmem:s7], $0x2000  }
0x38: {  	_ =	swait.ge [sflag:s8], $0x2000  }
0x39: {  	s24 =	sadd.s32 $0xFFFFFFFF, s25;
	[sflag:s8] =	ssyncset.done $0x0  }
.LBB2_1:
0x3a: {  	p0 =	sne.s32 s24, $0x1;
	s24 =	sadd.s32 $0xFFFFFFFF, s24;
	[sflag:s8] =	ssyncadd.s32 $0xFFFFE000  }
0x3b: {  	[spmem:s7], [sflag:s5] =	dma.local [hbm:s4], $0x2000  }
0x3c: {  	[tilespmem:s9], [sflag:$0x4] =	stream.linear.gather [hbm4b:s6+s3], $0x200, $0x38;
	[tilespmem:$0x18280] =	vst v63  }
0x3d: {  	_ =	swait.ge [sflag:s8], $0x200  }
0x3e: {  	[sflag:s8] =	ssyncset.done $0x0  }
0x3f: {  	[sflag:s8] =	ssyncadd.s32 $0xFFFFFE00  }
0x40: {  	[tilespmem:s10], [sflag:$0x2] =	stream.linear.gather [hbm4b:s4+s3], $0x4000, $0x38;
	[tilespmem:$0x18280] =	vst v63  }
0x41: {  	_ =	swait.ge [sflag:s11], $0x2000  }
0x42: {  	[sflag:s11] =	ssyncset.done $0x0  }
0x43: {  	[sflag:s11] =	ssyncadd.s32 $0xFFFFE000  }
0x44: {  	[bflag:$0x0] =	sbarrier.arrive $0xFFFF  }
0x45: {  	_ =	swait.ge [sflag:s12], $0x4000  }
0x46: {  	[sflag:s12] =	ssyncset.done $0x0  }
0x47: {  	[sflag:s12] =	ssyncadd.s32 $0xFFFFC000  }
0x48: {  	[tilespmem:s14], [sflag:$0x3] =	stream.linear.gather [hbm4b:s13+s3], $0x4000, $0x38;
	[tilespmem:$0x18280] =	vst v63  }
0x49: {  	_ = 	snop  }
0x4a: {  	[spmem:s2] =	stream.indirect.scatter.add.f32 [tilespmem:s10], [sflag:$0x4], $0x80, s9, s15, $0xb8;
	[tilespmem:$0x18280] =	vst v63  }
0x4b: {  	_ =	swait.ge [sflag:s8], $0x4000  }
0x4c: {  	[sflag:s8] =	ssyncset.done $0x0  }
0x4d: {  	[sflag:s8] =	ssyncadd.s32 $0xFFFFC000  }
0x4e: {  	_ =	swait.ge [sflag:s16], $0x4000  }
0x4f: {  	[sflag:s16] =	ssyncset.done $0x0  }
0x50: {  	[sflag:s16] =	ssyncadd.s32 $0xFFFFC000  }
0x51: {  	[tilespmem:s10], [sflag:$0x2] =	stream.linear.gather [hbm4b:s17+s3], $0x4000, $0x38;
	[tilespmem:$0x18280] =	vst v63  }
0x52: {  	_ = 	snop  }
0x53: {  	[spmem:s2] =	stream.indirect.scatter.add.f32 [tilespmem:s14], [sflag:$0x4], $0x80, s18, s15, $0xb8;
	[tilespmem:$0x18280] =	vst v63  }
0x54: {  	_ =	swait.ge [sflag:s8], $0x4000  }
0x55: {  	[sflag:s8] =	ssyncset.done $0x0  }
0x56: {  	[sflag:s8] =	ssyncadd.s32 $0xFFFFC000  }
0x57: {  	_ =	swait.ge [sflag:s12], $0x4000  }
0x58: {  	[sflag:s12] =	ssyncset.done $0x0  }
0x59: {  	[sflag:s12] =	ssyncadd.s32 $0xFFFFC000  }
0x5a: {  	[tilespmem:s14], [sflag:$0x3] =	stream.linear.gather [hbm4b:s19+s3], $0x4000, $0x38;
	[tilespmem:$0x18280] =	vst v63  }
0x5b: {  	_ = 	snop  }
0x5c: {  	[spmem:s2] =	stream.indirect.scatter.add.f32 [tilespmem:s10], [sflag:$0x4], $0x80, s20, s15, $0xb8;
	[tilespmem:$0x18280] =	vst v63  }
0x5d: {  	_ =	swait.ge [sflag:s8], $0x4000  }
0x5e: {  	[sflag:s8] =	ssyncset.done $0x0  }
0x5f: {  	[sflag:s8] =	ssyncadd.s32 $0xFFFFC000  }
0x60: {  	_ =	swait.ge [sflag:s16], $0x4000  }
0x61: {  	[sflag:s16] =	ssyncset.done $0x0  }
0x62: {  	[sflag:s16] =	ssyncadd.s32 $0xFFFFC000  }
0x63: {  	[spmem:s2] =	stream.indirect.scatter.add.f32 [tilespmem:s14], [sflag:$0x4], $0x80, s21, s15, $0xb8;
	[tilespmem:$0x18280] =	vst v63  }
0x64: {  	_ =	swait.ge [sflag:s8], $0x4000  }
0x65: {  	[sflag:s8] =	ssyncset.done $0x0  }
.Ltmp1:
0x66: {  	[sflag:s8] =	ssyncadd.s32 $0xFFFFC000;
	(pc) =	sbr.rel @p0 .LBB2_1-.Ltmp1, $4  }
0x67: {  	[bflag:$0x0] =	sbarrier.arrive $0xFFFF  }
0x68: {  	[hbm:s22], [sflag:s23] =	dma.local [spmem:s7], $0x2000  }
0x69: {  	_ =	swait.ge [sflag:s8], $0x2000  }
0x6a: {  	[sflag:s8] =	ssyncset.done $0x0  }
.LBB2_2:
0x6b: {  	[sflag:s8] =	ssyncadd.s32 $0xFFFFE000  }
0x6c: {  	_ =	sfence.sel $0x180000  }
0x6d: {  	[bflag:$0x0] =	sbarrier.arrive $0xFFFF  }
0x6e: {  	p0 =	sne.s32 s0, $0x0;
	_ =	strace $0x90000047  }
0x6f: {  	s0 =	sadd.s32 @!p0 $0x100000, s1;
	[bflag:$0x2] =	sbarrier.arrive $0xFFFF  }
0x70: {  	[sflag:s0] =	ssyncadd.tile.s32 @!p0 $0x1;
	_ =	shalt  }
.Lfunc_end2:
_tile_overlayer_lowered:
.L_overlay_start_2:
0x71: {  	(tag) =	ssettag $0x2  }
0x72: {  	s0 =	rddreg [dreg:$0x0];
	s2 =	stileid.u32  }
0x73: {  	s1 =	rddreg [dreg:$0x1];
	p0 =	sne.s32 s2, $0x0  }
0x74: {  	s3 =	rddreg [dreg:$0x2];
	[bflag:$0x3] =	sbarrier.arrive $0xFFFF;
	s2 =	simm.s32 @!p0 $0x1C04  }
0x75: {  	[timem:s3], [sflag:s2] =	dma.local @!p0 [hbm:s0], s1  }
0x76: {  	s0 =	simm.s32 @!p0 $0x4  }
0x77: {  	_ =	swait.ge @!p0 [sflag:s0], s1  }
0x78: {  	s1 =	ssub.s32 @!p0 $0x0, s1;
	[sflag:s0] =	ssyncset.done @!p0 $0x0  }
0x79: {  	[sflag:s0] =	ssyncadd.s32 @!p0 s1  }
0x7a: {  	[bflag:$0x3] =	sbarrier.arrive $0xFFFF  }
0x7b: {  	_ =	shalt  }

// kernel: kernel.18.cloned.1.call-start
scs
__scs_entry_jumppad:
0x0: {  	(pc) =	sbr.rel $0x88, $3  }
0x1: {  	(tag) =	ssettag $0x0;
	lr =	simm.s32 $0x1  }
0x2: {  	[smem:$0x3F93] =	sst lr;
	_ =	strace $0xD0000000  }
0x3: {  	_ = 	snop  }
0x4: {  	_ = 	snop  }
0x5: {  	_ = 	snop  }
0x6: {  	_ = 	snop  }
0x7: {  	_ = 	snop  }
__scs_overlays_trampoline_lowered:
0x8: {  	[smem:$0x3FA2] =	sst s0  }
0x9: {  	[smem:$0x3FA3] =	sst s1  }
0xa: {  	[smem:$0x3FA4] =	sst s2  }
0xb: {  	[smem:$0x3FA5] =	sst s3  }
0xc: {  	[smem:$0x3FA6] =	sst s4  }
0xd: {  	[smem:$0x3FA7] =	sst s5  }
0xe: {  	[smem:$0x3FA8] =	sst s6  }
0xf: {  	[smem:$0x3FA9] =	sst s7  }
0x10: {  	[smem:$0x3FAA] =	sst s8  }
0x11: {  	[smem:$0x3FAB] =	sst s9;
	s0 =	simm.s32 @!p0 $0x0  }
0x12: {  	s1 =	sld [smem:$0x3F91];
	s0 =	simm.s32 @p0 $0x1  }
0x13: {  	[smem:$0x3FAC] =	sst s0;
	s0 =	simm.s32 @!p1 $0x0  }
0x14: {  	s2 =	sld [smem:$0x3F90];
	s0 =	simm.s32 @p1 $0x1  }
0x15: {  	[smem:$0x3FAD] =	sst s0;
	s0 =	simm.s32 @!p2 $0x0  }
0x16: {  	s3 =	sld [smem:$0x3FDB];
	s0 =	simm.s32 @p2 $0x1  }
0x17: {  	s4 =	simm.s32 $0x1BF5;
	[smem:$0x3FAF] =	sst s0  }
0x18: {  	s0 =	sld [smem:$0x3F92];
	_ =	swait.ge [sflag:s4], $0x0  }
0x19: {  	s7 =	sld [smem:$0x3F93]  }
0x1a: {  	s8 =	sadd.s32 $0xFFFFE003, lr  }
0x1b: {  	s9 =	sadd.s32 $0xFFFFFEF7, lr;
	s5 =	simm.s32 $0xFFFFFFFF;
	p2 =	slt.u32 s8, $0xFFFFF086  }
0x1c: {  	p1 =	slt.u32 s9, $0xF7A;
	s5 =	simm.s32 @!p2 $0x0  }
0x1d: {  	s5 =	simm.s32 @p1 $0x1;
	p0 =	seq.s32 s7, s2  }
0x1e: {  	s7 =	smul.u32 @!p0 $0xF7A, s2;
	p2 =	seq.s32 @!p0 s5, $0x0  }
0x1f: {  	s9 =	smul.u32 $0xF7A, s1;
	s8 =	simm.s32 @!p0 $0x1BF5;
	p2 =	por !p2, p0  }
0x20: {  	[sflag:s8] =	ssyncset.s32 @!p0 $0xFFFFF086;
	s6 =	sadd.s32 @!p0 s3, s7;
	s7 =	simm.s32 @!p0 $0x108  }
0x21: {  	s3 =	sadd.s32 s3, s9;
	s6 =	sadd.s32 @!p0 $0x88, s6;
	s7 =	simm.s32 @p2 $0x1082  }
0x22: {  	[simem:s7], [sflag:s8] =	dma.local @!p0 [hbm:s6], $0xF7A  }
0x23: {  	s9 =	sor.u32 $0xD0000000, s2;
	s6 =	simm.s32 $0x108;
	_ =	swait.ge @!p0 [sflag:s8], $0x0  }
0x24: {  	s3 =	sadd.s32 $0x88, s3;
	s6 =	simm.s32 @!p1 $0x1082;
	[sflag:s4] =	ssyncset.s32 $0xFFFFF086  }
0x25: {  	[simem:s6], [sflag:s4] =	dma.local [hbm:s3], $0xF7A  }
0x26: {  	[smem:$0x3F93] =	sst s1;
	(tag) =	ssettag s2;
	_ =	strace s9  }
0x27: {  	s1 =	sld [smem:$0x3FA3]  }
0x28: {  	s2 =	sld [smem:$0x3FA4]  }
0x29: {  	s4 =	sld [smem:$0x3FA6]  }
0x2a: {  	p0 =	seq.s32 s5, $0x0;
	s5 =	sld [smem:$0x3FA7]  }
0x2b: {  	s6 =	sld [smem:$0x3FA8]  }
0x2c: {  	s7 =	sld [smem:$0x3FA9]  }
0x2d: {  	s3 =	simm.s32 $0x108;
	s8 =	sld [smem:$0x3FAA]  }
0x2e: {  	s3 =	simm.s32 @!p0 $0x1082;
	s9 =	sld [smem:$0x3FAB]  }
0x2f: {  	lr =	sadd.s32 s0, s3;
	s0 =	sld [smem:$0x3FA2]  }
0x30: {  	s3 =	sld [smem:$0x3FA5]  }
0x31: {  	[smem:$0x3FAE] =	sst s10  }
0x32: {  	s10 =	sld [smem:$0x3FAC];
	_ =	sdelay $0x3  }
0x33: {  	p0 =	seq.s32 s10, $0x1;
	s10 =	sld [smem:$0x3FAE];
	_ =	sdelay $0x3  }
0x34: {  	[smem:$0x3FAE] =	sst s10  }
0x35: {  	s10 =	sld [smem:$0x3FAD];
	_ =	sdelay $0x3  }
0x36: {  	p1 =	seq.s32 s10, $0x1;
	s10 =	sld [smem:$0x3FAE];
	_ =	sdelay $0x3  }
0x37: {  	[smem:$0x3FAE] =	sst s10  }
0x38: {  	s10 =	sld [smem:$0x3FAF]  }
0x39: {  	_ = 	snop;
	(pc) =	sbr.ind lr, $3  }
0x3a: {  	_ = 	snop  }
0x3b: {  	_ = 	snop  }
0x3c: {  	p2 =	seq.s32 s10, $0x1;
	s10 =	sld [smem:$0x3FAE]  }
0x3d: {  	_ =	shalt  }
0x3e: {  	_ =	shalt  }
0x3f: {  	_ =	shalt  }
0x40: {  	_ =	shalt  }
0x41: {  	_ =	shalt  }
0x42: {  	_ =	shalt  }
0x43: {  	_ =	shalt  }
0x44: {  	_ =	shalt  }
0x45: {  	_ =	shalt  }
0x46: {  	_ =	shalt  }
0x47: {  	_ =	shalt  }
0x48: {  	_ =	shalt  }
0x49: {  	_ =	shalt  }
0x4a: {  	_ =	shalt  }
0x4b: {  	_ =	shalt  }
0x4c: {  	_ =	shalt  }
0x4d: {  	_ =	shalt  }
0x4e: {  	_ =	shalt  }
0x4f: {  	_ =	shalt  }
0x50: {  	_ =	shalt  }
0x51: {  	_ =	shalt  }
0x52: {  	_ =	shalt  }
0x53: {  	_ =	shalt  }
0x54: {  	_ =	shalt  }
0x55: {  	_ =	shalt  }
0x56: {  	_ =	shalt  }
0x57: {  	_ =	shalt  }
0x58: {  	_ =	shalt  }
0x59: {  	_ =	shalt  }
0x5a: {  	_ =	shalt  }
0x5b: {  	_ =	shalt  }
0x5c: {  	_ =	shalt  }
0x5d: {  	_ =	shalt  }
0x5e: {  	_ =	shalt  }
0x5f: {  	_ =	shalt  }
0x60: {  	_ =	shalt  }
0x61: {  	_ =	shalt  }
0x62: {  	_ =	shalt  }
0x63: {  	_ =	shalt  }
0x64: {  	_ =	shalt  }
0x65: {  	_ =	shalt  }
0x66: {  	_ =	shalt  }
0x67: {  	_ =	shalt  }
0x68: {  	_ =	shalt  }
0x69: {  	_ =	shalt  }
0x6a: {  	_ =	shalt  }
0x6b: {  	_ =	shalt  }
0x6c: {  	_ =	shalt  }
0x6d: {  	_ =	shalt  }
0x6e: {  	_ =	shalt  }
0x6f: {  	_ =	shalt  }
0x70: {  	_ =	shalt  }
0x71: {  	_ =	shalt  }
0x72: {  	_ =	shalt  }
0x73: {  	_ =	shalt  }
0x74: {  	_ =	shalt  }
0x75: {  	_ =	shalt  }
0x76: {  	_ =	shalt  }
0x77: {  	_ =	shalt  }
0x78: {  	_ =	shalt  }
0x79: {  	_ =	shalt  }
0x7a: {  	_ =	shalt  }
0x7b: {  	_ =	shalt  }
0x7c: {  	_ =	shalt  }
0x7d: {  	_ =	shalt  }
0x7e: {  	_ =	shalt  }
0x7f: {  	_ =	shalt  }
0x80: {  	_ =	shalt  }
0x81: {  	_ =	shalt  }
0x82: {  	_ =	shalt  }
0x83: {  	_ =	shalt  }
0x84: {  	_ =	shalt  }
0x85: {  	_ =	shalt  }
0x86: {  	_ =	shalt  }
0x87: {  	_ =	shalt  }
.Lfunc_end0:
.L_simem_size_0:
called_computation.1_lowered:
.L_overlay_start_0:
0x88: {  	s2 =	sld [smem:$0x3FD9]  }
0x89: {  	s3 =	sld [smem:$0x3FFE];
	_ =	sdelay $0x1  }
0x8a: {  	s1 =	srdreg.scid  }
0x8b: {  	s0 =	sand.u32 $0x1, s1  }
0x8c: {  	s16 =	sshll.u32 s0, $0xA;
	s2 =	sadd.s32 s3, s2  }
0x8d: {  	s2 =	sadd.s32 s2, s16  }
0x8e: {  	[smem:$0x3FBA] =	sst s2  }
0x8f: {  	_ = 	snop  }
0x90: {  	(tm) =	ssettm $0x1  }
0x91: {  	s17 =	sld [smem:$0x3FFB];
	_ =	sdelay $0x3  }
0x92: {  	_ =	strace s17  }
0x93: {  	s2 =	sld [smem:$0x3FFC];
	_ =	sdelay $0x3  }
0x94: {  	_ =	strace s2  }
0x95: {  	s2 =	sld [smem:$0x3FFD];
	_ =	sdelay $0x3  }
0x96: {  	_ =	strace s2  }
0x97: {  	_ =	strace $0x8FFFFFFF  }
0x98: {  	s18 =	sld [smem:$0x3FDB];
	_ =	sdelay $0x1  }
0x99: {  	s19 =	simm.s32 $_scs_section_size  }
0x9a: {  	s4 =	simm.s32 $_size__tile_overlayer_lowered;
	s5 =	simm.s32 $_tile_overlayer_lowered  }
0x9b: {  	s22 =	simm.s32 $0x1BFF;
	s21 =	sshll.u32 s5, $0x1;
	s2 =	sadd.s32 s19, s18  }
0x9c: {  	s6 =	simm.s32 $0x0;
	s20 =	sshll.u32 s4, $0x1;
	s4 =	sadd.s32 s21, s2  }
0x9d: {  	[timem:s6], [sflag:s22] =	dma.local [hbm:s4], s20  }
0x9e: {  	_ =	swait.ge [sflag:s22], s20  }
0x9f: {  	s3 =	ssub.s32 $0x0, s20;
	[sflag:s22] =	ssyncset.done $0x0  }
0xa0: {  	[sflag:s22] =	ssyncadd.s32 s3;
	_ =	sdelay $0x1  }
0xa1: {  	s23 =	simm.s32 $0x1B8B  }
0xa2: {  	_ =	swait.ge [sflag:s23], $0x1  }
0xa3: {  	[sflag:s23] =	ssyncset.done $0x0  }
0xa4: {  	s25 =	simm.s32 $0x1B8E;
	s24 =	sld [smem:$0x3FFE];
	[sflag:s23] =	ssyncadd.s32 $0xFFFFFFFF  }
0xa5: {  	s26 =	simm.s32 $execute0_lowered;
	[smem:$0x3FD2] =	sst s25  }
0xa6: {  	s4 =	sshll.u32 s26, $0x1;
	_ =	strace $0x80000049;
	[dreg:$0x1] =	wrdreg $0xFFFFFFFF  }
0xa7: {  	s28 =	simm.s32 $_size_execute0_lowered;
	s2 =	sadd.s32 s2, s4;
	[dreg:$0x0] =	wrdreg $0x0  }
0xa8: {  	s4 =	sshll.u32 s28, $0x1;
	[dreg:$0x2] =	wrdreg s2  }
0xa9: {  	[dreg:$0x3] =	wrdreg s4  }
0xaa: {  	[dreg:$0x4] =	wrdreg $0xC0  }
0xab: {  	_ =	task [dreg:s6], $0x5FFFF  }
0xac: {  	[dreg:$0x1] =	wrdreg $0xFFFFFFFF  }
0xad: {  	[dreg:$0x0] =	wrdreg $0x60  }
0xae: {  	[dreg:$0x2] =	wrdreg s24  }
0xaf: {  	[dreg:$0x3] =	wrdreg $0x0  }
0xb0: {  	[dreg:$0x4] =	wrdreg $0x9  }
0xb1: {  	_ =	task.clear_ibuf [dreg:s6], $0x5FFFF;
	_ =	strace $0x90000049  }
0xb2: {  	s29 =	simm.s32 $0x9;
	_ =	strace $0x8000004B  }
0xb3: {  	_ =	swait.ge [sflag:s29], $0x1  }
0xb4: {  	[sflag:s29] =	ssyncadd.s32 $0xFFFFFFFF  }
0xb5: {  	_ =	strace $0x9000004B  }
0xb6: {  	_ =	sfence  }
0xb7: {  	s30 =	sld [smem:$0x0];
	_ =	sdelay $0x2  }
0xb8: {  	s31 =	sshll.u32 s1, $0xD;
	s1 =	sshrl.u32 s1, $0x2  }
0xb9: {  	s3 =	sand.u32 $0x4000, s31;
	s1 =	sadd.s32 s1, s30  }
0xba: {  	s0 =	sor.u32 s3, s0;
	s1 =	sshll.u32 s1, $0x11  }
0xbb: {  	s0 =	sor.u32 s1, s0  }
0xbc: {  	s0 =	sadd.s32 $0x8F2B, s0  }
0xbd: {  	[sflag:s0] =	ssyncadd.remote.s32 $0x1  }
0xbe: {  	_ =	sfence.sel $0xFFFF  }
0xbf: {  	[dreg:$0x0] =	wrdreg $0xFFFFFFFF;
	(pc) =	sbr.abs _section_cstart, $3  }
0xc0: {  	[dreg:$0x1] =	wrdreg $0xFFFFFFFF  }
0xc1: {  	_ =	task.clear_ibuf [dreg:s6], $0x2FFFF;
	_ =	strace $0x9FFFFFFF  }
0xc2: {  	(tm) =	ssettm $0x7FFFFFFF  }
0xc3: {  	_ =	shalt  }
tec
execute0_lowered:
.L_overlay_start_1:
0x0: {  	(tag) =	ssettag $0x1  }
0x1: {  	s4 =	rddreg [dreg:$0x0]  }
0x2: {  	s2 =	rddreg [dreg:$0x1]  }
0x3: {  	s3 =	srdreg.scid;
	s0 =	rddreg [dreg:$0x2]  }
0x4: {  	s1 =	stileid.u32;
	s9 =	simm.s32 $0x18080;
	s8 =	simm.s32 $0x4  }
0x5: {  	s22 =	sand.u32 $0x1, s3;
	s3 =	simm.s32 $0x0;
	s6 =	sshll.u32 s1, $0x9  }
0x6: {  	s7 =	sshll.u32 s1, $0x10;
	s23 =	sshll.u32 s1, $0x6;
	s5 =	sshll.u32 s22, $0xD  }
0x7: {  	[smem:$0x7FF] =	sst s3;
	s7 =	sadd.s32 s7, s2;
	s5 =	sor.u32 s6, s5  }
0x8: {  	_ =	strace $0x8000004A;
	s6 =	sshrl.u32 s5, $0x3;
	s5 =	sshll.u32 s5, $0x4  }
0x9: {  	s7 =	sshrl.u32 s7, $0x3;
	s6 =	sadd.s32 s6, s4;
	s24 =	sadd.s32 s5, s4  }
0xa: {  	s5 =	sor.u32 $0x1C01, s23;
	s4 =	sadd.s32 $0x46A00, s24;
	s6 =	sadd.s32 $0x6200, s6  }
0xb: {  	[spmem:s7], [sflag:s5] =	dma.local [hbm:s4], $0x2000  }
0xc: {  	[tilespmem:s9], [sflag:$0x4] =	stream.linear.gather [hbm4b:s6+s3], $0x200, $0x38;
	[tilespmem:$0x18280] =	vst v63  }
0xd: {  	_ =	swait.ge [sflag:s8], $0x200  }
0xe: {  	[sflag:s8] =	ssyncset.done $0x0  }
0xf: {  	s10 =	simm.s32 $0x10080;
	s11 =	simm.s32 $0x1;
	[sflag:s8] =	ssyncadd.s32 $0xFFFFFE00  }
0x10: {  	[tilespmem:s10], [sflag:$0x2] =	stream.linear.gather [hbm4b:s4+s3], $0x4000, $0x38;
	[tilespmem:$0x18280] =	vst v63  }
0x11: {  	_ =	swait.ge [sflag:s11], $0x2000  }
0x12: {  	[sflag:s11] =	ssyncset.done $0x0  }
0x13: {  	[sflag:s11] =	ssyncadd.s32 $0xFFFFE000  }
0x14: {  	s12 =	simm.s32 $0x2;
	[bflag:$0x0] =	sbarrier.arrive $0xFFFF  }
0x15: {  	_ =	swait.ge [sflag:s12], $0x4000  }
0x16: {  	[sflag:s12] =	ssyncset.done $0x0  }
0x17: {  	s14 =	simm.s32 $0x14080;
	s13 =	sadd.s32 $0x47200, s24;
	[sflag:s12] =	ssyncadd.s32 $0xFFFFC000  }
0x18: {  	[tilespmem:s14], [sflag:$0x3] =	stream.linear.gather [hbm4b:s13+s3], $0x4000, $0x38;
	[tilespmem:$0x18280] =	vst v63  }
0x19: {  	s15 =	simm.s32 $0x80  }
0x1a: {  	[spmem:s2] =	stream.indirect.scatter.add.f32 [tilespmem:s10], [sflag:$0x4], $0x80, s9, s15, $0xb8;
	[tilespmem:$0x18280] =	vst v63  }
0x1b: {  	_ =	swait.ge [sflag:s8], $0x4000  }
0x1c: {  	[sflag:s8] =	ssyncset.done $0x0  }
0x1d: {  	s16 =	simm.s32 $0x3;
	[sflag:s8] =	ssyncadd.s32 $0xFFFFC000  }
0x1e: {  	_ =	swait.ge [sflag:s16], $0x4000  }
0x1f: {  	[sflag:s16] =	ssyncset.done $0x0  }
0x20: {  	s17 =	sadd.s32 $0x47A00, s24;
	[sflag:s16] =	ssyncadd.s32 $0xFFFFC000  }
0x21: {  	[tilespmem:s10], [sflag:$0x2] =	stream.linear.gather [hbm4b:s17+s3], $0x4000, $0x38;
	[tilespmem:$0x18280] =	vst v63  }
0x22: {  	s18 =	simm.s32 $0x18100  }
0x23: {  	[spmem:s2] =	stream.indirect.scatter.add.f32 [tilespmem:s14], [sflag:$0x4], $0x80, s18, s15, $0xb8;
	[tilespmem:$0x18280] =	vst v63  }
0x24: {  	_ =	swait.ge [sflag:s8], $0x4000  }
0x25: {  	[sflag:s8] =	ssyncset.done $0x0  }
0x26: {  	[sflag:s8] =	ssyncadd.s32 $0xFFFFC000  }
0x27: {  	_ =	swait.ge [sflag:s12], $0x4000  }
0x28: {  	[sflag:s12] =	ssyncset.done $0x0  }
0x29: {  	s19 =	sadd.s32 $0x48200, s24;
	[sflag:s12] =	ssyncadd.s32 $0xFFFFC000  }
0x2a: {  	[tilespmem:s14], [sflag:$0x3] =	stream.linear.gather [hbm4b:s19+s3], $0x4000, $0x38;
	[tilespmem:$0x18280] =	vst v63  }
0x2b: {  	s20 =	simm.s32 $0x18180  }
0x2c: {  	[spmem:s2] =	stream.indirect.scatter.add.f32 [tilespmem:s10], [sflag:$0x4], $0x80, s20, s15, $0xb8;
	[tilespmem:$0x18280] =	vst v63  }
0x2d: {  	_ =	swait.ge [sflag:s8], $0x4000  }
0x2e: {  	[sflag:s8] =	ssyncset.done $0x0  }
0x2f: {  	[sflag:s8] =	ssyncadd.s32 $0xFFFFC000  }
0x30: {  	s22 =	ssub.s32 $0x2, s22;
	_ =	swait.ge [sflag:s16], $0x4000  }
0x31: {  	s25 =	sshrl.u32 s22, $0x1;
	[sflag:s16] =	ssyncset.done $0x0  }
0x32: {  	s21 =	simm.s32 $0x18200;
	s25 =	ssub.s32 s22, s25;
	[sflag:s16] =	ssyncadd.s32 $0xFFFFC000  }
0x33: {  	[spmem:s2] =	stream.indirect.scatter.add.f32 [tilespmem:s14], [sflag:$0x4], $0x80, s21, s15, $0xb8;
	[tilespmem:$0x18280] =	vst v63  }
0x34: {  	s31 =	smax.u32 s25, $0x1;
	_ =	swait.ge [sflag:s8], $0x4000  }
0x35: {  	p0 =	sne.s32 s31, $0x1;
	[sflag:s8] =	ssyncset.done $0x0  }
.Ltmp0:
0x36: {  	[sflag:s8] =	ssyncadd.s32 $0xFFFFC000;
	(pc) =	sbr.rel @!p0 .LBB2_2-.Ltmp0, $4  }
0x37: {  	s23 =	sor.u32 $0x1C04, s23;
	s22 =	sadd.s32 $0x86E00, s24;
	[bflag:$0x0] =	sbarrier.arrive $0xFFFF  }
0x38: {  	[hbm:s22], [sflag:s23] =	dma.local [spmem:s7], $0x2000  }
0x39: {  	_ =	swait.ge [sflag:s8], $0x2000  }
0x3a: {  	s24 =	sadd.s32 $0xFFFFFFFF, s31;
	[sflag:s8] =	ssyncset.done $0x0  }
.LBB2_1:
0x3b: {  	p0 =	sne.s32 s24, $0x1;
	s24 =	sadd.s32 $0xFFFFFFFF, s24;
	[sflag:s8] =	ssyncadd.s32 $0xFFFFE000  }
0x3c: {  	[spmem:s7], [sflag:s5] =	dma.local [hbm:s4], $0x2000  }
0x3d: {  	[tilespmem:s9], [sflag:$0x4] =	stream.linear.gather [hbm4b:s6+s3], $0x200, $0x38;
	[tilespmem:$0x18280] =	vst v63  }
0x3e: {  	_ =	swait.ge [sflag:s8], $0x200  }
0x3f: {  	[sflag:s8] =	ssyncset.done $0x0  }
0x40: {  	[sflag:s8] =	ssyncadd.s32 $0xFFFFFE00  }
0x41: {  	[tilespmem:s10], [sflag:$0x2] =	stream.linear.gather [hbm4b:s4+s3], $0x4000, $0x38;
	[tilespmem:$0x18280] =	vst v63  }
0x42: {  	_ =	swait.ge [sflag:s11], $0x2000  }
0x43: {  	[sflag:s11] =	ssyncset.done $0x0  }
0x44: {  	[sflag:s11] =	ssyncadd.s32 $0xFFFFE000  }
0x45: {  	[bflag:$0x0] =	sbarrier.arrive $0xFFFF  }
0x46: {  	_ =	swait.ge [sflag:s12], $0x4000  }
0x47: {  	[sflag:s12] =	ssyncset.done $0x0  }
0x48: {  	[sflag:s12] =	ssyncadd.s32 $0xFFFFC000  }
0x49: {  	[tilespmem:s14], [sflag:$0x3] =	stream.linear.gather [hbm4b:s13+s3], $0x4000, $0x38;
	[tilespmem:$0x18280] =	vst v63  }
0x4a: {  	_ = 	snop  }
0x4b: {  	[spmem:s2] =	stream.indirect.scatter.add.f32 [tilespmem:s10], [sflag:$0x4], $0x80, s9, s15, $0xb8;
	[tilespmem:$0x18280] =	vst v63  }
0x4c: {  	_ =	swait.ge [sflag:s8], $0x4000  }
0x4d: {  	[sflag:s8] =	ssyncset.done $0x0  }
0x4e: {  	[sflag:s8] =	ssyncadd.s32 $0xFFFFC000  }
0x4f: {  	_ =	swait.ge [sflag:s16], $0x4000  }
0x50: {  	[sflag:s16] =	ssyncset.done $0x0  }
0x51: {  	[sflag:s16] =	ssyncadd.s32 $0xFFFFC000  }
0x52: {  	[tilespmem:s10], [sflag:$0x2] =	stream.linear.gather [hbm4b:s17+s3], $0x4000, $0x38;
	[tilespmem:$0x18280] =	vst v63  }
0x53: {  	_ = 	snop  }
0x54: {  	[spmem:s2] =	stream.indirect.scatter.add.f32 [tilespmem:s14], [sflag:$0x4], $0x80, s18, s15, $0xb8;
	[tilespmem:$0x18280] =	vst v63  }
0x55: {  	_ =	swait.ge [sflag:s8], $0x4000  }
0x56: {  	[sflag:s8] =	ssyncset.done $0x0  }
0x57: {  	[sflag:s8] =	ssyncadd.s32 $0xFFFFC000  }
0x58: {  	_ =	swait.ge [sflag:s12], $0x4000  }
0x59: {  	[sflag:s12] =	ssyncset.done $0x0  }
0x5a: {  	[sflag:s12] =	ssyncadd.s32 $0xFFFFC000  }
0x5b: {  	[tilespmem:s14], [sflag:$0x3] =	stream.linear.gather [hbm4b:s19+s3], $0x4000, $0x38;
	[tilespmem:$0x18280] =	vst v63  }
0x5c: {  	_ = 	snop  }
0x5d: {  	[spmem:s2] =	stream.indirect.scatter.add.f32 [tilespmem:s10], [sflag:$0x4], $0x80, s20, s15, $0xb8;
	[tilespmem:$0x18280] =	vst v63  }
0x5e: {  	_ =	swait.ge [sflag:s8], $0x4000  }
0x5f: {  	[sflag:s8] =	ssyncset.done $0x0  }
0x60: {  	[sflag:s8] =	ssyncadd.s32 $0xFFFFC000  }
0x61: {  	_ =	swait.ge [sflag:s16], $0x4000  }
0x62: {  	[sflag:s16] =	ssyncset.done $0x0  }
0x63: {  	[sflag:s16] =	ssyncadd.s32 $0xFFFFC000  }
0x64: {  	[spmem:s2] =	stream.indirect.scatter.add.f32 [tilespmem:s14], [sflag:$0x4], $0x80, s21, s15, $0xb8;
	[tilespmem:$0x18280] =	vst v63  }
0x65: {  	_ =	swait.ge [sflag:s8], $0x4000  }
0x66: {  	[sflag:s8] =	ssyncset.done $0x0  }
.Ltmp1:
0x67: {  	[sflag:s8] =	ssyncadd.s32 $0xFFFFC000;
	(pc) =	sbr.rel @p0 .LBB2_1-.Ltmp1, $4  }
0x68: {  	[bflag:$0x0] =	sbarrier.arrive $0xFFFF  }
0x69: {  	[hbm:s22], [sflag:s23] =	dma.local [spmem:s7], $0x2000  }
0x6a: {  	_ =	swait.ge [sflag:s8], $0x2000  }
0x6b: {  	[sflag:s8] =	ssyncset.done $0x0  }
.LBB2_2:
0x6c: {  	[sflag:s8] =	ssyncadd.s32 $0xFFFFE000  }
0x6d: {  	_ =	sfence.sel $0x180000  }
0x6e: {  	[bflag:$0x0] =	sbarrier.arrive $0xFFFF  }
0x6f: {  	p0 =	sne.s32 s1, $0x0;
	_ =	strace $0x9000004A  }
0x70: {  	s0 =	sadd.s32 @!p0 $0x100000, s0;
	[bflag:$0x2] =	sbarrier.arrive $0xFFFF  }
0x71: {  	[sflag:s0] =	ssyncadd.tile.s32 @!p0 $0x1;
	_ =	shalt  }
.Lfunc_end2:
_tile_overlayer_lowered:
.L_overlay_start_2:
0x72: {  	(tag) =	ssettag $0x2  }
0x73: {  	s0 =	rddreg [dreg:$0x0];
	s2 =	stileid.u32  }
0x74: {  	s1 =	rddreg [dreg:$0x1];
	p0 =	sne.s32 s2, $0x0  }
0x75: {  	s3 =	rddreg [dreg:$0x2];
	[bflag:$0x3] =	sbarrier.arrive $0xFFFF;
	s2 =	simm.s32 @!p0 $0x1C04  }
0x76: {  	[timem:s3], [sflag:s2] =	dma.local @!p0 [hbm:s0], s1  }
0x77: {  	s0 =	simm.s32 @!p0 $0x4  }
0x78: {  	_ =	swait.ge @!p0 [sflag:s0], s1  }
0x79: {  	s1 =	ssub.s32 @!p0 $0x0, s1;
	[sflag:s0] =	ssyncset.done @!p0 $0x0  }
0x7a: {  	[sflag:s0] =	ssyncadd.s32 @!p0 s1  }
0x7b: {  	[bflag:$0x3] =	sbarrier.arrive $0xFFFF  }
0x7c: {  	_ =	shalt  }

// kernel: kernel.21.cloned.1.call-start
scs
__scs_entry_jumppad:
0x0: {  	(pc) =	sbr.rel $0x88, $3  }
0x1: {  	(tag) =	ssettag $0x0;
	lr =	simm.s32 $0x1  }
0x2: {  	[smem:$0x3F93] =	sst lr;
	_ =	strace $0xD0000000  }
0x3: {  	_ = 	snop  }
0x4: {  	_ = 	snop  }
0x5: {  	_ = 	snop  }
0x6: {  	_ = 	snop  }
0x7: {  	_ = 	snop  }
__scs_overlays_trampoline_lowered:
0x8: {  	[smem:$0x3FA2] =	sst s0  }
0x9: {  	[smem:$0x3FA3] =	sst s1  }
0xa: {  	[smem:$0x3FA4] =	sst s2  }
0xb: {  	[smem:$0x3FA5] =	sst s3  }
0xc: {  	[smem:$0x3FA6] =	sst s4  }
0xd: {  	[smem:$0x3FA7] =	sst s5  }
0xe: {  	[smem:$0x3FA8] =	sst s6  }
0xf: {  	[smem:$0x3FA9] =	sst s7  }
0x10: {  	[smem:$0x3FAA] =	sst s8  }
0x11: {  	[smem:$0x3FAB] =	sst s9;
	s0 =	simm.s32 @!p0 $0x0  }
0x12: {  	s1 =	sld [smem:$0x3F91];
	s0 =	simm.s32 @p0 $0x1  }
0x13: {  	[smem:$0x3FAC] =	sst s0;
	s0 =	simm.s32 @!p1 $0x0  }
0x14: {  	s2 =	sld [smem:$0x3F90];
	s0 =	simm.s32 @p1 $0x1  }
0x15: {  	[smem:$0x3FAD] =	sst s0;
	s0 =	simm.s32 @!p2 $0x0  }
0x16: {  	s3 =	sld [smem:$0x3FDB];
	s0 =	simm.s32 @p2 $0x1  }
0x17: {  	s4 =	simm.s32 $0x1BF5;
	[smem:$0x3FAF] =	sst s0  }
0x18: {  	s0 =	sld [smem:$0x3F92];
	_ =	swait.ge [sflag:s4], $0x0  }
0x19: {  	s7 =	sld [smem:$0x3F93]  }
0x1a: {  	s8 =	sadd.s32 $0xFFFFE003, lr  }
0x1b: {  	s9 =	sadd.s32 $0xFFFFFEF7, lr;
	s5 =	simm.s32 $0xFFFFFFFF;
	p2 =	slt.u32 s8, $0xFFFFF086  }
0x1c: {  	p1 =	slt.u32 s9, $0xF7A;
	s5 =	simm.s32 @!p2 $0x0  }
0x1d: {  	s5 =	simm.s32 @p1 $0x1;
	p0 =	seq.s32 s7, s2  }
0x1e: {  	s7 =	smul.u32 @!p0 $0xF7A, s2;
	p2 =	seq.s32 @!p0 s5, $0x0  }
0x1f: {  	s9 =	smul.u32 $0xF7A, s1;
	s8 =	simm.s32 @!p0 $0x1BF5;
	p2 =	por !p2, p0  }
0x20: {  	[sflag:s8] =	ssyncset.s32 @!p0 $0xFFFFF086;
	s6 =	sadd.s32 @!p0 s3, s7;
	s7 =	simm.s32 @!p0 $0x108  }
0x21: {  	s3 =	sadd.s32 s3, s9;
	s6 =	sadd.s32 @!p0 $0x88, s6;
	s7 =	simm.s32 @p2 $0x1082  }
0x22: {  	[simem:s7], [sflag:s8] =	dma.local @!p0 [hbm:s6], $0xF7A  }
0x23: {  	s9 =	sor.u32 $0xD0000000, s2;
	s6 =	simm.s32 $0x108;
	_ =	swait.ge @!p0 [sflag:s8], $0x0  }
0x24: {  	s3 =	sadd.s32 $0x88, s3;
	s6 =	simm.s32 @!p1 $0x1082;
	[sflag:s4] =	ssyncset.s32 $0xFFFFF086  }
0x25: {  	[simem:s6], [sflag:s4] =	dma.local [hbm:s3], $0xF7A  }
0x26: {  	[smem:$0x3F93] =	sst s1;
	(tag) =	ssettag s2;
	_ =	strace s9  }
0x27: {  	s1 =	sld [smem:$0x3FA3]  }
0x28: {  	s2 =	sld [smem:$0x3FA4]  }
0x29: {  	s4 =	sld [smem:$0x3FA6]  }
0x2a: {  	p0 =	seq.s32 s5, $0x0;
	s5 =	sld [smem:$0x3FA7]  }
0x2b: {  	s6 =	sld [smem:$0x3FA8]  }
0x2c: {  	s7 =	sld [smem:$0x3FA9]  }
0x2d: {  	s3 =	simm.s32 $0x108;
	s8 =	sld [smem:$0x3FAA]  }
0x2e: {  	s3 =	simm.s32 @!p0 $0x1082;
	s9 =	sld [smem:$0x3FAB]  }
0x2f: {  	lr =	sadd.s32 s0, s3;
	s0 =	sld [smem:$0x3FA2]  }
0x30: {  	s3 =	sld [smem:$0x3FA5]  }
0x31: {  	[smem:$0x3FAE] =	sst s10  }
0x32: {  	s10 =	sld [smem:$0x3FAC];
	_ =	sdelay $0x3  }
0x33: {  	p0 =	seq.s32 s10, $0x1;
	s10 =	sld [smem:$0x3FAE];
	_ =	sdelay $0x3  }
0x34: {  	[smem:$0x3FAE] =	sst s10  }
0x35: {  	s10 =	sld [smem:$0x3FAD];
	_ =	sdelay $0x3  }
0x36: {  	p1 =	seq.s32 s10, $0x1;
	s10 =	sld [smem:$0x3FAE];
	_ =	sdelay $0x3  }
0x37: {  	[smem:$0x3FAE] =	sst s10  }
0x38: {  	s10 =	sld [smem:$0x3FAF]  }
0x39: {  	_ = 	snop;
	(pc) =	sbr.ind lr, $3  }
0x3a: {  	_ = 	snop  }
0x3b: {  	_ = 	snop  }
0x3c: {  	p2 =	seq.s32 s10, $0x1;
	s10 =	sld [smem:$0x3FAE]  }
0x3d: {  	_ =	shalt  }
0x3e: {  	_ =	shalt  }
0x3f: {  	_ =	shalt  }
0x40: {  	_ =	shalt  }
0x41: {  	_ =	shalt  }
0x42: {  	_ =	shalt  }
0x43: {  	_ =	shalt  }
0x44: {  	_ =	shalt  }
0x45: {  	_ =	shalt  }
0x46: {  	_ =	shalt  }
0x47: {  	_ =	shalt  }
0x48: {  	_ =	shalt  }
0x49: {  	_ =	shalt  }
0x4a: {  	_ =	shalt  }
0x4b: {  	_ =	shalt  }
0x4c: {  	_ =	shalt  }
0x4d: {  	_ =	shalt  }
0x4e: {  	_ =	shalt  }
0x4f: {  	_ =	shalt  }
0x50: {  	_ =	shalt  }
0x51: {  	_ =	shalt  }
0x52: {  	_ =	shalt  }
0x53: {  	_ =	shalt  }
0x54: {  	_ =	shalt  }
0x55: {  	_ =	shalt  }
0x56: {  	_ =	shalt  }
0x57: {  	_ =	shalt  }
0x58: {  	_ =	shalt  }
0x59: {  	_ =	shalt  }
0x5a: {  	_ =	shalt  }
0x5b: {  	_ =	shalt  }
0x5c: {  	_ =	shalt  }
0x5d: {  	_ =	shalt  }
0x5e: {  	_ =	shalt  }
0x5f: {  	_ =	shalt  }
0x60: {  	_ =	shalt  }
0x61: {  	_ =	shalt  }
0x62: {  	_ =	shalt  }
0x63: {  	_ =	shalt  }
0x64: {  	_ =	shalt  }
0x65: {  	_ =	shalt  }
0x66: {  	_ =	shalt  }
0x67: {  	_ =	shalt  }
0x68: {  	_ =	shalt  }
0x69: {  	_ =	shalt  }
0x6a: {  	_ =	shalt  }
0x6b: {  	_ =	shalt  }
0x6c: {  	_ =	shalt  }
0x6d: {  	_ =	shalt  }
0x6e: {  	_ =	shalt  }
0x6f: {  	_ =	shalt  }
0x70: {  	_ =	shalt  }
0x71: {  	_ =	shalt  }
0x72: {  	_ =	shalt  }
0x73: {  	_ =	shalt  }
0x74: {  	_ =	shalt  }
0x75: {  	_ =	shalt  }
0x76: {  	_ =	shalt  }
0x77: {  	_ =	shalt  }
0x78: {  	_ =	shalt  }
0x79: {  	_ =	shalt  }
0x7a: {  	_ =	shalt  }
0x7b: {  	_ =	shalt  }
0x7c: {  	_ =	shalt  }
0x7d: {  	_ =	shalt  }
0x7e: {  	_ =	shalt  }
0x7f: {  	_ =	shalt  }
0x80: {  	_ =	shalt  }
0x81: {  	_ =	shalt  }
0x82: {  	_ =	shalt  }
0x83: {  	_ =	shalt  }
0x84: {  	_ =	shalt  }
0x85: {  	_ =	shalt  }
0x86: {  	_ =	shalt  }
0x87: {  	_ =	shalt  }
.Lfunc_end0:
.L_simem_size_0:
called_computation.2_lowered:
.L_overlay_start_0:
0x88: {  	s2 =	sld [smem:$0x3FD9]  }
0x89: {  	s3 =	sld [smem:$0x3FFE];
	_ =	sdelay $0x1  }
0x8a: {  	s1 =	srdreg.scid  }
0x8b: {  	s0 =	sand.u32 $0x1, s1  }
0x8c: {  	s17 =	sshll.u32 s0, $0xA;
	s2 =	sadd.s32 s3, s2  }
0x8d: {  	s2 =	sadd.s32 s2, s17  }
0x8e: {  	[smem:$0x3FBA] =	sst s2  }
0x8f: {  	_ = 	snop  }
0x90: {  	s2 =	sld [smem:$0x3FD0];
	(tm) =	ssettm $0x1  }
0x91: {  	s18 =	sld [smem:$0x3FFB];
	_ =	sdelay $0x3  }
0x92: {  	_ =	strace s18  }
0x93: {  	s3 =	sld [smem:$0x3FFC];
	_ =	sdelay $0x3  }
0x94: {  	_ =	strace s3  }
0x95: {  	s3 =	sld [smem:$0x3FFD];
	_ =	sdelay $0x3  }
0x96: {  	_ =	strace s3  }
0x97: {  	_ =	strace $0x8FFFFFFF  }
0x98: {  	s19 =	sld [smem:$0x3FDB];
	_ =	sdelay $0x1  }
0x99: {  	s4 =	simm.s32 $_scs_section_size  }
0x9a: {  	s5 =	simm.s32 $_size__tile_overlayer_lowered;
	s6 =	simm.s32 $_tile_overlayer_lowered  }
0x9b: {  	s22 =	simm.s32 $0x1BFF;
	s21 =	sshll.u32 s6, $0x1;
	s3 =	sadd.s32 s4, s19  }
0x9c: {  	s7 =	simm.s32 $0x0;
	s20 =	sshll.u32 s5, $0x1;
	s5 =	sadd.s32 s21, s3  }
0x9d: {  	[timem:s7], [sflag:s22] =	dma.local [hbm:s5], s20  }
0x9e: {  	_ =	swait.ge [sflag:s22], s20  }
0x9f: {  	s4 =	ssub.s32 $0x0, s20;
	[sflag:s22] =	ssyncset.done $0x0  }
0xa0: {  	[sflag:s22] =	ssyncadd.s32 s4;
	_ =	sdelay $0x1  }
0xa1: {  	s23 =	simm.s32 $0x1B8B  }
0xa2: {  	_ =	swait.ge [sflag:s23], $0x1  }
0xa3: {  	[sflag:s23] =	ssyncset.done $0x0  }
0xa4: {  	s25 =	simm.s32 $0x1B8E;
	s24 =	sld [smem:$0x3FFE];
	[sflag:s23] =	ssyncadd.s32 $0xFFFFFFFF  }
0xa5: {  	s26 =	simm.s32 $execute0_lowered;
	[smem:$0x3FD2] =	sst s25  }
0xa6: {  	s5 =	sshll.u32 s26, $0x1;
	_ =	strace $0x8000004C;
	[dreg:$0x1] =	wrdreg $0xFFFFFFFF  }
0xa7: {  	s28 =	simm.s32 $_size_execute0_lowered;
	s3 =	sadd.s32 s3, s5;
	[dreg:$0x0] =	wrdreg $0x0  }
0xa8: {  	s5 =	sshll.u32 s28, $0x1;
	[dreg:$0x2] =	wrdreg s3  }
0xa9: {  	[dreg:$0x3] =	wrdreg s5  }
0xaa: {  	[dreg:$0x4] =	wrdreg $0xC0  }
0xab: {  	_ =	task [dreg:s7], $0x5FFFF  }
0xac: {  	[dreg:$0x1] =	wrdreg $0xFFFFFFFF  }
0xad: {  	[dreg:$0x0] =	wrdreg $0x60  }
0xae: {  	[dreg:$0x2] =	wrdreg s2  }
0xaf: {  	[dreg:$0x3] =	wrdreg s24  }
0xb0: {  	[dreg:$0x4] =	wrdreg $0x0  }
0xb1: {  	[dreg:$0x5] =	wrdreg $0x9  }
0xb2: {  	_ =	task.clear_ibuf [dreg:s7], $0x6FFFF;
	_ =	strace $0x9000004C  }
0xb3: {  	s29 =	simm.s32 $0x9;
	_ =	strace $0x8000004E  }
0xb4: {  	_ =	swait.ge [sflag:s29], $0x1  }
0xb5: {  	[sflag:s29] =	ssyncadd.s32 $0xFFFFFFFF  }
0xb6: {  	_ =	strace $0x9000004E  }
0xb7: {  	_ =	sfence  }
0xb8: {  	s30 =	sld [smem:$0x0];
	_ =	sdelay $0x2  }
0xb9: {  	s31 =	sshll.u32 s1, $0xD;
	s1 =	sshrl.u32 s1, $0x2  }
0xba: {  	s3 =	sand.u32 $0x4000, s31;
	s1 =	sadd.s32 s1, s30  }
0xbb: {  	s0 =	sor.u32 s3, s0;
	s1 =	sshll.u32 s1, $0x11  }
0xbc: {  	s0 =	sor.u32 s1, s0  }
0xbd: {  	s0 =	sadd.s32 $0x8F2B, s0  }
0xbe: {  	[sflag:s0] =	ssyncadd.remote.s32 $0x1  }
0xbf: {  	_ =	sfence.sel $0xFFFF  }
0xc0: {  	[dreg:$0x0] =	wrdreg $0xFFFFFFFF;
	(pc) =	sbr.abs _section_cstart, $3  }
0xc1: {  	[dreg:$0x1] =	wrdreg $0xFFFFFFFF  }
0xc2: {  	_ =	task.clear_ibuf [dreg:s7], $0x2FFFF;
	_ =	strace $0x9FFFFFFF  }
0xc3: {  	(tm) =	ssettm $0x7FFFFFFF  }
tec
execute0_lowered:
.L_overlay_start_1:
0x0: {  	(tag) =	ssettag $0x1  }
0x1: {  	s4 =	rddreg [dreg:$0x0];
	s1 =	srdreg.scid  }
0x2: {  	s22 =	rddreg [dreg:$0x1];
	s0 =	stileid.u32  }
0x3: {  	s2 =	rddreg [dreg:$0x2];
	s3 =	simm.s32 $0x0;
	s9 =	simm.s32 $0x18080  }
0x4: {  	s8 =	simm.s32 $0x4;
	s23 =	sand.u32 $0x1, s1;
	s1 =	rddreg [dreg:$0x3]  }
0x5: {  	s6 =	sshll.u32 s0, $0x9;
	[smem:$0x7FF] =	sst s3;
	s5 =	sshll.u32 s23, $0xD  }
0x6: {  	s7 =	sshll.u32 s0, $0x10;
	s24 =	sshll.u32 s0, $0x6;
	s5 =	sor.u32 s6, s5  }
0x7: {  	_ =	strace $0x8000004D;
	s7 =	sadd.s32 s7, s2;
	s6 =	sshrl.u32 s5, $0x3  }
0x8: {  	s7 =	sshrl.u32 s7, $0x3;
	s25 =	sshll.u32 s5, $0x4;
	s6 =	sadd.s32 s6, s22  }
0x9: {  	s5 =	sor.u32 $0x1C01, s24;
	s4 =	sadd.s32 s4, s25;
	s6 =	sadd.s32 $0x6200, s6  }
0xa: {  	[spmem:s7], [sflag:s5] =	dma.local [hbm:s4], $0x2000  }
0xb: {  	[tilespmem:s9], [sflag:$0x4] =	stream.linear.gather [hbm4b:s6+s3], $0x200, $0x38;
	[tilespmem:$0x18280] =	vst v63  }
0xc: {  	_ =	swait.ge [sflag:s8], $0x200  }
0xd: {  	[sflag:s8] =	ssyncset.done $0x0  }
0xe: {  	s10 =	simm.s32 $0x10080;
	s11 =	simm.s32 $0x1;
	[sflag:s8] =	ssyncadd.s32 $0xFFFFFE00  }
0xf: {  	[tilespmem:s10], [sflag:$0x2] =	stream.linear.gather [hbm4b:s4+s3], $0x4000, $0x38;
	[tilespmem:$0x18280] =	vst v63  }
0x10: {  	_ =	swait.ge [sflag:s11], $0x2000  }
0x11: {  	[sflag:s11] =	ssyncset.done $0x0  }
0x12: {  	[sflag:s11] =	ssyncadd.s32 $0xFFFFE000  }
0x13: {  	s12 =	simm.s32 $0x2;
	[bflag:$0x0] =	sbarrier.arrive $0xFFFF  }
0x14: {  	_ =	swait.ge [sflag:s12], $0x4000  }
0x15: {  	[sflag:s12] =	ssyncset.done $0x0  }
0x16: {  	s14 =	simm.s32 $0x14080;
	s13 =	sadd.s32 $0x800, s4;
	[sflag:s12] =	ssyncadd.s32 $0xFFFFC000  }
0x17: {  	[tilespmem:s14], [sflag:$0x3] =	stream.linear.gather [hbm4b:s13+s3], $0x4000, $0x38;
	[tilespmem:$0x18280] =	vst v63  }
0x18: {  	s15 =	simm.s32 $0x80  }
0x19: {  	[spmem:s2] =	stream.indirect.scatter.add.f32 [tilespmem:s10], [sflag:$0x4], $0x80, s9, s15, $0xb8;
	[tilespmem:$0x18280] =	vst v63  }
0x1a: {  	_ =	swait.ge [sflag:s8], $0x4000  }
0x1b: {  	[sflag:s8] =	ssyncset.done $0x0  }
0x1c: {  	s16 =	simm.s32 $0x3;
	[sflag:s8] =	ssyncadd.s32 $0xFFFFC000  }
0x1d: {  	_ =	swait.ge [sflag:s16], $0x4000  }
0x1e: {  	[sflag:s16] =	ssyncset.done $0x0  }
0x1f: {  	s17 =	sadd.s32 $0x1000, s4;
	[sflag:s16] =	ssyncadd.s32 $0xFFFFC000  }
0x20: {  	[tilespmem:s10], [sflag:$0x2] =	stream.linear.gather [hbm4b:s17+s3], $0x4000, $0x38;
	[tilespmem:$0x18280] =	vst v63  }
0x21: {  	s18 =	simm.s32 $0x18100  }
0x22: {  	[spmem:s2] =	stream.indirect.scatter.add.f32 [tilespmem:s14], [sflag:$0x4], $0x80, s18, s15, $0xb8;
	[tilespmem:$0x18280] =	vst v63  }
0x23: {  	_ =	swait.ge [sflag:s8], $0x4000  }
0x24: {  	[sflag:s8] =	ssyncset.done $0x0  }
0x25: {  	[sflag:s8] =	ssyncadd.s32 $0xFFFFC000  }
0x26: {  	_ =	swait.ge [sflag:s12], $0x4000  }
0x27: {  	[sflag:s12] =	ssyncset.done $0x0  }
0x28: {  	s19 =	sadd.s32 $0x1800, s4;
	[sflag:s12] =	ssyncadd.s32 $0xFFFFC000  }
0x29: {  	[tilespmem:s14], [sflag:$0x3] =	stream.linear.gather [hbm4b:s19+s3], $0x4000, $0x38;
	[tilespmem:$0x18280] =	vst v63  }
0x2a: {  	s20 =	simm.s32 $0x18180  }
0x2b: {  	[spmem:s2] =	stream.indirect.scatter.add.f32 [tilespmem:s10], [sflag:$0x4], $0x80, s20, s15, $0xb8;
	[tilespmem:$0x18280] =	vst v63  }
0x2c: {  	_ =	swait.ge [sflag:s8], $0x4000  }
0x2d: {  	[sflag:s8] =	ssyncset.done $0x0  }
0x2e: {  	[sflag:s8] =	ssyncadd.s32 $0xFFFFC000  }
0x2f: {  	s23 =	ssub.s32 $0x2, s23;
	_ =	swait.ge [sflag:s16], $0x4000  }
0x30: {  	s31 =	sshrl.u32 s23, $0x1;
	[sflag:s16] =	ssyncset.done $0x0  }
0x31: {  	s21 =	simm.s32 $0x18200;
	s23 =	ssub.s32 s23, s31;
	[sflag:s16] =	ssyncadd.s32 $0xFFFFC000  }
0x32: {  	[spmem:s2] =	stream.indirect.scatter.add.f32 [tilespmem:s14], [sflag:$0x4], $0x80, s21, s15, $0xb8;
	[tilespmem:$0x18280] =	vst v63  }
0x33: {  	s22 =	sadd.s32 s25, s22;
	s25 =	smax.u32 s23, $0x1;
	_ =	swait.ge [sflag:s8], $0x4000  }
0x34: {  	p0 =	sne.s32 s25, $0x1;
	[sflag:s8] =	ssyncset.done $0x0  }
.Ltmp0:
0x35: {  	[sflag:s8] =	ssyncadd.s32 $0xFFFFC000;
	(pc) =	sbr.rel @!p0 .LBB2_2-.Ltmp0, $4  }
0x36: {  	s23 =	sor.u32 $0x1C04, s24;
	s22 =	sadd.s32 $0x86E00, s22;
	[bflag:$0x0] =	sbarrier.arrive $0xFFFF  }
0x37: {  	[hbm:s22], [sflag:s23] =	dma.local [spmem:s7], $0x2000  }
0x38: {  	_ =	swait.ge [sflag:s8], $0x2000  }
0x39: {  	s24 =	sadd.s32 $0xFFFFFFFF, s25;
	[sflag:s8] =	ssyncset.done $0x0  }
.LBB2_1:
0x3a: {  	p0 =	sne.s32 s24, $0x1;
	s24 =	sadd.s32 $0xFFFFFFFF, s24;
	[sflag:s8] =	ssyncadd.s32 $0xFFFFE000  }
0x3b: {  	[spmem:s7], [sflag:s5] =	dma.local [hbm:s4], $0x2000  }
0x3c: {  	[tilespmem:s9], [sflag:$0x4] =	stream.linear.gather [hbm4b:s6+s3], $0x200, $0x38;
	[tilespmem:$0x18280] =	vst v63  }
0x3d: {  	_ =	swait.ge [sflag:s8], $0x200  }
0x3e: {  	[sflag:s8] =	ssyncset.done $0x0  }
0x3f: {  	[sflag:s8] =	ssyncadd.s32 $0xFFFFFE00  }
0x40: {  	[tilespmem:s10], [sflag:$0x2] =	stream.linear.gather [hbm4b:s4+s3], $0x4000, $0x38;
	[tilespmem:$0x18280] =	vst v63  }
0x41: {  	_ =	swait.ge [sflag:s11], $0x2000  }
0x42: {  	[sflag:s11] =	ssyncset.done $0x0  }
0x43: {  	[sflag:s11] =	ssyncadd.s32 $0xFFFFE000  }
0x44: {  	[bflag:$0x0] =	sbarrier.arrive $0xFFFF  }
0x45: {  	_ =	swait.ge [sflag:s12], $0x4000  }
0x46: {  	[sflag:s12] =	ssyncset.done $0x0  }
0x47: {  	[sflag:s12] =	ssyncadd.s32 $0xFFFFC000  }
0x48: {  	[tilespmem:s14], [sflag:$0x3] =	stream.linear.gather [hbm4b:s13+s3], $0x4000, $0x38;
	[tilespmem:$0x18280] =	vst v63  }
0x49: {  	_ = 	snop  }
0x4a: {  	[spmem:s2] =	stream.indirect.scatter.add.f32 [tilespmem:s10], [sflag:$0x4], $0x80, s9, s15, $0xb8;
	[tilespmem:$0x18280] =	vst v63  }
0x4b: {  	_ =	swait.ge [sflag:s8], $0x4000  }
0x4c: {  	[sflag:s8] =	ssyncset.done $0x0  }
0x4d: {  	[sflag:s8] =	ssyncadd.s32 $0xFFFFC000  }
0x4e: {  	_ =	swait.ge [sflag:s16], $0x4000  }
0x4f: {  	[sflag:s16] =	ssyncset.done $0x0  }
0x50: {  	[sflag:s16] =	ssyncadd.s32 $0xFFFFC000  }
0x51: {  	[tilespmem:s10], [sflag:$0x2] =	stream.linear.gather [hbm4b:s17+s3], $0x4000, $0x38;
	[tilespmem:$0x18280] =	vst v63  }
0x52: {  	_ = 	snop  }
0x53: {  	[spmem:s2] =	stream.indirect.scatter.add.f32 [tilespmem:s14], [sflag:$0x4], $0x80, s18, s15, $0xb8;
	[tilespmem:$0x18280] =	vst v63  }
0x54: {  	_ =	swait.ge [sflag:s8], $0x4000  }
0x55: {  	[sflag:s8] =	ssyncset.done $0x0  }
0x56: {  	[sflag:s8] =	ssyncadd.s32 $0xFFFFC000  }
0x57: {  	_ =	swait.ge [sflag:s12], $0x4000  }
0x58: {  	[sflag:s12] =	ssyncset.done $0x0  }
0x59: {  	[sflag:s12] =	ssyncadd.s32 $0xFFFFC000  }
0x5a: {  	[tilespmem:s14], [sflag:$0x3] =	stream.linear.gather [hbm4b:s19+s3], $0x4000, $0x38;
	[tilespmem:$0x18280] =	vst v63  }
0x5b: {  	_ = 	snop  }
0x5c: {  	[spmem:s2] =	stream.indirect.scatter.add.f32 [tilespmem:s10], [sflag:$0x4], $0x80, s20, s15, $0xb8;
	[tilespmem:$0x18280] =	vst v63  }
0x5d: {  	_ =	swait.ge [sflag:s8], $0x4000  }
0x5e: {  	[sflag:s8] =	ssyncset.done $0x0  }
0x5f: {  	[sflag:s8] =	ssyncadd.s32 $0xFFFFC000  }
0x60: {  	_ =	swait.ge [sflag:s16], $0x4000  }
0x61: {  	[sflag:s16] =	ssyncset.done $0x0  }
0x62: {  	[sflag:s16] =	ssyncadd.s32 $0xFFFFC000  }
0x63: {  	[spmem:s2] =	stream.indirect.scatter.add.f32 [tilespmem:s14], [sflag:$0x4], $0x80, s21, s15, $0xb8;
	[tilespmem:$0x18280] =	vst v63  }
0x64: {  	_ =	swait.ge [sflag:s8], $0x4000  }
0x65: {  	[sflag:s8] =	ssyncset.done $0x0  }
.Ltmp1:
0x66: {  	[sflag:s8] =	ssyncadd.s32 $0xFFFFC000;
	(pc) =	sbr.rel @p0 .LBB2_1-.Ltmp1, $4  }
0x67: {  	[bflag:$0x0] =	sbarrier.arrive $0xFFFF  }
0x68: {  	[hbm:s22], [sflag:s23] =	dma.local [spmem:s7], $0x2000  }
0x69: {  	_ =	swait.ge [sflag:s8], $0x2000  }
0x6a: {  	[sflag:s8] =	ssyncset.done $0x0  }
.LBB2_2:
0x6b: {  	[sflag:s8] =	ssyncadd.s32 $0xFFFFE000  }
0x6c: {  	_ =	sfence.sel $0x180000  }
0x6d: {  	[bflag:$0x0] =	sbarrier.arrive $0xFFFF  }
0x6e: {  	p0 =	sne.s32 s0, $0x0;
	_ =	strace $0x9000004D  }
0x6f: {  	s0 =	sadd.s32 @!p0 $0x100000, s1;
	[bflag:$0x2] =	sbarrier.arrive $0xFFFF  }
0x70: {  	[sflag:s0] =	ssyncadd.tile.s32 @!p0 $0x1;
	_ =	shalt  }
.Lfunc_end2:
_tile_overlayer_lowered:
.L_overlay_start_2:
0x71: {  	(tag) =	ssettag $0x2  }
0x72: {  	s0 =	rddreg [dreg:$0x0];
	s2 =	stileid.u32  }
0x73: {  	s1 =	rddreg [dreg:$0x1];
	p0 =	sne.s32 s2, $0x0  }
0x74: {  	s3 =	rddreg [dreg:$0x2];
	[bflag:$0x3] =	sbarrier.arrive $0xFFFF;
	s2 =	simm.s32 @!p0 $0x1C04  }
0x75: {  	[timem:s3], [sflag:s2] =	dma.local @!p0 [hbm:s0], s1  }
0x76: {  	s0 =	simm.s32 @!p0 $0x4  }
0x77: {  	_ =	swait.ge @!p0 [sflag:s0], s1  }
0x78: {  	s1 =	ssub.s32 @!p0 $0x0, s1;
	[sflag:s0] =	ssyncset.done @!p0 $0x0  }
0x79: {  	[sflag:s0] =	ssyncadd.s32 @!p0 s1  }
0x7a: {  	[bflag:$0x3] =	sbarrier.arrive $0xFFFF  }
0x7b: {  	_ =	shalt  }

// kernel: kernel.24.cloned.1.call-start
scs
__scs_entry_jumppad:
0x0: {  	(pc) =	sbr.rel $0x88, $3  }
0x1: {  	(tag) =	ssettag $0x0;
	lr =	simm.s32 $0x1  }
0x2: {  	[smem:$0x3F93] =	sst lr;
	_ =	strace $0xD0000000  }
0x3: {  	_ = 	snop  }
0x4: {  	_ = 	snop  }
0x5: {  	_ = 	snop  }
0x6: {  	_ = 	snop  }
0x7: {  	_ = 	snop  }
__scs_overlays_trampoline_lowered:
0x8: {  	[smem:$0x3FA2] =	sst s0  }
0x9: {  	[smem:$0x3FA3] =	sst s1  }
0xa: {  	[smem:$0x3FA4] =	sst s2  }
0xb: {  	[smem:$0x3FA5] =	sst s3  }
0xc: {  	[smem:$0x3FA6] =	sst s4  }
0xd: {  	[smem:$0x3FA7] =	sst s5  }
0xe: {  	[smem:$0x3FA8] =	sst s6  }
0xf: {  	[smem:$0x3FA9] =	sst s7  }
0x10: {  	[smem:$0x3FAA] =	sst s8  }
0x11: {  	[smem:$0x3FAB] =	sst s9;
	s0 =	simm.s32 @!p0 $0x0  }
0x12: {  	s1 =	sld [smem:$0x3F91];
	s0 =	simm.s32 @p0 $0x1  }
0x13: {  	[smem:$0x3FAC] =	sst s0;
	s0 =	simm.s32 @!p1 $0x0  }
0x14: {  	s2 =	sld [smem:$0x3F90];
	s0 =	simm.s32 @p1 $0x1  }
0x15: {  	[smem:$0x3FAD] =	sst s0;
	s0 =	simm.s32 @!p2 $0x0  }
0x16: {  	s3 =	sld [smem:$0x3FDB];
	s0 =	simm.s32 @p2 $0x1  }
0x17: {  	s4 =	simm.s32 $0x1BF5;
	[smem:$0x3FAF] =	sst s0  }
0x18: {  	s0 =	sld [smem:$0x3F92];
	_ =	swait.ge [sflag:s4], $0x0  }
0x19: {  	s7 =	sld [smem:$0x3F93]  }
0x1a: {  	s8 =	sadd.s32 $0xFFFFE003, lr  }
0x1b: {  	s9 =	sadd.s32 $0xFFFFFEF7, lr;
	s5 =	simm.s32 $0xFFFFFFFF;
	p2 =	slt.u32 s8, $0xFFFFF086  }
0x1c: {  	p1 =	slt.u32 s9, $0xF7A;
	s5 =	simm.s32 @!p2 $0x0  }
0x1d: {  	s5 =	simm.s32 @p1 $0x1;
	p0 =	seq.s32 s7, s2  }
0x1e: {  	s7 =	smul.u32 @!p0 $0xF7A, s2;
	p2 =	seq.s32 @!p0 s5, $0x0  }
0x1f: {  	s9 =	smul.u32 $0xF7A, s1;
	s8 =	simm.s32 @!p0 $0x1BF5;
	p2 =	por !p2, p0  }
0x20: {  	[sflag:s8] =	ssyncset.s32 @!p0 $0xFFFFF086;
	s6 =	sadd.s32 @!p0 s3, s7;
	s7 =	simm.s32 @!p0 $0x108  }
0x21: {  	s3 =	sadd.s32 s3, s9;
	s6 =	sadd.s32 @!p0 $0x88, s6;
	s7 =	simm.s32 @p2 $0x1082  }
0x22: {  	[simem:s7], [sflag:s8] =	dma.local @!p0 [hbm:s6], $0xF7A  }
0x23: {  	s9 =	sor.u32 $0xD0000000, s2;
	s6 =	simm.s32 $0x108;
	_ =	swait.ge @!p0 [sflag:s8], $0x0  }
0x24: {  	s3 =	sadd.s32 $0x88, s3;
	s6 =	simm.s32 @!p1 $0x1082;
	[sflag:s4] =	ssyncset.s32 $0xFFFFF086  }
0x25: {  	[simem:s6], [sflag:s4] =	dma.local [hbm:s3], $0xF7A  }
0x26: {  	[smem:$0x3F93] =	sst s1;
	(tag) =	ssettag s2;
	_ =	strace s9  }
0x27: {  	s1 =	sld [smem:$0x3FA3]  }
0x28: {  	s2 =	sld [smem:$0x3FA4]  }
0x29: {  	s4 =	sld [smem:$0x3FA6]  }
0x2a: {  	p0 =	seq.s32 s5, $0x0;
	s5 =	sld [smem:$0x3FA7]  }
0x2b: {  	s6 =	sld [smem:$0x3FA8]  }
0x2c: {  	s7 =	sld [smem:$0x3FA9]  }
0x2d: {  	s3 =	simm.s32 $0x108;
	s8 =	sld [smem:$0x3FAA]  }
0x2e: {  	s3 =	simm.s32 @!p0 $0x1082;
	s9 =	sld [smem:$0x3FAB]  }
0x2f: {  	lr =	sadd.s32 s0, s3;
	s0 =	sld [smem:$0x3FA2]  }
0x30: {  	s3 =	sld [smem:$0x3FA5]  }
0x31: {  	[smem:$0x3FAE] =	sst s10  }
0x32: {  	s10 =	sld [smem:$0x3FAC];
	_ =	sdelay $0x3  }
0x33: {  	p0 =	seq.s32 s10, $0x1;
	s10 =	sld [smem:$0x3FAE];
	_ =	sdelay $0x3  }
0x34: {  	[smem:$0x3FAE] =	sst s10  }
0x35: {  	s10 =	sld [smem:$0x3FAD];
	_ =	sdelay $0x3  }
0x36: {  	p1 =	seq.s32 s10, $0x1;
	s10 =	sld [smem:$0x3FAE];
	_ =	sdelay $0x3  }
0x37: {  	[smem:$0x3FAE] =	sst s10  }
0x38: {  	s10 =	sld [smem:$0x3FAF]  }
0x39: {  	_ = 	snop;
	(pc) =	sbr.ind lr, $3  }
0x3a: {  	_ = 	snop  }
0x3b: {  	_ = 	snop  }
0x3c: {  	p2 =	seq.s32 s10, $0x1;
	s10 =	sld [smem:$0x3FAE]  }
0x3d: {  	_ =	shalt  }
0x3e: {  	_ =	shalt  }
0x3f: {  	_ =	shalt  }
0x40: {  	_ =	shalt  }
0x41: {  	_ =	shalt  }
0x42: {  	_ =	shalt  }
0x43: {  	_ =	shalt  }
0x44: {  	_ =	shalt  }
0x45: {  	_ =	shalt  }
0x46: {  	_ =	shalt  }
0x47: {  	_ =	shalt  }
0x48: {  	_ =	shalt  }
0x49: {  	_ =	shalt  }
0x4a: {  	_ =	shalt  }
0x4b: {  	_ =	shalt  }
0x4c: {  	_ =	shalt  }
0x4d: {  	_ =	shalt  }
0x4e: {  	_ =	shalt  }
0x4f: {  	_ =	shalt  }
0x50: {  	_ =	shalt  }
0x51: {  	_ =	shalt  }
0x52: {  	_ =	shalt  }
0x53: {  	_ =	shalt  }
0x54: {  	_ =	shalt  }
0x55: {  	_ =	shalt  }
0x56: {  	_ =	shalt  }
0x57: {  	_ =	shalt  }
0x58: {  	_ =	shalt  }
0x59: {  	_ =	shalt  }
0x5a: {  	_ =	shalt  }
0x5b: {  	_ =	shalt  }
0x5c: {  	_ =	shalt  }
0x5d: {  	_ =	shalt  }
0x5e: {  	_ =	shalt  }
0x5f: {  	_ =	shalt  }
0x60: {  	_ =	shalt  }
0x61: {  	_ =	shalt  }
0x62: {  	_ =	shalt  }
0x63: {  	_ =	shalt  }
0x64: {  	_ =	shalt  }
0x65: {  	_ =	shalt  }
0x66: {  	_ =	shalt  }
0x67: {  	_ =	shalt  }
0x68: {  	_ =	shalt  }
0x69: {  	_ =	shalt  }
0x6a: {  	_ =	shalt  }
0x6b: {  	_ =	shalt  }
0x6c: {  	_ =	shalt  }
0x6d: {  	_ =	shalt  }
0x6e: {  	_ =	shalt  }
0x6f: {  	_ =	shalt  }
0x70: {  	_ =	shalt  }
0x71: {  	_ =	shalt  }
0x72: {  	_ =	shalt  }
0x73: {  	_ =	shalt  }
0x74: {  	_ =	shalt  }
0x75: {  	_ =	shalt  }
0x76: {  	_ =	shalt  }
0x77: {  	_ =	shalt  }
0x78: {  	_ =	shalt  }
0x79: {  	_ =	shalt  }
0x7a: {  	_ =	shalt  }
0x7b: {  	_ =	shalt  }
0x7c: {  	_ =	shalt  }
0x7d: {  	_ =	shalt  }
0x7e: {  	_ =	shalt  }
0x7f: {  	_ =	shalt  }
0x80: {  	_ =	shalt  }
0x81: {  	_ =	shalt  }
0x82: {  	_ =	shalt  }
0x83: {  	_ =	shalt  }
0x84: {  	_ =	shalt  }
0x85: {  	_ =	shalt  }
0x86: {  	_ =	shalt  }
0x87: {  	_ =	shalt  }
.Lfunc_end0:
.L_simem_size_0:
called_computation.3_lowered:
.L_overlay_start_0:
0x88: {  	s2 =	sld [smem:$0x3FD9]  }
0x89: {  	s3 =	sld [smem:$0x3FFE];
	_ =	sdelay $0x1  }
0x8a: {  	s1 =	srdreg.scid  }
0x8b: {  	s0 =	sand.u32 $0x1, s1  }
0x8c: {  	s16 =	sshll.u32 s0, $0xA;
	s2 =	sadd.s32 s3, s2  }
0x8d: {  	s2 =	sadd.s32 s2, s16  }
0x8e: {  	[smem:$0x3FBA] =	sst s2  }
0x8f: {  	_ = 	snop  }
0x90: {  	(tm) =	ssettm $0x1  }
0x91: {  	s17 =	sld [smem:$0x3FFB];
	_ =	sdelay $0x3  }
0x92: {  	_ =	strace s17  }
0x93: {  	s2 =	sld [smem:$0x3FFC];
	_ =	sdelay $0x3  }
0x94: {  	_ =	strace s2  }
0x95: {  	s2 =	sld [smem:$0x3FFD];
	_ =	sdelay $0x3  }
0x96: {  	_ =	strace s2  }
0x97: {  	_ =	strace $0x8FFFFFFF  }
0x98: {  	s18 =	sld [smem:$0x3FDB];
	_ =	sdelay $0x1  }
0x99: {  	s19 =	simm.s32 $_scs_section_size  }
0x9a: {  	s4 =	simm.s32 $_size__tile_overlayer_lowered;
	s5 =	simm.s32 $_tile_overlayer_lowered  }
0x9b: {  	s22 =	simm.s32 $0x1BFF;
	s21 =	sshll.u32 s5, $0x1;
	s2 =	sadd.s32 s19, s18  }
0x9c: {  	s6 =	simm.s32 $0x0;
	s20 =	sshll.u32 s4, $0x1;
	s4 =	sadd.s32 s21, s2  }
0x9d: {  	[timem:s6], [sflag:s22] =	dma.local [hbm:s4], s20  }
0x9e: {  	_ =	swait.ge [sflag:s22], s20  }
0x9f: {  	s3 =	ssub.s32 $0x0, s20;
	[sflag:s22] =	ssyncset.done $0x0  }
0xa0: {  	[sflag:s22] =	ssyncadd.s32 s3;
	_ =	sdelay $0x1  }
0xa1: {  	s23 =	simm.s32 $0x1B8B  }
0xa2: {  	_ =	swait.ge [sflag:s23], $0x1  }
0xa3: {  	[sflag:s23] =	ssyncset.done $0x0  }
0xa4: {  	s25 =	simm.s32 $0x1B8E;
	s24 =	sld [smem:$0x3FFE];
	[sflag:s23] =	ssyncadd.s32 $0xFFFFFFFF  }
0xa5: {  	s26 =	simm.s32 $execute0_lowered;
	[smem:$0x3FD2] =	sst s25  }
0xa6: {  	s4 =	sshll.u32 s26, $0x1;
	_ =	strace $0x8000004F;
	[dreg:$0x1] =	wrdreg $0xFFFFFFFF  }
0xa7: {  	s28 =	simm.s32 $_size_execute0_lowered;
	s2 =	sadd.s32 s2, s4;
	[dreg:$0x0] =	wrdreg $0x0  }
0xa8: {  	s4 =	sshll.u32 s28, $0x1;
	[dreg:$0x2] =	wrdreg s2  }
0xa9: {  	[dreg:$0x3] =	wrdreg s4  }
0xaa: {  	[dreg:$0x4] =	wrdreg $0xC0  }
0xab: {  	_ =	task [dreg:s6], $0x5FFFF  }
0xac: {  	[dreg:$0x1] =	wrdreg $0xFFFFFFFF  }
0xad: {  	[dreg:$0x0] =	wrdreg $0x60  }
0xae: {  	[dreg:$0x2] =	wrdreg s24  }
0xaf: {  	[dreg:$0x3] =	wrdreg $0x0  }
0xb0: {  	[dreg:$0x4] =	wrdreg $0x9  }
0xb1: {  	_ =	task.clear_ibuf [dreg:s6], $0x5FFFF;
	_ =	strace $0x9000004F  }
0xb2: {  	s29 =	simm.s32 $0x9;
	_ =	strace $0x80000051  }
0xb3: {  	_ =	swait.ge [sflag:s29], $0x1  }
0xb4: {  	[sflag:s29] =	ssyncadd.s32 $0xFFFFFFFF  }
0xb5: {  	_ =	strace $0x90000051  }
0xb6: {  	_ =	sfence  }
0xb7: {  	s30 =	sld [smem:$0x0];
	_ =	sdelay $0x2  }
0xb8: {  	s31 =	sshll.u32 s1, $0xD;
	s1 =	sshrl.u32 s1, $0x2  }
0xb9: {  	s3 =	sand.u32 $0x4000, s31;
	s1 =	sadd.s32 s1, s30  }
0xba: {  	s0 =	sor.u32 s3, s0;
	s1 =	sshll.u32 s1, $0x11  }
0xbb: {  	s0 =	sor.u32 s1, s0  }
0xbc: {  	s0 =	sadd.s32 $0x8F2B, s0  }
0xbd: {  	[sflag:s0] =	ssyncadd.remote.s32 $0x1  }
0xbe: {  	_ =	sfence.sel $0xFFFF  }
0xbf: {  	[dreg:$0x0] =	wrdreg $0xFFFFFFFF;
	(pc) =	sbr.abs _section_cstart, $3  }
0xc0: {  	[dreg:$0x1] =	wrdreg $0xFFFFFFFF  }
0xc1: {  	_ =	task.clear_ibuf [dreg:s6], $0x2FFFF;
	_ =	strace $0x9FFFFFFF  }
0xc2: {  	(tm) =	ssettm $0x7FFFFFFF  }
0xc3: {  	_ =	shalt  }
tec
execute0_lowered:
.L_overlay_start_1:
0x0: {  	(tag) =	ssettag $0x1  }
0x1: {  	s4 =	rddreg [dreg:$0x0]  }
0x2: {  	s2 =	rddreg [dreg:$0x1]  }
0x3: {  	s3 =	srdreg.scid;
	s0 =	rddreg [dreg:$0x2]  }
0x4: {  	s1 =	stileid.u32;
	s9 =	simm.s32 $0x18080;
	s8 =	simm.s32 $0x4  }
0x5: {  	s22 =	sand.u32 $0x1, s3;
	s3 =	simm.s32 $0x0;
	s6 =	sshll.u32 s1, $0x9  }
0x6: {  	s7 =	sshll.u32 s1, $0x10;
	s23 =	sshll.u32 s1, $0x6;
	s5 =	sshll.u32 s22, $0xD  }
0x7: {  	[smem:$0x7FF] =	sst s3;
	s7 =	sadd.s32 s7, s2;
	s5 =	sor.u32 s6, s5  }
0x8: {  	_ =	strace $0x80000050;
	s6 =	sshrl.u32 s5, $0x3;
	s5 =	sshll.u32 s5, $0x4  }
0x9: {  	s7 =	sshrl.u32 s7, $0x3;
	s6 =	sadd.s32 s6, s4;
	s24 =	sadd.s32 s5, s4  }
0xa: {  	s5 =	sor.u32 $0x1C01, s23;
	s4 =	sadd.s32 $0x46A00, s24;
	s6 =	sadd.s32 $0x6200, s6  }
0xb: {  	[spmem:s7], [sflag:s5] =	dma.local [hbm:s4], $0x2000  }
0xc: {  	[tilespmem:s9], [sflag:$0x4] =	stream.linear.gather [hbm4b:s6+s3], $0x200, $0x38;
	[tilespmem:$0x18280] =	vst v63  }
0xd: {  	_ =	swait.ge [sflag:s8], $0x200  }
0xe: {  	[sflag:s8] =	ssyncset.done $0x0  }
0xf: {  	s10 =	simm.s32 $0x10080;
	s11 =	simm.s32 $0x1;
	[sflag:s8] =	ssyncadd.s32 $0xFFFFFE00  }
0x10: {  	[tilespmem:s10], [sflag:$0x2] =	stream.linear.gather [hbm4b:s4+s3], $0x4000, $0x38;
	[tilespmem:$0x18280] =	vst v63  }
0x11: {  	_ =	swait.ge [sflag:s11], $0x2000  }
0x12: {  	[sflag:s11] =	ssyncset.done $0x0  }
0x13: {  	[sflag:s11] =	ssyncadd.s32 $0xFFFFE000  }
0x14: {  	s12 =	simm.s32 $0x2;
	[bflag:$0x0] =	sbarrier.arrive $0xFFFF  }
0x15: {  	_ =	swait.ge [sflag:s12], $0x4000  }
0x16: {  	[sflag:s12] =	ssyncset.done $0x0  }
0x17: {  	s14 =	simm.s32 $0x14080;
	s13 =	sadd.s32 $0x47200, s24;
	[sflag:s12] =	ssyncadd.s32 $0xFFFFC000  }
0x18: {  	[tilespmem:s14], [sflag:$0x3] =	stream.linear.gather [hbm4b:s13+s3], $0x4000, $0x38;
	[tilespmem:$0x18280] =	vst v63  }
0x19: {  	s15 =	simm.s32 $0x80  }
0x1a: {  	[spmem:s2] =	stream.indirect.scatter.add.f32 [tilespmem:s10], [sflag:$0x4], $0x80, s9, s15, $0xb8;
	[tilespmem:$0x18280] =	vst v63  }
0x1b: {  	_ =	swait.ge [sflag:s8], $0x4000  }
0x1c: {  	[sflag:s8] =	ssyncset.done $0x0  }
0x1d: {  	s16 =	simm.s32 $0x3;
	[sflag:s8] =	ssyncadd.s32 $0xFFFFC000  }
0x1e: {  	_ =	swait.ge [sflag:s16], $0x4000  }
0x1f: {  	[sflag:s16] =	ssyncset.done $0x0  }
0x20: {  	s17 =	sadd.s32 $0x47A00, s24;
	[sflag:s16] =	ssyncadd.s32 $0xFFFFC000  }
0x21: {  	[tilespmem:s10], [sflag:$0x2] =	stream.linear.gather [hbm4b:s17+s3], $0x4000, $0x38;
	[tilespmem:$0x18280] =	vst v63  }
0x22: {  	s18 =	simm.s32 $0x18100  }
0x23: {  	[spmem:s2] =	stream.indirect.scatter.add.f32 [tilespmem:s14], [sflag:$0x4], $0x80, s18, s15, $0xb8;
	[tilespmem:$0x18280] =	vst v63  }
0x24: {  	_ =	swait.ge [sflag:s8], $0x4000  }
0x25: {  	[sflag:s8] =	ssyncset.done $0x0  }
0x26: {  	[sflag:s8] =	ssyncadd.s32 $0xFFFFC000  }
0x27: {  	_ =	swait.ge [sflag:s12], $0x4000  }
0x28: {  	[sflag:s12] =	ssyncset.done $0x0  }
0x29: {  	s19 =	sadd.s32 $0x48200, s24;
	[sflag:s12] =	ssyncadd.s32 $0xFFFFC000  }
0x2a: {  	[tilespmem:s14], [sflag:$0x3] =	stream.linear.gather [hbm4b:s19+s3], $0x4000, $0x38;
	[tilespmem:$0x18280] =	vst v63  }
0x2b: {  	s20 =	simm.s32 $0x18180  }
0x2c: {  	[spmem:s2] =	stream.indirect.scatter.add.f32 [tilespmem:s10], [sflag:$0x4], $0x80, s20, s15, $0xb8;
	[tilespmem:$0x18280] =	vst v63  }
0x2d: {  	_ =	swait.ge [sflag:s8], $0x4000  }
0x2e: {  	[sflag:s8] =	ssyncset.done $0x0  }
0x2f: {  	[sflag:s8] =	ssyncadd.s32 $0xFFFFC000  }
0x30: {  	s22 =	ssub.s32 $0x2, s22;
	_ =	swait.ge [sflag:s16], $0x4000  }
0x31: {  	s25 =	sshrl.u32 s22, $0x1;
	[sflag:s16] =	ssyncset.done $0x0  }
0x32: {  	s21 =	simm.s32 $0x18200;
	s25 =	ssub.s32 s22, s25;
	[sflag:s16] =	ssyncadd.s32 $0xFFFFC000  }
0x33: {  	[spmem:s2] =	stream.indirect.scatter.add.f32 [tilespmem:s14], [sflag:$0x4], $0x80, s21, s15, $0xb8;
	[tilespmem:$0x18280] =	vst v63  }
0x34: {  	s31 =	smax.u32 s25, $0x1;
	_ =	swait.ge [sflag:s8], $0x4000  }
0x35: {  	p0 =	sne.s32 s31, $0x1;
	[sflag:s8] =	ssyncset.done $0x0  }
.Ltmp0:
0x36: {  	[sflag:s8] =	ssyncadd.s32 $0xFFFFC000;
	(pc) =	sbr.rel @!p0 .LBB2_2-.Ltmp0, $4  }
0x37: {  	s23 =	sor.u32 $0x1C04, s23;
	s22 =	sadd.s32 $0x86A00, s24;
	[bflag:$0x0] =	sbarrier.arrive $0xFFFF  }
0x38: {  	[hbm:s22], [sflag:s23] =	dma.local [spmem:s7], $0x2000  }
0x39: {  	_ =	swait.ge [sflag:s8], $0x2000  }
0x3a: {  	s24 =	sadd.s32 $0xFFFFFFFF, s31;
	[sflag:s8] =	ssyncset.done $0x0  }
.LBB2_1:
0x3b: {  	p0 =	sne.s32 s24, $0x1;
	s24 =	sadd.s32 $0xFFFFFFFF, s24;
	[sflag:s8] =	ssyncadd.s32 $0xFFFFE000  }
0x3c: {  	[spmem:s7], [sflag:s5] =	dma.local [hbm:s4], $0x2000  }
0x3d: {  	[tilespmem:s9], [sflag:$0x4] =	stream.linear.gather [hbm4b:s6+s3], $0x200, $0x38;
	[tilespmem:$0x18280] =	vst v63  }
0x3e: {  	_ =	swait.ge [sflag:s8], $0x200  }
0x3f: {  	[sflag:s8] =	ssyncset.done $0x0  }
0x40: {  	[sflag:s8] =	ssyncadd.s32 $0xFFFFFE00  }
0x41: {  	[tilespmem:s10], [sflag:$0x2] =	stream.linear.gather [hbm4b:s4+s3], $0x4000, $0x38;
	[tilespmem:$0x18280] =	vst v63  }
0x42: {  	_ =	swait.ge [sflag:s11], $0x2000  }
0x43: {  	[sflag:s11] =	ssyncset.done $0x0  }
0x44: {  	[sflag:s11] =	ssyncadd.s32 $0xFFFFE000  }
0x45: {  	[bflag:$0x0] =	sbarrier.arrive $0xFFFF  }
0x46: {  	_ =	swait.ge [sflag:s12], $0x4000  }
0x47: {  	[sflag:s12] =	ssyncset.done $0x0  }
0x48: {  	[sflag:s12] =	ssyncadd.s32 $0xFFFFC000  }
0x49: {  	[tilespmem:s14], [sflag:$0x3] =	stream.linear.gather [hbm4b:s13+s3], $0x4000, $0x38;
	[tilespmem:$0x18280] =	vst v63  }
0x4a: {  	_ = 	snop  }
0x4b: {  	[spmem:s2] =	stream.indirect.scatter.add.f32 [tilespmem:s10], [sflag:$0x4], $0x80, s9, s15, $0xb8;
	[tilespmem:$0x18280] =	vst v63  }
0x4c: {  	_ =	swait.ge [sflag:s8], $0x4000  }
0x4d: {  	[sflag:s8] =	ssyncset.done $0x0  }
0x4e: {  	[sflag:s8] =	ssyncadd.s32 $0xFFFFC000  }
0x4f: {  	_ =	swait.ge [sflag:s16], $0x4000  }
0x50: {  	[sflag:s16] =	ssyncset.done $0x0  }
0x51: {  	[sflag:s16] =	ssyncadd.s32 $0xFFFFC000  }
0x52: {  	[tilespmem:s10], [sflag:$0x2] =	stream.linear.gather [hbm4b:s17+s3], $0x4000, $0x38;
	[tilespmem:$0x18280] =	vst v63  }
0x53: {  	_ = 	snop  }
0x54: {  	[spmem:s2] =	stream.indirect.scatter.add.f32 [tilespmem:s14], [sflag:$0x4], $0x80, s18, s15, $0xb8;
	[tilespmem:$0x18280] =	vst v63  }
0x55: {  	_ =	swait.ge [sflag:s8], $0x4000  }
0x56: {  	[sflag:s8] =	ssyncset.done $0x0  }
0x57: {  	[sflag:s8] =	ssyncadd.s32 $0xFFFFC000  }
0x58: {  	_ =	swait.ge [sflag:s12], $0x4000  }
0x59: {  	[sflag:s12] =	ssyncset.done $0x0  }
0x5a: {  	[sflag:s12] =	ssyncadd.s32 $0xFFFFC000  }
0x5b: {  	[tilespmem:s14], [sflag:$0x3] =	stream.linear.gather [hbm4b:s19+s3], $0x4000, $0x38;
	[tilespmem:$0x18280] =	vst v63  }
0x5c: {  	_ = 	snop  }
0x5d: {  	[spmem:s2] =	stream.indirect.scatter.add.f32 [tilespmem:s10], [sflag:$0x4], $0x80, s20, s15, $0xb8;
	[tilespmem:$0x18280] =	vst v63  }
0x5e: {  	_ =	swait.ge [sflag:s8], $0x4000  }
0x5f: {  	[sflag:s8] =	ssyncset.done $0x0  }
0x60: {  	[sflag:s8] =	ssyncadd.s32 $0xFFFFC000  }
0x61: {  	_ =	swait.ge [sflag:s16], $0x4000  }
0x62: {  	[sflag:s16] =	ssyncset.done $0x0  }
0x63: {  	[sflag:s16] =	ssyncadd.s32 $0xFFFFC000  }
0x64: {  	[spmem:s2] =	stream.indirect.scatter.add.f32 [tilespmem:s14], [sflag:$0x4], $0x80, s21, s15, $0xb8;
	[tilespmem:$0x18280] =	vst v63  }
0x65: {  	_ =	swait.ge [sflag:s8], $0x4000  }
0x66: {  	[sflag:s8] =	ssyncset.done $0x0  }
.Ltmp1:
0x67: {  	[sflag:s8] =	ssyncadd.s32 $0xFFFFC000;
	(pc) =	sbr.rel @p0 .LBB2_1-.Ltmp1, $4  }
0x68: {  	[bflag:$0x0] =	sbarrier.arrive $0xFFFF  }
0x69: {  	[hbm:s22], [sflag:s23] =	dma.local [spmem:s7], $0x2000  }
0x6a: {  	_ =	swait.ge [sflag:s8], $0x2000  }
0x6b: {  	[sflag:s8] =	ssyncset.done $0x0  }
.LBB2_2:
0x6c: {  	[sflag:s8] =	ssyncadd.s32 $0xFFFFE000  }
0x6d: {  	_ =	sfence.sel $0x180000  }
0x6e: {  	[bflag:$0x0] =	sbarrier.arrive $0xFFFF  }
0x6f: {  	p0 =	sne.s32 s1, $0x0;
	_ =	strace $0x90000050  }
0x70: {  	s0 =	sadd.s32 @!p0 $0x100000, s0;
	[bflag:$0x2] =	sbarrier.arrive $0xFFFF  }
0x71: {  	[sflag:s0] =	ssyncadd.tile.s32 @!p0 $0x1;
	_ =	shalt  }
.Lfunc_end2:
_tile_overlayer_lowered:
.L_overlay_start_2:
0x72: {  	(tag) =	ssettag $0x2  }
0x73: {  	s0 =	rddreg [dreg:$0x0];
	s2 =	stileid.u32  }
0x74: {  	s1 =	rddreg [dreg:$0x1];
	p0 =	sne.s32 s2, $0x0  }
0x75: {  	s3 =	rddreg [dreg:$0x2];
	[bflag:$0x3] =	sbarrier.arrive $0xFFFF;
	s2 =	simm.s32 @!p0 $0x1C04  }
0x76: {  	[timem:s3], [sflag:s2] =	dma.local @!p0 [hbm:s0], s1  }
0x77: {  	s0 =	simm.s32 @!p0 $0x4  }
0x78: {  	_ =	swait.ge @!p0 [sflag:s0], s1  }
0x79: {  	s1 =	ssub.s32 @!p0 $0x0, s1;
	[sflag:s0] =	ssyncset.done @!p0 $0x0  }
0x7a: {  	[sflag:s0] =	ssyncadd.s32 @!p0 s1  }
0x7b: {  	[bflag:$0x3] =	sbarrier.arrive $0xFFFF  }
0x7c: {  	_ =	shalt  }

</sc_bundles>
